<compile_context>
chip_gen: v7x
topology: tpu7x:2x2x1
jax: 0.10.2.dev20260603
libtpu: 0.0.44.dev20260713+nightly
codegen_flags: <defaults>
</compile_context>

<pallas_src>
import jax
import jax.numpy as jnp
from jax import lax
from jax.experimental import pallas as pl
from jax.experimental.pallas import tpu as pltpu
from jax.experimental.pallas import tpu_sc as plsc

N_ROWS = 16384
N_COLS = 4096
N_IDX = 2048

NC = 2
NS = 16
NW = NC * NS
L = 16

ROWS_PER_W = N_ROWS // NW
C = 8
NBLK = ROWS_PER_W // C
NSB = NBLK // 2
CHUNKS = N_IDX // L
UNROLL = 8


def _sc_gather_body(x_hbm, d_hbm, out_hbm,
                    x0, x1, d0, d1, o0, si0, si1, so0):
    wid = lax.axis_index("s") * NC + lax.axis_index("c")
    row_base = wid * ROWS_PER_W

    def start_in(blk, xb, db, sem):
        r0 = row_base + blk * C
        pltpu.async_copy(x_hbm.at[pl.ds(r0, C)], xb, sem)
        pltpu.async_copy(d_hbm.at[pl.ds(r0, C)], db, sem)

    def wait_in(xb, db, sem):
        pltpu.make_async_copy(x_hbm.at[pl.ds(0, C)], xb, sem).wait()
        pltpu.make_async_copy(d_hbm.at[pl.ds(0, C)], db, sem).wait()

    def start_out(blk, ob, sem):
        r0 = row_base + blk * C
        pltpu.async_copy(ob, out_hbm.at[pl.ds(r0, C)], sem)

    def wait_out(ob, sem):
        pltpu.make_async_copy(ob, out_hbm.at[pl.ds(0, C)], sem).wait()

    col0 = lax.iota(jnp.int32, L)

    def gather(xb, db, ob):
        for r in range(C):
            row_ids = jnp.full((L,), r, jnp.int32)

            @plsc.parallel_loop(0, CHUNKS, unroll=UNROLL)
            def _chunk(jj, row_ids=row_ids, xb=xb, db=db, ob=ob):
                col = col0 + jj * L
                idx = plsc.load_gather(db, [row_ids, col])
                vals = plsc.load_gather(xb, [row_ids, idx])
                plsc.store_scatter(ob, [row_ids, col], vals)

    start_in(0, x0, d0, si0)

    def sb_body(sb, _):
        b0 = 2 * sb

        start_in(b0 + 1, x1, d1, si1)
        wait_in(x0, d0, si0)

        @pl.when(sb > 0)
        def _():
            wait_out(o0, so0)

        gather(x0, d0, o0)
        start_out(b0, o0, so0)

        @pl.when(sb < NSB - 1)
        def _():
            start_in(b0 + 2, x0, d0, si0)

        wait_in(x1, d1, si1)
        wait_out(o0, so0)
        gather(x1, d1, o0)
        start_out(b0 + 1, o0, so0)
        return 0

    lax.fori_loop(0, NSB, sb_body, 0)
    wait_out(o0, so0)


@jax.jit
def kernel(x, d):
    d32 = d.astype(jnp.int32)
    run = pl.kernel(
        _sc_gather_body,
        out_type=jax.ShapeDtypeStruct((N_ROWS, N_IDX), jnp.float32),
        mesh=plsc.VectorSubcoreMesh(core_axis_name="c", subcore_axis_name="s"),
        compiler_params=pltpu.CompilerParams(needs_layout_passes=False),
        scratch_types=[
            pltpu.VMEM((C, N_COLS), jnp.float32),
            pltpu.VMEM((C, N_COLS), jnp.float32),
            pltpu.VMEM((C, N_IDX), jnp.int32),
            pltpu.VMEM((C, N_IDX), jnp.int32),
            pltpu.VMEM((C, N_IDX), jnp.float32),
            pltpu.SemaphoreType.DMA,
            pltpu.SemaphoreType.DMA,
            pltpu.SemaphoreType.DMA,
        ],
    )
    return run(x, d32)

# --- scband reference (transcript-rebuilt; emitter-appended) ---
"""Pipeline reference for scband-identity-14207751815818 (READ-ONLY COPY).

The authoritative reference and input builder live on the scoring server;
editing this copy changes nothing except your own understanding.
"""

import jax, jax.numpy as jnp
import numpy as np

def setup_inputs(seed: int = 0) -> dict:
    key = jax.random.key(seed)
    k1, k2 = jax.random.split(key)
    x = jax.random.normal(k1, (16384, 4096), dtype=jnp.float32)
    d = jax.random.randint(k2, (16384, 2048), 0, 4096, dtype=jnp.int64)
    return {"x": x, "d": d}

def reference(x, d):
    # torch.gather(x, 1, d) == take_along_axis over axis 1
    return jnp.take_along_axis(x, d, axis=1)

if __name__ == "__main__":
    import jax
    _d = setup_inputs()
    print(jax.jit(kernel)(*tuple(_d.values())))

</pallas_src>

<mosaic_0001>
#map = affine_map<(d0, d1) -> (0, 0)>
module attributes {stable_mosaic.version = 14 : i64} {
  func.func @_sc_gather_body(%arg0: i32, %arg1: i32, %arg2: memref<16384x4096xf32, #tpu.memory_space<hbm>>, %arg3: memref<16384x2048xi32, #tpu.memory_space<hbm>>, %arg4: memref<16384x2048xf32, #tpu.memory_space<hbm>>, %arg5: memref<8x4096xf32, #tpu.memory_space<vmem>>, %arg6: memref<8x4096xf32, #tpu.memory_space<vmem>>, %arg7: memref<8x2048xi32, #tpu.memory_space<vmem>>, %arg8: memref<8x2048xi32, #tpu.memory_space<vmem>>, %arg9: memref<8x2048xf32, #tpu.memory_space<vmem>>, %arg10: memref<!tpu.dma_semaphore, #tpu.memory_space<semaphore_mem>>, %arg11: memref<!tpu.dma_semaphore, #tpu.memory_space<semaphore_mem>>, %arg12: memref<!tpu.dma_semaphore, #tpu.memory_space<semaphore_mem>>) attributes {dimension_semantics = [#tpu.dimension_semantics<core_parallel>, #tpu.dimension_semantics<subcore_parallel>], iteration_bounds = array<i64: 2, 16>, scalar_prefetch = 0 : i64, scratch_operands = 8 : i64, tpu.core_type = #tpu.core_type<sc_vector_subcore>, window_params = [{transform_indices = #map}, {transform_indices = #map}, {transform_indices = #map}]} {
    %mul3A = arith.constant 2 : i32
    %mul3A_0 = arith.muli %arg1, %mul3A : i32
    %add3A = arith.addi %mul3A_0, %arg0 : i32
    %mul3A_1 = arith.constant 512 : i32
    %mul3A_2 = arith.muli %add3A, %mul3A_1 : i32
    %iota3A = tpu.iota {dimensions = array<i32: 0>} : vector<16xi32>
    %add3A_3 = arith.constant 0 : i32
    %add3A_4 = arith.addi %mul3A_2, %add3A_3 : i32
    %dma_start3A = arith.constant 0 : i32
    %dma_start3A_5 = tpu.memref_slice %arg2[%add3A_4, %dma_start3A] : memref<16384x4096xf32, #tpu.memory_space<hbm>> -> memref<8x4096xf32, #tpu.memory_space<hbm>>
    %dma_start3A_6 = arith.constant 0 : i32
    %dma_start3A_7 = tpu.memref_slice %arg2[%add3A_4, %dma_start3A_6] : memref<16384x4096xf32, #tpu.memory_space<hbm>> -> memref<8x4096xf32, #tpu.memory_space<hbm>>
    tpu.enqueue_dma source(%dma_start3A_7 : memref<8x4096xf32, #tpu.memory_space<hbm>>) target(%arg5 : memref<8x4096xf32, #tpu.memory_space<vmem>>) target_semaphore(%arg10 : memref<!tpu.dma_semaphore, #tpu.memory_space<semaphore_mem>>)
    %dma_start3A_8 = arith.constant 0 : i32
    %dma_start3A_9 = tpu.memref_slice %arg3[%add3A_4, %dma_start3A_8] : memref<16384x2048xi32, #tpu.memory_space<hbm>> -> memref<8x2048xi32, #tpu.memory_space<hbm>>
    %dma_start3A_10 = arith.constant 0 : i32
    %dma_start3A_11 = tpu.memref_slice %arg3[%add3A_4, %dma_start3A_10] : memref<16384x2048xi32, #tpu.memory_space<hbm>> -> memref<8x2048xi32, #tpu.memory_space<hbm>>
    tpu.enqueue_dma source(%dma_start3A_11 : memref<8x2048xi32, #tpu.memory_space<hbm>>) target(%arg7 : memref<8x2048xi32, #tpu.memory_space<vmem>>) target_semaphore(%arg10 : memref<!tpu.dma_semaphore, #tpu.memory_space<semaphore_mem>>)
    %scan3A = arith.constant 0 : i32
    %scan3A_12 = arith.constant 0 : i32
    %scan3A_13 = arith.constant 32 : i32
    %scan3A_14 = arith.addi %scan3A_12, %scan3A_13 : i32
    %scan3A_15 = arith.constant 1 : i32
    %scan3A_16 = scf.for %scan3A_23 = %scan3A_12 to %scan3A_14 step %scan3A_15 iter_args(%scan3A_24 = %scan3A) -> (i32)  : i32 {
      %mul3A_25 = arith.constant 2 : i32
      %mul3A_26 = arith.muli %mul3A_25, %scan3A_23 : i32
      %add3A_27 = arith.constant 1 : i32
      %add3A_28 = arith.addi %mul3A_26, %add3A_27 : i32
      %mul3A_29 = arith.constant 8 : i32
      %mul3A_30 = arith.muli %add3A_28, %mul3A_29 : i32
      %add3A_31 = arith.addi %mul3A_2, %mul3A_30 : i32
      %dma_start3A_32 = arith.constant 0 : i32
      %dma_start3A_33 = tpu.memref_slice %arg2[%add3A_31, %dma_start3A_32] : memref<16384x4096xf32, #tpu.memory_space<hbm>> -> memref<8x4096xf32, #tpu.memory_space<hbm>>
      %dma_start3A_34 = arith.constant 0 : i32
      %dma_start3A_35 = tpu.memref_slice %arg2[%add3A_31, %dma_start3A_34] : memref<16384x4096xf32, #tpu.memory_space<hbm>> -> memref<8x4096xf32, #tpu.memory_space<hbm>>
      tpu.enqueue_dma source(%dma_start3A_35 : memref<8x4096xf32, #tpu.memory_space<hbm>>) target(%arg6 : memref<8x4096xf32, #tpu.memory_space<vmem>>) target_semaphore(%arg11 : memref<!tpu.dma_semaphore, #tpu.memory_space<semaphore_mem>>)
      %dma_start3A_36 = arith.constant 0 : i32
      %dma_start3A_37 = tpu.memref_slice %arg3[%add3A_31, %dma_start3A_36] : memref<16384x2048xi32, #tpu.memory_space<hbm>> -> memref<8x2048xi32, #tpu.memory_space<hbm>>
      %dma_start3A_38 = arith.constant 0 : i32
      %dma_start3A_39 = tpu.memref_slice %arg3[%add3A_31, %dma_start3A_38] : memref<16384x2048xi32, #tpu.memory_space<hbm>> -> memref<8x2048xi32, #tpu.memory_space<hbm>>
      tpu.enqueue_dma source(%dma_start3A_39 : memref<8x2048xi32, #tpu.memory_space<hbm>>) target(%arg8 : memref<8x2048xi32, #tpu.memory_space<vmem>>) target_semaphore(%arg11 : memref<!tpu.dma_semaphore, #tpu.memory_space<semaphore_mem>>)
      %dma_wait3A_40 = arith.constant 0 : i32
      %dma_wait3A_41 = arith.constant 0 : i32
      %dma_wait3A_42 = tpu.memref_slice %arg2[%dma_wait3A_40, %dma_wait3A_41] : memref<16384x4096xf32, #tpu.memory_space<hbm>> -> memref<8x4096xf32, #tpu.memory_space<hbm>>
      %dma_wait3A_43 = arith.constant 0 : i32
      %dma_wait3A_44 = arith.constant 0 : i32
      %dma_wait3A_45 = tpu.memref_slice %arg2[%dma_wait3A_43, %dma_wait3A_44] : memref<16384x4096xf32, #tpu.memory_space<hbm>> -> memref<8x4096xf32, #tpu.memory_space<hbm>>
      tpu.wait_dma2 semaphore(%arg10 : memref<!tpu.dma_semaphore, #tpu.memory_space<semaphore_mem>>) src(%dma_wait3A_45 : memref<8x4096xf32, #tpu.memory_space<hbm>>) dst(%arg5 : memref<8x4096xf32, #tpu.memory_space<vmem>>)
      %dma_wait3A_46 = arith.constant 0 : i32
      %dma_wait3A_47 = arith.constant 0 : i32
      %dma_wait3A_48 = tpu.memref_slice %arg3[%dma_wait3A_46, %dma_wait3A_47] : memref<16384x2048xi32, #tpu.memory_space<hbm>> -> memref<8x2048xi32, #tpu.memory_space<hbm>>
      %dma_wait3A_49 = arith.constant 0 : i32
      %dma_wait3A_50 = arith.constant 0 : i32
      %dma_wait3A_51 = tpu.memref_slice %arg3[%dma_wait3A_49, %dma_wait3A_50] : memref<16384x2048xi32, #tpu.memory_space<hbm>> -> memref<8x2048xi32, #tpu.memory_space<hbm>>
      tpu.wait_dma2 semaphore(%arg10 : memref<!tpu.dma_semaphore, #tpu.memory_space<semaphore_mem>>) src(%dma_wait3A_51 : memref<8x2048xi32, #tpu.memory_space<hbm>>) dst(%arg7 : memref<8x2048xi32, #tpu.memory_space<vmem>>)
      %gt3A = arith.constant 0 : i32
      %gt3A_52 = arith.cmpi sgt, %scan3A_23, %gt3A : i32
      %convert_element_type3A = arith.extui %gt3A_52 : i1 to i32
      %cond3A = arith.constant 0 : i32
      %cond3A_53 = arith.cmpi ne, %convert_element_type3A, %cond3A : i32
      scf.if %cond3A_53 {
        %dma_wait3A_171 = arith.constant 0 : i32
        %dma_wait3A_172 = arith.constant 0 : i32
        %dma_wait3A_173 = tpu.memref_slice %arg4[%dma_wait3A_171, %dma_wait3A_172] : memref<16384x2048xf32, #tpu.memory_space<hbm>> -> memref<8x2048xf32, #tpu.memory_space<hbm>>
        %dma_wait3A_174 = arith.constant 0 : i32
        %dma_wait3A_175 = arith.constant 0 : i32
        %dma_wait3A_176 = tpu.memref_slice %arg4[%dma_wait3A_174, %dma_wait3A_175] : memref<16384x2048xf32, #tpu.memory_space<hbm>> -> memref<8x2048xf32, #tpu.memory_space<hbm>>
        tpu.wait_dma2 semaphore(%arg12 : memref<!tpu.dma_semaphore, #tpu.memory_space<semaphore_mem>>) src(%arg9 : memref<8x2048xf32, #tpu.memory_space<vmem>>) dst(%dma_wait3A_176 : memref<8x2048xf32, #tpu.memory_space<hbm>>)
      } else {
      }
      %broadcast_in_dim3A = arith.constant 0 : i32
      %broadcast_in_dim3A_54 = vector.broadcast %broadcast_in_dim3A : i32 to vector<16xi32>
      %parallel_loop3A = arith.constant 0 : i32
      %parallel_loop3A_55 = arith.constant 128 : i32
      %parallel_loop3A_56 = arith.constant 1 : i32
      scf.for %parallel_loop3A_171 = %parallel_loop3A to %parallel_loop3A_55 step %parallel_loop3A_56  : i32 {
        %parallel_loop3A_172 = arith.constant 16 : i32
        %parallel_loop3A_173 = arith.muli %parallel_loop3A_171, %parallel_loop3A_172 : i32
        %parallel_loop3A_174 = vector.broadcast %parallel_loop3A_173 : i32 to vector<16xi32>
        %parallel_loop3A_175 = arith.addi %iota3A, %parallel_loop3A_174 : vector<16xi32>
        %parallel_loop3A_176 = tpu.vector_load_idx %arg7[%broadcast_in_dim3A_54, %parallel_loop3A_175] : memref<8x2048xi32, #tpu.memory_space<vmem>>[vector<16xi32>, vector<16xi32>], vector<16xi32>,
        %parallel_loop3A_177 = tpu.vector_load_idx %arg5[%broadcast_in_dim3A_54, %parallel_loop3A_176] : memref<8x4096xf32, #tpu.memory_space<vmem>>[vector<16xi32>, vector<16xi32>], vector<16xf32>,
        tpu.vector_store_idx %arg9[%broadcast_in_dim3A_54, %parallel_loop3A_175], %parallel_loop3A_177 : memref<8x2048xf32, #tpu.memory_space<vmem>>[vector<16xi32>, vector<16xi32>], vector<16xf32>,
      } {sc.loop_unroll_factor = 8 : i64, sc.parallel_access}
      %broadcast_in_dim3A_57 = arith.constant 1 : i32
      %broadcast_in_dim3A_58 = vector.broadcast %broadcast_in_dim3A_57 : i32 to vector<16xi32>
      %parallel_loop3A_59 = arith.constant 0 : i32
      %parallel_loop3A_60 = arith.constant 128 : i32
      %parallel_loop3A_61 = arith.constant 1 : i32
      scf.for %parallel_loop3A_171 = %parallel_loop3A_59 to %parallel_loop3A_60 step %parallel_loop3A_61  : i32 {
        %parallel_loop3A_172 = arith.constant 16 : i32
        %parallel_loop3A_173 = arith.muli %parallel_loop3A_171, %parallel_loop3A_172 : i32
        %parallel_loop3A_174 = vector.broadcast %parallel_loop3A_173 : i32 to vector<16xi32>
        %parallel_loop3A_175 = arith.addi %iota3A, %parallel_loop3A_174 : vector<16xi32>
        %parallel_loop3A_176 = tpu.vector_load_idx %arg7[%broadcast_in_dim3A_58, %parallel_loop3A_175] : memref<8x2048xi32, #tpu.memory_space<vmem>>[vector<16xi32>, vector<16xi32>], vector<16xi32>,
        %parallel_loop3A_177 = tpu.vector_load_idx %arg5[%broadcast_in_dim3A_58, %parallel_loop3A_176] : memref<8x4096xf32, #tpu.memory_space<vmem>>[vector<16xi32>, vector<16xi32>], vector<16xf32>,
        tpu.vector_store_idx %arg9[%broadcast_in_dim3A_58, %parallel_loop3A_175], %parallel_loop3A_177 : memref<8x2048xf32, #tpu.memory_space<vmem>>[vector<16xi32>, vector<16xi32>], vector<16xf32>,
      } {sc.loop_unroll_factor = 8 : i64, sc.parallel_access}
      %broadcast_in_dim3A_62 = arith.constant 2 : i32
      %broadcast_in_dim3A_63 = vector.broadcast %broadcast_in_dim3A_62 : i32 to vector<16xi32>
      %parallel_loop3A_64 = arith.constant 0 : i32
      %parallel_loop3A_65 = arith.constant 128 : i32
      %parallel_loop3A_66 = arith.constant 1 : i32
      scf.for %parallel_loop3A_171 = %parallel_loop3A_64 to %parallel_loop3A_65 step %parallel_loop3A_66  : i32 {
        %parallel_loop3A_172 = arith.constant 16 : i32
        %parallel_loop3A_173 = arith.muli %parallel_loop3A_171, %parallel_loop3A_172 : i32
        %parallel_loop3A_174 = vector.broadcast %parallel_loop3A_173 : i32 to vector<16xi32>
        %parallel_loop3A_175 = arith.addi %iota3A, %parallel_loop3A_174 : vector<16xi32>
        %parallel_loop3A_176 = tpu.vector_load_idx %arg7[%broadcast_in_dim3A_63, %parallel_loop3A_175] : memref<8x2048xi32, #tpu.memory_space<vmem>>[vector<16xi32>, vector<16xi32>], vector<16xi32>,
        %parallel_loop3A_177 = tpu.vector_load_idx %arg5[%broadcast_in_dim3A_63, %parallel_loop3A_176] : memref<8x4096xf32, #tpu.memory_space<vmem>>[vector<16xi32>, vector<16xi32>], vector<16xf32>,
        tpu.vector_store_idx %arg9[%broadcast_in_dim3A_63, %parallel_loop3A_175], %parallel_loop3A_177 : memref<8x2048xf32, #tpu.memory_space<vmem>>[vector<16xi32>, vector<16xi32>], vector<16xf32>,
      } {sc.loop_unroll_factor = 8 : i64, sc.parallel_access}
      %broadcast_in_dim3A_67 = arith.constant 3 : i32
      %broadcast_in_dim3A_68 = vector.broadcast %broadcast_in_dim3A_67 : i32 to vector<16xi32>
      %parallel_loop3A_69 = arith.constant 0 : i32
      %parallel_loop3A_70 = arith.constant 128 : i32
      %parallel_loop3A_71 = arith.constant 1 : i32
      scf.for %parallel_loop3A_171 = %parallel_loop3A_69 to %parallel_loop3A_70 step %parallel_loop3A_71  : i32 {
        %parallel_loop3A_172 = arith.constant 16 : i32
        %parallel_loop3A_173 = arith.muli %parallel_loop3A_171, %parallel_loop3A_172 : i32
        %parallel_loop3A_174 = vector.broadcast %parallel_loop3A_173 : i32 to vector<16xi32>
        %parallel_loop3A_175 = arith.addi %iota3A, %parallel_loop3A_174 : vector<16xi32>
        %parallel_loop3A_176 = tpu.vector_load_idx %arg7[%broadcast_in_dim3A_68, %parallel_loop3A_175] : memref<8x2048xi32, #tpu.memory_space<vmem>>[vector<16xi32>, vector<16xi32>], vector<16xi32>,
        %parallel_loop3A_177 = tpu.vector_load_idx %arg5[%broadcast_in_dim3A_68, %parallel_loop3A_176] : memref<8x4096xf32, #tpu.memory_space<vmem>>[vector<16xi32>, vector<16xi32>], vector<16xf32>,
        tpu.vector_store_idx %arg9[%broadcast_in_dim3A_68, %parallel_loop3A_175], %parallel_loop3A_177 : memref<8x2048xf32, #tpu.memory_space<vmem>>[vector<16xi32>, vector<16xi32>], vector<16xf32>,
      } {sc.loop_unroll_factor = 8 : i64, sc.parallel_access}
      %broadcast_in_dim3A_72 = arith.constant 4 : i32
      %broadcast_in_dim3A_73 = vector.broadcast %broadcast_in_dim3A_72 : i32 to vector<16xi32>
      %parallel_loop3A_74 = arith.constant 0 : i32
      %parallel_loop3A_75 = arith.constant 128 : i32
      %parallel_loop3A_76 = arith.constant 1 : i32
      scf.for %parallel_loop3A_171 = %parallel_loop3A_74 to %parallel_loop3A_75 step %parallel_loop3A_76  : i32 {
        %parallel_loop3A_172 = arith.constant 16 : i32
        %parallel_loop3A_173 = arith.muli %parallel_loop3A_171, %parallel_loop3A_172 : i32
        %parallel_loop3A_174 = vector.broadcast %parallel_loop3A_173 : i32 to vector<16xi32>
        %parallel_loop3A_175 = arith.addi %iota3A, %parallel_loop3A_174 : vector<16xi32>
        %parallel_loop3A_176 = tpu.vector_load_idx %arg7[%broadcast_in_dim3A_73, %parallel_loop3A_175] : memref<8x2048xi32, #tpu.memory_space<vmem>>[vector<16xi32>, vector<16xi32>], vector<16xi32>,
        %parallel_loop3A_177 = tpu.vector_load_idx %arg5[%broadcast_in_dim3A_73, %parallel_loop3A_176] : memref<8x4096xf32, #tpu.memory_space<vmem>>[vector<16xi32>, vector<16xi32>], vector<16xf32>,
        tpu.vector_store_idx %arg9[%broadcast_in_dim3A_73, %parallel_loop3A_175], %parallel_loop3A_177 : memref<8x2048xf32, #tpu.memory_space<vmem>>[vector<16xi32>, vector<16xi32>], vector<16xf32>,
      } {sc.loop_unroll_factor = 8 : i64, sc.parallel_access}
      %broadcast_in_dim3A_77 = arith.constant 5 : i32
      %broadcast_in_dim3A_78 = vector.broadcast %broadcast_in_dim3A_77 : i32 to vector<16xi32>
      %parallel_loop3A_79 = arith.constant 0 : i32
      %parallel_loop3A_80 = arith.constant 128 : i32
      %parallel_loop3A_81 = arith.constant 1 : i32
      scf.for %parallel_loop3A_171 = %parallel_loop3A_79 to %parallel_loop3A_80 step %parallel_loop3A_81  : i32 {
        %parallel_loop3A_172 = arith.constant 16 : i32
        %parallel_loop3A_173 = arith.muli %parallel_loop3A_171, %parallel_loop3A_172 : i32
        %parallel_loop3A_174 = vector.broadcast %parallel_loop3A_173 : i32 to vector<16xi32>
        %parallel_loop3A_175 = arith.addi %iota3A, %parallel_loop3A_174 : vector<16xi32>
        %parallel_loop3A_176 = tpu.vector_load_idx %arg7[%broadcast_in_dim3A_78, %parallel_loop3A_175] : memref<8x2048xi32, #tpu.memory_space<vmem>>[vector<16xi32>, vector<16xi32>], vector<16xi32>,
        %parallel_loop3A_177 = tpu.vector_load_idx %arg5[%broadcast_in_dim3A_78, %parallel_loop3A_176] : memref<8x4096xf32, #tpu.memory_space<vmem>>[vector<16xi32>, vector<16xi32>], vector<16xf32>,
        tpu.vector_store_idx %arg9[%broadcast_in_dim3A_78, %parallel_loop3A_175], %parallel_loop3A_177 : memref<8x2048xf32, #tpu.memory_space<vmem>>[vector<16xi32>, vector<16xi32>], vector<16xf32>,
      } {sc.loop_unroll_factor = 8 : i64, sc.parallel_access}
      %broadcast_in_dim3A_82 = arith.constant 6 : i32
      %broadcast_in_dim3A_83 = vector.broadcast %broadcast_in_dim3A_82 : i32 to vector<16xi32>
      %parallel_loop3A_84 = arith.constant 0 : i32
      %parallel_loop3A_85 = arith.constant 128 : i32
      %parallel_loop3A_86 = arith.constant 1 : i32
      scf.for %parallel_loop3A_171 = %parallel_loop3A_84 to %parallel_loop3A_85 step %parallel_loop3A_86  : i32 {
        %parallel_loop3A_172 = arith.constant 16 : i32
        %parallel_loop3A_173 = arith.muli %parallel_loop3A_171, %parallel_loop3A_172 : i32
        %parallel_loop3A_174 = vector.broadcast %parallel_loop3A_173 : i32 to vector<16xi32>
        %parallel_loop3A_175 = arith.addi %iota3A, %parallel_loop3A_174 : vector<16xi32>
        %parallel_loop3A_176 = tpu.vector_load_idx %arg7[%broadcast_in_dim3A_83, %parallel_loop3A_175] : memref<8x2048xi32, #tpu.memory_space<vmem>>[vector<16xi32>, vector<16xi32>], vector<16xi32>,
        %parallel_loop3A_177 = tpu.vector_load_idx %arg5[%broadcast_in_dim3A_83, %parallel_loop3A_176] : memref<8x4096xf32, #tpu.memory_space<vmem>>[vector<16xi32>, vector<16xi32>], vector<16xf32>,
        tpu.vector_store_idx %arg9[%broadcast_in_dim3A_83, %parallel_loop3A_175], %parallel_loop3A_177 : memref<8x2048xf32, #tpu.memory_space<vmem>>[vector<16xi32>, vector<16xi32>], vector<16xf32>,
      } {sc.loop_unroll_factor = 8 : i64, sc.parallel_access}
      %broadcast_in_dim3A_87 = arith.constant 7 : i32
      %broadcast_in_dim3A_88 = vector.broadcast %broadcast_in_dim3A_87 : i32 to vector<16xi32>
      %parallel_loop3A_89 = arith.constant 0 : i32
      %parallel_loop3A_90 = arith.constant 128 : i32
      %parallel_loop3A_91 = arith.constant 1 : i32
      scf.for %parallel_loop3A_171 = %parallel_loop3A_89 to %parallel_loop3A_90 step %parallel_loop3A_91  : i32 {
        %parallel_loop3A_172 = arith.constant 16 : i32
        %parallel_loop3A_173 = arith.muli %parallel_loop3A_171, %parallel_loop3A_172 : i32
        %parallel_loop3A_174 = vector.broadcast %parallel_loop3A_173 : i32 to vector<16xi32>
        %parallel_loop3A_175 = arith.addi %iota3A, %parallel_loop3A_174 : vector<16xi32>
        %parallel_loop3A_176 = tpu.vector_load_idx %arg7[%broadcast_in_dim3A_88, %parallel_loop3A_175] : memref<8x2048xi32, #tpu.memory_space<vmem>>[vector<16xi32>, vector<16xi32>], vector<16xi32>,
        %parallel_loop3A_177 = tpu.vector_load_idx %arg5[%broadcast_in_dim3A_88, %parallel_loop3A_176] : memref<8x4096xf32, #tpu.memory_space<vmem>>[vector<16xi32>, vector<16xi32>], vector<16xf32>,
        tpu.vector_store_idx %arg9[%broadcast_in_dim3A_88, %parallel_loop3A_175], %parallel_loop3A_177 : memref<8x2048xf32, #tpu.memory_space<vmem>>[vector<16xi32>, vector<16xi32>], vector<16xf32>,
      } {sc.loop_unroll_factor = 8 : i64, sc.parallel_access}
      %mul3A_92 = arith.constant 8 : i32
      %mul3A_93 = arith.muli %mul3A_26, %mul3A_92 : i32
      %add3A_94 = arith.addi %mul3A_2, %mul3A_93 : i32
      %dma_start3A_95 = arith.constant 0 : i32
      %dma_start3A_96 = tpu.memref_slice %arg4[%add3A_94, %dma_start3A_95] : memref<16384x2048xf32, #tpu.memory_space<hbm>> -> memref<8x2048xf32, #tpu.memory_space<hbm>>
      %dma_start3A_97 = arith.constant 0 : i32
      %dma_start3A_98 = tpu.memref_slice %arg4[%add3A_94, %dma_start3A_97] : memref<16384x2048xf32, #tpu.memory_space<hbm>> -> memref<8x2048xf32, #tpu.memory_space<hbm>>
      tpu.enqueue_dma source(%arg9 : memref<8x2048xf32, #tpu.memory_space<vmem>>) target(%dma_start3A_98 : memref<8x2048xf32, #tpu.memory_space<hbm>>) target_semaphore(%arg12 : memref<!tpu.dma_semaphore, #tpu.memory_space<semaphore_mem>>)
      %lt3A = arith.constant 31 : i32
      %lt3A_99 = arith.cmpi slt, %scan3A_23, %lt3A : i32
      %convert_element_type3A_100 = arith.extui %lt3A_99 : i1 to i32
      %cond3A_101 = arith.constant 0 : i32
      %cond3A_102 = arith.cmpi ne, %convert_element_type3A_100, %cond3A_101 : i32
      scf.if %cond3A_102 {
        %add3A_171 = arith.constant 2 : i32
        %add3A_172 = arith.addi %mul3A_26, %add3A_171 : i32
        %mul3A_173 = arith.constant 8 : i32
        %mul3A_174 = arith.muli %add3A_172, %mul3A_173 : i32
        %add3A_175 = arith.addi %mul3A_2, %mul3A_174 : i32
        %dma_start3A_176 = arith.constant 0 : i32
        %dma_start3A_177 = tpu.memref_slice %arg2[%add3A_175, %dma_start3A_176] : memref<16384x4096xf32, #tpu.memory_space<hbm>> -> memref<8x4096xf32, #tpu.memory_space<hbm>>
        %dma_start3A_178 = arith.constant 0 : i32
        %dma_start3A_179 = tpu.memref_slice %arg2[%add3A_175, %dma_start3A_178] : memref<16384x4096xf32, #tpu.memory_space<hbm>> -> memref<8x4096xf32, #tpu.memory_space<hbm>>
        tpu.enqueue_dma source(%dma_start3A_179 : memref<8x4096xf32, #tpu.memory_space<hbm>>) target(%arg5 : memref<8x4096xf32, #tpu.memory_space<vmem>>) target_semaphore(%arg10 : memref<!tpu.dma_semaphore, #tpu.memory_space<semaphore_mem>>)
        %dma_start3A_180 = arith.constant 0 : i32
        %dma_start3A_181 = tpu.memref_slice %arg3[%add3A_175, %dma_start3A_180] : memref<16384x2048xi32, #tpu.memory_space<hbm>> -> memref<8x2048xi32, #tpu.memory_space<hbm>>
        %dma_start3A_182 = arith.constant 0 : i32
        %dma_start3A_183 = tpu.memref_slice %arg3[%add3A_175, %dma_start3A_182] : memref<16384x2048xi32, #tpu.memory_space<hbm>> -> memref<8x2048xi32, #tpu.memory_space<hbm>>
        tpu.enqueue_dma source(%dma_start3A_183 : memref<8x2048xi32, #tpu.memory_space<hbm>>) target(%arg7 : memref<8x2048xi32, #tpu.memory_space<vmem>>) target_semaphore(%arg10 : memref<!tpu.dma_semaphore, #tpu.memory_space<semaphore_mem>>)
      } else {
      }
      %dma_wait3A_103 = arith.constant 0 : i32
      %dma_wait3A_104 = arith.constant 0 : i32
      %dma_wait3A_105 = tpu.memref_slice %arg2[%dma_wait3A_103, %dma_wait3A_104] : memref<16384x4096xf32, #tpu.memory_space<hbm>> -> memref<8x4096xf32, #tpu.memory_space<hbm>>
      %dma_wait3A_106 = arith.constant 0 : i32
      %dma_wait3A_107 = arith.constant 0 : i32
      %dma_wait3A_108 = tpu.memref_slice %arg2[%dma_wait3A_106, %dma_wait3A_107] : memref<16384x4096xf32, #tpu.memory_space<hbm>> -> memref<8x4096xf32, #tpu.memory_space<hbm>>
      tpu.wait_dma2 semaphore(%arg11 : memref<!tpu.dma_semaphore, #tpu.memory_space<semaphore_mem>>) src(%dma_wait3A_108 : memref<8x4096xf32, #tpu.memory_space<hbm>>) dst(%arg6 : memref<8x4096xf32, #tpu.memory_space<vmem>>)
      %dma_wait3A_109 = arith.constant 0 : i32
      %dma_wait3A_110 = arith.constant 0 : i32
      %dma_wait3A_111 = tpu.memref_slice %arg3[%dma_wait3A_109, %dma_wait3A_110] : memref<16384x2048xi32, #tpu.memory_space<hbm>> -> memref<8x2048xi32, #tpu.memory_space<hbm>>
      %dma_wait3A_112 = arith.constant 0 : i32
      %dma_wait3A_113 = arith.constant 0 : i32
      %dma_wait3A_114 = tpu.memref_slice %arg3[%dma_wait3A_112, %dma_wait3A_113] : memref<16384x2048xi32, #tpu.memory_space<hbm>> -> memref<8x2048xi32, #tpu.memory_space<hbm>>
      tpu.wait_dma2 semaphore(%arg11 : memref<!tpu.dma_semaphore, #tpu.memory_space<semaphore_mem>>) src(%dma_wait3A_114 : memref<8x2048xi32, #tpu.memory_space<hbm>>) dst(%arg8 : memref<8x2048xi32, #tpu.memory_space<vmem>>)
      %dma_wait3A_115 = arith.constant 0 : i32
      %dma_wait3A_116 = arith.constant 0 : i32
      %dma_wait3A_117 = tpu.memref_slice %arg4[%dma_wait3A_115, %dma_wait3A_116] : memref<16384x2048xf32, #tpu.memory_space<hbm>> -> memref<8x2048xf32, #tpu.memory_space<hbm>>
      %dma_wait3A_118 = arith.constant 0 : i32
      %dma_wait3A_119 = arith.constant 0 : i32
      %dma_wait3A_120 = tpu.memref_slice %arg4[%dma_wait3A_118, %dma_wait3A_119] : memref<16384x2048xf32, #tpu.memory_space<hbm>> -> memref<8x2048xf32, #tpu.memory_space<hbm>>
      tpu.wait_dma2 semaphore(%arg12 : memref<!tpu.dma_semaphore, #tpu.memory_space<semaphore_mem>>) src(%arg9 : memref<8x2048xf32, #tpu.memory_space<vmem>>) dst(%dma_wait3A_120 : memref<8x2048xf32, #tpu.memory_space<hbm>>)
      %broadcast_in_dim3A_121 = arith.constant 0 : i32
      %broadcast_in_dim3A_122 = vector.broadcast %broadcast_in_dim3A_121 : i32 to vector<16xi32>
      %parallel_loop3A_123 = arith.constant 0 : i32
      %parallel_loop3A_124 = arith.constant 128 : i32
      %parallel_loop3A_125 = arith.constant 1 : i32
      scf.for %parallel_loop3A_171 = %parallel_loop3A_123 to %parallel_loop3A_124 step %parallel_loop3A_125  : i32 {
        %parallel_loop3A_172 = arith.constant 16 : i32
        %parallel_loop3A_173 = arith.muli %parallel_loop3A_171, %parallel_loop3A_172 : i32
        %parallel_loop3A_174 = vector.broadcast %parallel_loop3A_173 : i32 to vector<16xi32>
        %parallel_loop3A_175 = arith.addi %iota3A, %parallel_loop3A_174 : vector<16xi32>
        %parallel_loop3A_176 = tpu.vector_load_idx %arg8[%broadcast_in_dim3A_122, %parallel_loop3A_175] : memref<8x2048xi32, #tpu.memory_space<vmem>>[vector<16xi32>, vector<16xi32>], vector<16xi32>,
        %parallel_loop3A_177 = tpu.vector_load_idx %arg6[%broadcast_in_dim3A_122, %parallel_loop3A_176] : memref<8x4096xf32, #tpu.memory_space<vmem>>[vector<16xi32>, vector<16xi32>], vector<16xf32>,
        tpu.vector_store_idx %arg9[%broadcast_in_dim3A_122, %parallel_loop3A_175], %parallel_loop3A_177 : memref<8x2048xf32, #tpu.memory_space<vmem>>[vector<16xi32>, vector<16xi32>], vector<16xf32>,
      } {sc.loop_unroll_factor = 8 : i64, sc.parallel_access}
      %broadcast_in_dim3A_126 = arith.constant 1 : i32
      %broadcast_in_dim3A_127 = vector.broadcast %broadcast_in_dim3A_126 : i32 to vector<16xi32>
      %parallel_loop3A_128 = arith.constant 0 : i32
      %parallel_loop3A_129 = arith.constant 128 : i32
      %parallel_loop3A_130 = arith.constant 1 : i32
      scf.for %parallel_loop3A_171 = %parallel_loop3A_128 to %parallel_loop3A_129 step %parallel_loop3A_130  : i32 {
        %parallel_loop3A_172 = arith.constant 16 : i32
        %parallel_loop3A_173 = arith.muli %parallel_loop3A_171, %parallel_loop3A_172 : i32
        %parallel_loop3A_174 = vector.broadcast %parallel_loop3A_173 : i32 to vector<16xi32>
        %parallel_loop3A_175 = arith.addi %iota3A, %parallel_loop3A_174 : vector<16xi32>
        %parallel_loop3A_176 = tpu.vector_load_idx %arg8[%broadcast_in_dim3A_127, %parallel_loop3A_175] : memref<8x2048xi32, #tpu.memory_space<vmem>>[vector<16xi32>, vector<16xi32>], vector<16xi32>,
        %parallel_loop3A_177 = tpu.vector_load_idx %arg6[%broadcast_in_dim3A_127, %parallel_loop3A_176] : memref<8x4096xf32, #tpu.memory_space<vmem>>[vector<16xi32>, vector<16xi32>], vector<16xf32>,
        tpu.vector_store_idx %arg9[%broadcast_in_dim3A_127, %parallel_loop3A_175], %parallel_loop3A_177 : memref<8x2048xf32, #tpu.memory_space<vmem>>[vector<16xi32>, vector<16xi32>], vector<16xf32>,
      } {sc.loop_unroll_factor = 8 : i64, sc.parallel_access}
      %broadcast_in_dim3A_131 = arith.constant 2 : i32
      %broadcast_in_dim3A_132 = vector.broadcast %broadcast_in_dim3A_131 : i32 to vector<16xi32>
      %parallel_loop3A_133 = arith.constant 0 : i32
      %parallel_loop3A_134 = arith.constant 128 : i32
      %parallel_loop3A_135 = arith.constant 1 : i32
      scf.for %parallel_loop3A_171 = %parallel_loop3A_133 to %parallel_loop3A_134 step %parallel_loop3A_135  : i32 {
        %parallel_loop3A_172 = arith.constant 16 : i32
        %parallel_loop3A_173 = arith.muli %parallel_loop3A_171, %parallel_loop3A_172 : i32
        %parallel_loop3A_174 = vector.broadcast %parallel_loop3A_173 : i32 to vector<16xi32>
        %parallel_loop3A_175 = arith.addi %iota3A, %parallel_loop3A_174 : vector<16xi32>
        %parallel_loop3A_176 = tpu.vector_load_idx %arg8[%broadcast_in_dim3A_132, %parallel_loop3A_175] : memref<8x2048xi32, #tpu.memory_space<vmem>>[vector<16xi32>, vector<16xi32>], vector<16xi32>,
        %parallel_loop3A_177 = tpu.vector_load_idx %arg6[%broadcast_in_dim3A_132, %parallel_loop3A_176] : memref<8x4096xf32, #tpu.memory_space<vmem>>[vector<16xi32>, vector<16xi32>], vector<16xf32>,
        tpu.vector_store_idx %arg9[%broadcast_in_dim3A_132, %parallel_loop3A_175], %parallel_loop3A_177 : memref<8x2048xf32, #tpu.memory_space<vmem>>[vector<16xi32>, vector<16xi32>], vector<16xf32>,
      } {sc.loop_unroll_factor = 8 : i64, sc.parallel_access}
      %broadcast_in_dim3A_136 = arith.constant 3 : i32
      %broadcast_in_dim3A_137 = vector.broadcast %broadcast_in_dim3A_136 : i32 to vector<16xi32>
      %parallel_loop3A_138 = arith.constant 0 : i32
      %parallel_loop3A_139 = arith.constant 128 : i32
      %parallel_loop3A_140 = arith.constant 1 : i32
      scf.for %parallel_loop3A_171 = %parallel_loop3A_138 to %parallel_loop3A_139 step %parallel_loop3A_140  : i32 {
        %parallel_loop3A_172 = arith.constant 16 : i32
        %parallel_loop3A_173 = arith.muli %parallel_loop3A_171, %parallel_loop3A_172 : i32
        %parallel_loop3A_174 = vector.broadcast %parallel_loop3A_173 : i32 to vector<16xi32>
        %parallel_loop3A_175 = arith.addi %iota3A, %parallel_loop3A_174 : vector<16xi32>
        %parallel_loop3A_176 = tpu.vector_load_idx %arg8[%broadcast_in_dim3A_137, %parallel_loop3A_175] : memref<8x2048xi32, #tpu.memory_space<vmem>>[vector<16xi32>, vector<16xi32>], vector<16xi32>,
        %parallel_loop3A_177 = tpu.vector_load_idx %arg6[%broadcast_in_dim3A_137, %parallel_loop3A_176] : memref<8x4096xf32, #tpu.memory_space<vmem>>[vector<16xi32>, vector<16xi32>], vector<16xf32>,
        tpu.vector_store_idx %arg9[%broadcast_in_dim3A_137, %parallel_loop3A_175], %parallel_loop3A_177 : memref<8x2048xf32, #tpu.memory_space<vmem>>[vector<16xi32>, vector<16xi32>], vector<16xf32>,
      } {sc.loop_unroll_factor = 8 : i64, sc.parallel_access}
      %broadcast_in_dim3A_141 = arith.constant 4 : i32
      %broadcast_in_dim3A_142 = vector.broadcast %broadcast_in_dim3A_141 : i32 to vector<16xi32>
      %parallel_loop3A_143 = arith.constant 0 : i32
      %parallel_loop3A_144 = arith.constant 128 : i32
      %parallel_loop3A_145 = arith.constant 1 : i32
      scf.for %parallel_loop3A_171 = %parallel_loop3A_143 to %parallel_loop3A_144 step %parallel_loop3A_145  : i32 {
        %parallel_loop3A_172 = arith.constant 16 : i32
        %parallel_loop3A_173 = arith.muli %parallel_loop3A_171, %parallel_loop3A_172 : i32
        %parallel_loop3A_174 = vector.broadcast %parallel_loop3A_173 : i32 to vector<16xi32>
        %parallel_loop3A_175 = arith.addi %iota3A, %parallel_loop3A_174 : vector<16xi32>
        %parallel_loop3A_176 = tpu.vector_load_idx %arg8[%broadcast_in_dim3A_142, %parallel_loop3A_175] : memref<8x2048xi32, #tpu.memory_space<vmem>>[vector<16xi32>, vector<16xi32>], vector<16xi32>,
        %parallel_loop3A_177 = tpu.vector_load_idx %arg6[%broadcast_in_dim3A_142, %parallel_loop3A_176] : memref<8x4096xf32, #tpu.memory_space<vmem>>[vector<16xi32>, vector<16xi32>], vector<16xf32>,
        tpu.vector_store_idx %arg9[%broadcast_in_dim3A_142, %parallel_loop3A_175], %parallel_loop3A_177 : memref<8x2048xf32, #tpu.memory_space<vmem>>[vector<16xi32>, vector<16xi32>], vector<16xf32>,
      } {sc.loop_unroll_factor = 8 : i64, sc.parallel_access}
      %broadcast_in_dim3A_146 = arith.constant 5 : i32
      %broadcast_in_dim3A_147 = vector.broadcast %broadcast_in_dim3A_146 : i32 to vector<16xi32>
      %parallel_loop3A_148 = arith.constant 0 : i32
      %parallel_loop3A_149 = arith.constant 128 : i32
      %parallel_loop3A_150 = arith.constant 1 : i32
      scf.for %parallel_loop3A_171 = %parallel_loop3A_148 to %parallel_loop3A_149 step %parallel_loop3A_150  : i32 {
        %parallel_loop3A_172 = arith.constant 16 : i32
        %parallel_loop3A_173 = arith.muli %parallel_loop3A_171, %parallel_loop3A_172 : i32
        %parallel_loop3A_174 = vector.broadcast %parallel_loop3A_173 : i32 to vector<16xi32>
        %parallel_loop3A_175 = arith.addi %iota3A, %parallel_loop3A_174 : vector<16xi32>
        %parallel_loop3A_176 = tpu.vector_load_idx %arg8[%broadcast_in_dim3A_147, %parallel_loop3A_175] : memref<8x2048xi32, #tpu.memory_space<vmem>>[vector<16xi32>, vector<16xi32>], vector<16xi32>,
        %parallel_loop3A_177 = tpu.vector_load_idx %arg6[%broadcast_in_dim3A_147, %parallel_loop3A_176] : memref<8x4096xf32, #tpu.memory_space<vmem>>[vector<16xi32>, vector<16xi32>], vector<16xf32>,
        tpu.vector_store_idx %arg9[%broadcast_in_dim3A_147, %parallel_loop3A_175], %parallel_loop3A_177 : memref<8x2048xf32, #tpu.memory_space<vmem>>[vector<16xi32>, vector<16xi32>], vector<16xf32>,
      } {sc.loop_unroll_factor = 8 : i64, sc.parallel_access}
      %broadcast_in_dim3A_151 = arith.constant 6 : i32
      %broadcast_in_dim3A_152 = vector.broadcast %broadcast_in_dim3A_151 : i32 to vector<16xi32>
      %parallel_loop3A_153 = arith.constant 0 : i32
      %parallel_loop3A_154 = arith.constant 128 : i32
      %parallel_loop3A_155 = arith.constant 1 : i32
      scf.for %parallel_loop3A_171 = %parallel_loop3A_153 to %parallel_loop3A_154 step %parallel_loop3A_155  : i32 {
        %parallel_loop3A_172 = arith.constant 16 : i32
        %parallel_loop3A_173 = arith.muli %parallel_loop3A_171, %parallel_loop3A_172 : i32
        %parallel_loop3A_174 = vector.broadcast %parallel_loop3A_173 : i32 to vector<16xi32>
        %parallel_loop3A_175 = arith.addi %iota3A, %parallel_loop3A_174 : vector<16xi32>
        %parallel_loop3A_176 = tpu.vector_load_idx %arg8[%broadcast_in_dim3A_152, %parallel_loop3A_175] : memref<8x2048xi32, #tpu.memory_space<vmem>>[vector<16xi32>, vector<16xi32>], vector<16xi32>,
        %parallel_loop3A_177 = tpu.vector_load_idx %arg6[%broadcast_in_dim3A_152, %parallel_loop3A_176] : memref<8x4096xf32, #tpu.memory_space<vmem>>[vector<16xi32>, vector<16xi32>], vector<16xf32>,
        tpu.vector_store_idx %arg9[%broadcast_in_dim3A_152, %parallel_loop3A_175], %parallel_loop3A_177 : memref<8x2048xf32, #tpu.memory_space<vmem>>[vector<16xi32>, vector<16xi32>], vector<16xf32>,
      } {sc.loop_unroll_factor = 8 : i64, sc.parallel_access}
      %broadcast_in_dim3A_156 = arith.constant 7 : i32
      %broadcast_in_dim3A_157 = vector.broadcast %broadcast_in_dim3A_156 : i32 to vector<16xi32>
      %parallel_loop3A_158 = arith.constant 0 : i32
      %parallel_loop3A_159 = arith.constant 128 : i32
      %parallel_loop3A_160 = arith.constant 1 : i32
      scf.for %parallel_loop3A_171 = %parallel_loop3A_158 to %parallel_loop3A_159 step %parallel_loop3A_160  : i32 {
        %parallel_loop3A_172 = arith.constant 16 : i32
        %parallel_loop3A_173 = arith.muli %parallel_loop3A_171, %parallel_loop3A_172 : i32
        %parallel_loop3A_174 = vector.broadcast %parallel_loop3A_173 : i32 to vector<16xi32>
        %parallel_loop3A_175 = arith.addi %iota3A, %parallel_loop3A_174 : vector<16xi32>
        %parallel_loop3A_176 = tpu.vector_load_idx %arg8[%broadcast_in_dim3A_157, %parallel_loop3A_175] : memref<8x2048xi32, #tpu.memory_space<vmem>>[vector<16xi32>, vector<16xi32>], vector<16xi32>,
        %parallel_loop3A_177 = tpu.vector_load_idx %arg6[%broadcast_in_dim3A_157, %parallel_loop3A_176] : memref<8x4096xf32, #tpu.memory_space<vmem>>[vector<16xi32>, vector<16xi32>], vector<16xf32>,
        tpu.vector_store_idx %arg9[%broadcast_in_dim3A_157, %parallel_loop3A_175], %parallel_loop3A_177 : memref<8x2048xf32, #tpu.memory_space<vmem>>[vector<16xi32>, vector<16xi32>], vector<16xf32>,
      } {sc.loop_unroll_factor = 8 : i64, sc.parallel_access}
      %add3A_161 = arith.constant 1 : i32
      %add3A_162 = arith.addi %mul3A_26, %add3A_161 : i32
      %mul3A_163 = arith.constant 8 : i32
      %mul3A_164 = arith.muli %add3A_162, %mul3A_163 : i32
      %add3A_165 = arith.addi %mul3A_2, %mul3A_164 : i32
      %dma_start3A_166 = arith.constant 0 : i32
      %dma_start3A_167 = tpu.memref_slice %arg4[%add3A_165, %dma_start3A_166] : memref<16384x2048xf32, #tpu.memory_space<hbm>> -> memref<8x2048xf32, #tpu.memory_space<hbm>>
      %dma_start3A_168 = arith.constant 0 : i32
      %dma_start3A_169 = tpu.memref_slice %arg4[%add3A_165, %dma_start3A_168] : memref<16384x2048xf32, #tpu.memory_space<hbm>> -> memref<8x2048xf32, #tpu.memory_space<hbm>>
      tpu.enqueue_dma source(%arg9 : memref<8x2048xf32, #tpu.memory_space<vmem>>) target(%dma_start3A_169 : memref<8x2048xf32, #tpu.memory_space<hbm>>) target_semaphore(%arg12 : memref<!tpu.dma_semaphore, #tpu.memory_space<semaphore_mem>>)
      %scan3A_170 = arith.constant 0 : i32
      scf.yield %scan3A_170 : i32
    }
    %scan3A_17 = arith.constant 32 : i32
    %dma_wait3A = arith.constant 0 : i32
    %dma_wait3A_18 = arith.constant 0 : i32
    %dma_wait3A_19 = tpu.memref_slice %arg4[%dma_wait3A, %dma_wait3A_18] : memref<16384x2048xf32, #tpu.memory_space<hbm>> -> memref<8x2048xf32, #tpu.memory_space<hbm>>
    %dma_wait3A_20 = arith.constant 0 : i32
    %dma_wait3A_21 = arith.constant 0 : i32
    %dma_wait3A_22 = tpu.memref_slice %arg4[%dma_wait3A_20, %dma_wait3A_21] : memref<16384x2048xf32, #tpu.memory_space<hbm>> -> memref<8x2048xf32, #tpu.memory_space<hbm>>
    tpu.wait_dma2 semaphore(%arg12 : memref<!tpu.dma_semaphore, #tpu.memory_space<semaphore_mem>>) src(%arg9 : memref<8x2048xf32, #tpu.memory_space<vmem>>) dst(%dma_wait3A_22 : memref<8x2048xf32, #tpu.memory_space<hbm>>)
    return
  }
}

</mosaic_0001>

<sc_bundles>
// kernel: kernel.3.cloned.1.call-start
scs
__scs_entry_jumppad:
0x0: {  	(pc) =	sbr.rel $0x88, $3  }
0x1: {  	(tag) =	ssettag $0x0;
	lr =	simm.s32 $0x1  }
0x2: {  	[smem:$0x3F9F] =	sst lr;
	_ =	strace $0xD0000000  }
0x3: {  	_ = 	snop  }
0x4: {  	_ = 	snop  }
0x5: {  	_ = 	snop  }
0x6: {  	_ = 	snop  }
0x7: {  	_ = 	snop  }
__scs_overlays_trampoline_lowered:
0x8: {  	[smem:$0x3FAE] =	sst s0  }
0x9: {  	[smem:$0x3FAF] =	sst s1  }
0xa: {  	[smem:$0x3FB0] =	sst s2  }
0xb: {  	[smem:$0x3FB1] =	sst s3  }
0xc: {  	[smem:$0x3FB2] =	sst s4  }
0xd: {  	[smem:$0x3FB3] =	sst s5  }
0xe: {  	[smem:$0x3FB4] =	sst s6  }
0xf: {  	[smem:$0x3FB5] =	sst s7  }
0x10: {  	[smem:$0x3FB6] =	sst s8  }
0x11: {  	[smem:$0x3FB7] =	sst s9;
	s0 =	simm.s32 @!p0 $0x0  }
0x12: {  	s1 =	sld [smem:$0x3F9D];
	s0 =	simm.s32 @p0 $0x1  }
0x13: {  	[smem:$0x3FB8] =	sst s0;
	s0 =	simm.s32 @!p1 $0x0  }
0x14: {  	s2 =	sld [smem:$0x3F9C];
	s0 =	simm.s32 @p1 $0x1  }
0x15: {  	[smem:$0x3FB9] =	sst s0;
	s0 =	simm.s32 @!p2 $0x0  }
0x16: {  	s3 =	sld [smem:$0x3FDB];
	s0 =	simm.s32 @p2 $0x1  }
0x17: {  	s4 =	simm.s32 $0x1BF5;
	[smem:$0x3FBB] =	sst s0  }
0x18: {  	s0 =	sld [smem:$0x3F9E];
	_ =	swait.ge [sflag:s4], $0x0  }
0x19: {  	s7 =	sld [smem:$0x3F9F]  }
0x1a: {  	s8 =	sadd.s32 $0xFFFFE003, lr  }
0x1b: {  	s9 =	sadd.s32 $0xFFFFFEF7, lr;
	s5 =	simm.s32 $0xFFFFFFFF;
	p2 =	slt.u32 s8, $0xFFFFF086  }
0x1c: {  	p1 =	slt.u32 s9, $0xF7A;
	s5 =	simm.s32 @!p2 $0x0  }
0x1d: {  	s5 =	simm.s32 @p1 $0x1;
	p0 =	seq.s32 s7, s2  }
0x1e: {  	s7 =	smul.u32 @!p0 $0xF7A, s2;
	p2 =	seq.s32 @!p0 s5, $0x0  }
0x1f: {  	s9 =	smul.u32 $0xF7A, s1;
	s8 =	simm.s32 @!p0 $0x1BF5;
	p2 =	por !p2, p0  }
0x20: {  	[sflag:s8] =	ssyncset.s32 @!p0 $0xFFFFF086;
	s6 =	sadd.s32 @!p0 s3, s7;
	s7 =	simm.s32 @!p0 $0x108  }
0x21: {  	s3 =	sadd.s32 s3, s9;
	s6 =	sadd.s32 @!p0 $0x88, s6;
	s7 =	simm.s32 @p2 $0x1082  }
0x22: {  	[simem:s7], [sflag:s8] =	dma.local @!p0 [hbm:s6], $0xF7A  }
0x23: {  	s9 =	sor.u32 $0xD0000000, s2;
	s6 =	simm.s32 $0x108;
	_ =	swait.ge @!p0 [sflag:s8], $0x0  }
0x24: {  	s3 =	sadd.s32 $0x88, s3;
	s6 =	simm.s32 @!p1 $0x1082;
	[sflag:s4] =	ssyncset.s32 $0xFFFFF086  }
0x25: {  	[simem:s6], [sflag:s4] =	dma.local [hbm:s3], $0xF7A  }
0x26: {  	[smem:$0x3F9F] =	sst s1;
	(tag) =	ssettag s2;
	_ =	strace s9  }
0x27: {  	s1 =	sld [smem:$0x3FAF]  }
0x28: {  	s2 =	sld [smem:$0x3FB0]  }
0x29: {  	s4 =	sld [smem:$0x3FB2]  }
0x2a: {  	p0 =	seq.s32 s5, $0x0;
	s5 =	sld [smem:$0x3FB3]  }
0x2b: {  	s6 =	sld [smem:$0x3FB4]  }
0x2c: {  	s7 =	sld [smem:$0x3FB5]  }
0x2d: {  	s3 =	simm.s32 $0x108;
	s8 =	sld [smem:$0x3FB6]  }
0x2e: {  	s3 =	simm.s32 @!p0 $0x1082;
	s9 =	sld [smem:$0x3FB7]  }
0x2f: {  	lr =	sadd.s32 s0, s3;
	s0 =	sld [smem:$0x3FAE]  }
0x30: {  	s3 =	sld [smem:$0x3FB1]  }
0x31: {  	[smem:$0x3FBA] =	sst s10  }
0x32: {  	s10 =	sld [smem:$0x3FB8];
	_ =	sdelay $0x3  }
0x33: {  	p0 =	seq.s32 s10, $0x1;
	s10 =	sld [smem:$0x3FBA];
	_ =	sdelay $0x3  }
0x34: {  	[smem:$0x3FBA] =	sst s10  }
0x35: {  	s10 =	sld [smem:$0x3FB9];
	_ =	sdelay $0x3  }
0x36: {  	p1 =	seq.s32 s10, $0x1;
	s10 =	sld [smem:$0x3FBA];
	_ =	sdelay $0x3  }
0x37: {  	[smem:$0x3FBA] =	sst s10  }
0x38: {  	s10 =	sld [smem:$0x3FBB]  }
0x39: {  	_ = 	snop;
	(pc) =	sbr.ind lr, $3  }
0x3a: {  	_ = 	snop  }
0x3b: {  	_ = 	snop  }
0x3c: {  	p2 =	seq.s32 s10, $0x1;
	s10 =	sld [smem:$0x3FBA]  }
0x3d: {  	_ =	shalt  }
0x3e: {  	_ =	shalt  }
0x3f: {  	_ =	shalt  }
0x40: {  	_ =	shalt  }
0x41: {  	_ =	shalt  }
0x42: {  	_ =	shalt  }
0x43: {  	_ =	shalt  }
0x44: {  	_ =	shalt  }
0x45: {  	_ =	shalt  }
0x46: {  	_ =	shalt  }
0x47: {  	_ =	shalt  }
0x48: {  	_ =	shalt  }
0x49: {  	_ =	shalt  }
0x4a: {  	_ =	shalt  }
0x4b: {  	_ =	shalt  }
0x4c: {  	_ =	shalt  }
0x4d: {  	_ =	shalt  }
0x4e: {  	_ =	shalt  }
0x4f: {  	_ =	shalt  }
0x50: {  	_ =	shalt  }
0x51: {  	_ =	shalt  }
0x52: {  	_ =	shalt  }
0x53: {  	_ =	shalt  }
0x54: {  	_ =	shalt  }
0x55: {  	_ =	shalt  }
0x56: {  	_ =	shalt  }
0x57: {  	_ =	shalt  }
0x58: {  	_ =	shalt  }
0x59: {  	_ =	shalt  }
0x5a: {  	_ =	shalt  }
0x5b: {  	_ =	shalt  }
0x5c: {  	_ =	shalt  }
0x5d: {  	_ =	shalt  }
0x5e: {  	_ =	shalt  }
0x5f: {  	_ =	shalt  }
0x60: {  	_ =	shalt  }
0x61: {  	_ =	shalt  }
0x62: {  	_ =	shalt  }
0x63: {  	_ =	shalt  }
0x64: {  	_ =	shalt  }
0x65: {  	_ =	shalt  }
0x66: {  	_ =	shalt  }
0x67: {  	_ =	shalt  }
0x68: {  	_ =	shalt  }
0x69: {  	_ =	shalt  }
0x6a: {  	_ =	shalt  }
0x6b: {  	_ =	shalt  }
0x6c: {  	_ =	shalt  }
0x6d: {  	_ =	shalt  }
0x6e: {  	_ =	shalt  }
0x6f: {  	_ =	shalt  }
0x70: {  	_ =	shalt  }
0x71: {  	_ =	shalt  }
0x72: {  	_ =	shalt  }
0x73: {  	_ =	shalt  }
0x74: {  	_ =	shalt  }
0x75: {  	_ =	shalt  }
0x76: {  	_ =	shalt  }
0x77: {  	_ =	shalt  }
0x78: {  	_ =	shalt  }
0x79: {  	_ =	shalt  }
0x7a: {  	_ =	shalt  }
0x7b: {  	_ =	shalt  }
0x7c: {  	_ =	shalt  }
0x7d: {  	_ =	shalt  }
0x7e: {  	_ =	shalt  }
0x7f: {  	_ =	shalt  }
0x80: {  	_ =	shalt  }
0x81: {  	_ =	shalt  }
0x82: {  	_ =	shalt  }
0x83: {  	_ =	shalt  }
0x84: {  	_ =	shalt  }
0x85: {  	_ =	shalt  }
0x86: {  	_ =	shalt  }
0x87: {  	_ =	shalt  }
.Lfunc_end0:
.L_simem_size_0:
called_computation_lowered:
.L_overlay_start_0:
0x88: {  	s2 =	sld [smem:$0x3FD9]  }
0x89: {  	s3 =	sld [smem:$0x3FFE];
	_ =	sdelay $0x1  }
0x8a: {  	s1 =	srdreg.scid  }
0x8b: {  	s0 =	sand.u32 $0x1, s1  }
0x8c: {  	s18 =	sshll.u32 s0, $0xA;
	s2 =	sadd.s32 s3, s2  }
0x8d: {  	s2 =	sadd.s32 s2, s18  }
0x8e: {  	[smem:$0x3FC6] =	sst s2  }
0x8f: {  	_ = 	snop  }
0x90: {  	s2 =	sld [smem:$0x3FC9]  }
0x91: {  	s19 =	sld [smem:$0x3FC8]  }
0x92: {  	s4 =	sld [smem:$0x3FD0];
	(tm) =	ssettm $0x1  }
0x93: {  	s5 =	sld [smem:$0x3FFB];
	_ =	sdelay $0x3  }
0x94: {  	_ =	strace s5  }
0x95: {  	s5 =	sld [smem:$0x3FFC];
	_ =	sdelay $0x3  }
0x96: {  	_ =	strace s5  }
0x97: {  	s5 =	sld [smem:$0x3FFD];
	_ =	sdelay $0x3  }
0x98: {  	_ =	strace s5  }
0x99: {  	_ =	strace $0x8FFFFFFF  }
0x9a: {  	s20 =	sld [smem:$0x3FDB];
	_ =	sdelay $0x1  }
0x9b: {  	s6 =	simm.s32 $_scs_section_size  }
0x9c: {  	s7 =	simm.s32 $_size__tile_overlayer_lowered;
	s8 =	simm.s32 $_tile_overlayer_lowered  }
0x9d: {  	s23 =	simm.s32 $0x1BFF;
	s22 =	sshll.u32 s8, $0x1;
	s5 =	sadd.s32 s6, s20  }
0x9e: {  	s9 =	simm.s32 $0x0;
	s21 =	sshll.u32 s7, $0x1;
	s7 =	sadd.s32 s22, s5  }
0x9f: {  	[timem:s9], [sflag:s23] =	dma.local [hbm:s7], s21  }
0xa0: {  	_ =	swait.ge [sflag:s23], s21  }
0xa1: {  	s6 =	ssub.s32 $0x0, s21;
	[sflag:s23] =	ssyncset.done $0x0  }
0xa2: {  	[sflag:s23] =	ssyncadd.s32 s6;
	_ =	sdelay $0x1  }
0xa3: {  	s24 =	simm.s32 $0x1B8B  }
0xa4: {  	_ =	swait.ge [sflag:s24], $0x1  }
0xa5: {  	[sflag:s24] =	ssyncset.done $0x0  }
0xa6: {  	s25 =	simm.s32 $0x1B8E;
	[sflag:s24] =	ssyncadd.s32 $0xFFFFFFFF  }
0xa7: {  	s26 =	simm.s32 $execute0_lowered;
	[smem:$0x3FD2] =	sst s25  }
0xa8: {  	s6 =	sshll.u32 s26, $0x1;
	_ =	strace $0x80000046;
	[dreg:$0x1] =	wrdreg $0xFFFFFFFF  }
0xa9: {  	s28 =	simm.s32 $_size_execute0_lowered;
	s5 =	sadd.s32 s5, s6;
	[dreg:$0x0] =	wrdreg $0x0  }
0xaa: {  	s6 =	sshll.u32 s28, $0x1;
	[dreg:$0x2] =	wrdreg s5  }
0xab: {  	[dreg:$0x3] =	wrdreg s6  }
0xac: {  	[dreg:$0x4] =	wrdreg $0xC0  }
0xad: {  	_ =	task [dreg:s9], $0x5FFFF  }
0xae: {  	[dreg:$0x1] =	wrdreg $0xFFFFFFFF  }
0xaf: {  	[dreg:$0x0] =	wrdreg $0x60  }
0xb0: {  	[dreg:$0x2] =	wrdreg s2  }
0xb1: {  	[dreg:$0x3] =	wrdreg s19  }
0xb2: {  	[dreg:$0x4] =	wrdreg s4  }
0xb3: {  	[dreg:$0x5] =	wrdreg $0x9  }
0xb4: {  	_ =	task.clear_ibuf [dreg:s9], $0x6FFFF;
	_ =	strace $0x90000046  }
0xb5: {  	s29 =	simm.s32 $0x9;
	_ =	strace $0x80000048  }
0xb6: {  	_ =	swait.ge [sflag:s29], $0x1  }
0xb7: {  	[sflag:s29] =	ssyncadd.s32 $0xFFFFFFFF  }
0xb8: {  	_ =	strace $0x90000048  }
0xb9: {  	_ =	sfence  }
0xba: {  	s30 =	sld [smem:$0x0];
	_ =	sdelay $0x2  }
0xbb: {  	s31 =	sshll.u32 s1, $0xD;
	s1 =	sshrl.u32 s1, $0x2  }
0xbc: {  	s3 =	sand.u32 $0x4000, s31;
	s1 =	sadd.s32 s1, s30  }
0xbd: {  	s0 =	sor.u32 s3, s0;
	s1 =	sshll.u32 s1, $0x11  }
0xbe: {  	s0 =	sor.u32 s1, s0  }
0xbf: {  	s0 =	sadd.s32 $0x8F2B, s0  }
0xc0: {  	[sflag:s0] =	ssyncadd.remote.s32 $0x1  }
0xc1: {  	_ =	sfence.sel $0xFFFF  }
0xc2: {  	[dreg:$0x0] =	wrdreg $0xFFFFFFFF;
	(pc) =	sbr.abs _section_cstart, $3  }
0xc3: {  	[dreg:$0x1] =	wrdreg $0xFFFFFFFF  }
0xc4: {  	_ =	task.clear_ibuf [dreg:s9], $0x2FFFF;
	_ =	strace $0x9FFFFFFF  }
0xc5: {  	(tm) =	ssettm $0x7FFFFFFF  }
tec
execute0_lowered:
.L_overlay_start_1:
0x0: {  	(tag) =	ssettag $0x1  }
0x1: {  	s1 =	rddreg [dreg:$0x0]  }
0x2: {  	s2 =	rddreg [dreg:$0x1]  }
0x3: {  	s4 =	rddreg [dreg:$0x2]  }
0x4: {  	s0 =	rddreg [dreg:$0x3];
	s6 =	srdreg.scid;
	s5 =	simm.s32 $0x0  }
0x5: {  	s3 =	stileid.u32;
	s12 =	simm.s32 $0x10000;
	s13 =	simm.s32 $0x8000  }
0x6: {  	s14 =	simm.s32 $0x14000;
	s15 =	simm.s32 $0x1;
	s16 =	simm.s32 $0x18000  }
0x7: {  	s17 =	simm.s32 $0x2;
	s18 =	simm.s32 $0x3;
	s19 =	simm.s32 $0x0  }
0x8: {  	s6 =	sand.u32 $0x1, s6;
	[smem:$0x7FF] =	sst s5;
	s7 =	sshll.u32 s3, $0xA  }
.Ltmp0:
0x9: {  	s8 =	sshll.u32 s6, $0x9;
	s6 =	ssub.s32 $0x2, s6;
	(pc) =	sbr.rel .LBB2_1-.Ltmp0, $4  }
0xa: {  	v0 =	vlaneseq.u32;
	_ =	strace $0x80000047;
	s11 =	sor.u32 s8, s7;
	s31 =	sshrl.u32 s6, $0x1  }
0xb: {  	v1 =	vor.u32 $0x10, v0;
	s8 =	sshll.u32 s11, $0x9;
	s9 =	sshll.u32 s11, $0x8;
	s10 =	ssub.s32 s6, s31  }
0xc: {  	v2 =	vor.u32 $0x20, v0;
	v3 =	vor.u32 $0x30, v0;
	v4 =	vor.u32 $0x40, v0;
	s6 =	sadd.s32 s1, s8;
	s7 =	sadd.s32 s2, s9;
	s8 =	sadd.s32 s4, s9  }
0xd: {  	v5 =	vor.u32 $0x50, v0;
	v6 =	vor.u32 $0x60, v0;
	v7 =	vor.u32 $0x70, v0;
	s9 =	sor.u32 $0x10, s11;
	s10 =	smax.u32 s10, $0x1;
	s11 =	sor.u32 $0x8, s11  }
.LBB2_83:
0xe: {  	s19 =	sadd.s32 $0x1, s19  }
0xf: {  	p0 =	sne.s32 s19, s10  }
.Ltmp1:
0x10: {  	_ = 	snop;
	(pc) =	sbr.rel @!p0 .LBB2_84-.Ltmp1, $4  }
0x11: {  	_ = 	snop  }
0x12: {  	_ =	swait.ge [sflag:s18], $0x4000  }
0x13: {  	[sflag:s18] =	ssyncset.done $0x0  }
0x14: {  	[sflag:s18] =	ssyncadd.s32 $0xFFFFC000  }
.LBB2_1:
0x15: {  	[tilespmem:s5], [sflag:$0x1] =	stream.linear.gather [hbm4b:s6+s5], $0x8000, $0x38;
	[tilespmem:$0x1C000] =	vst v63  }
0x16: {  	s20 =	simm.s32 $0x0  }
0x17: {  	[tilespmem:s12], [sflag:$0x1] =	stream.linear.gather [hbm4b:s7+s5], $0x4000, $0x38;
	[tilespmem:$0x1C000] =	vst v63  }
.LBB2_2:
0x18: {  	s22 =	sshll.u32 s20, $0x4  }
0x19: {  	s21 =	sor.u32 s11, s22  }
0x1a: {  	s23 =	sshll.u32 s21, $0x9  }
0x1b: {  	s21 =	sshll.u32 s21, $0x8;
	s23 =	sadd.s32 s1, s23  }
0x1c: {  	[tilespmem:s13], [sflag:$0x2] =	stream.linear.gather [hbm4b:s23+s5], $0x8000, $0x38;
	[tilespmem:$0x1C000] =	vst v63  }
0x1d: {  	s25 =	simm.s32 $0x0;
	s30 =	sadd.s32 s2, s21  }
0x1e: {  	v8 =	vmov s25;
	[tilespmem:s14], [sflag:$0x2] =	stream.linear.gather [hbm4b:s30+s5], $0x4000, $0x38;
	[tilespmem:$0x1C000] =	vst v63  }
0x1f: {  	v8 =	vshrl.u32 v8, $0x7;
	_ =	swait.ge [sflag:s15], $0x8000  }
0x20: {  	v9 =	vshll.u32 v8, $0xA;
	[sflag:s15] =	ssyncset.done $0x0  }
0x21: {  	v8 =	vbroadcast v9, $0x0;
	[sflag:s15] =	ssyncadd.s32 $0xFFFF8000  }
0x22: {  	_ =	swait.ge [sflag:s15], $0x4000  }
0x23: {  	p0 =	seq.s32 s20, $0x0;
	v26 =	vor.u32 v7, v8;
	[sflag:s15] =	ssyncset.done $0x0  }
0x24: {  	s23 =	simm.s32 @!p0 $0x3;
	v27 =	vor.u32 v0, v8;
	[sflag:s15] =	ssyncadd.s32 $0xFFFFC000  }
0x25: {  	v30 =	vor.u32 v2, v8;
	_ =	swait.ge @!p0 [sflag:s23], $0x4000  }
0x26: {  	v31 =	vor.u32 v3, v8;
	[sflag:s23] =	ssyncset.done @!p0 $0x0  }
0x27: {  	v29 =	vor.u32 v5, v8;
	[sflag:s23] =	ssyncadd.s32 @!p0 $0xFFFFC000  }
0x28: {  	s31 =	simm.s32 $0x80;
	v16 =	vor.u32 v6, v8;
	v10 =	vld.idx.msk [tilespmem:v26+s12+$0x0], $0xffff  }
0x29: {  	v28 =	vor.u32 v1, v8;
	v32 =	vor.u32 v4, v8;
	v8 =	vmov s31;
	v18 =	vld.idx.msk [tilespmem:v27+s12+$0x0], $0xffff  }
0x2a: {  	v8 =	vshrl.u32 v8, $0x7;
	v20 =	vld.idx.msk [tilespmem:v30+s12+$0x0], $0xffff  }
0x2b: {  	v8 =	vshll.u32 v8, $0xA;
	v21 =	vld.idx.msk [tilespmem:v31+s12+$0x0], $0xffff  }
0x2c: {  	v23 =	vbroadcast v8, $0x0;
	v24 =	vld.idx.msk [tilespmem:v29+s12+$0x0], $0xffff  }
0x2d: {  	v33 =	vld.idx.msk [tilespmem:v16+s12+$0x0], $0xffff  }
0x2e: {  	v37 =	vor.u32 v7, v23;
	v14 =	vor.u32 v0, v23  }
0x2f: {  	v15 =	vor.u32 v1, v23;
	v17 =	vor.u32 v2, v23;
	v13 =	vor.u32 v3, v23  }
0x30: {  	v11 =	vshll.u32 v10, $0x3;
	v10 =	vand.u32 $0x7F, v10;
	v12 =	vshll.u32 v18, $0x3  }
0x31: {  	v19 =	vld.idx.msk [tilespmem:v28+s12+$0x0], $0xffff;
	v34 =	vshll.u32 v20, $0x3;
	v38 =	vshll.u32 v21, $0x3;
	v59 =	vshll.u32 v24, $0x3  }
0x32: {  	v22 =	vld.idx.msk [tilespmem:v32+s12+$0x0], $0xffff;
	v40 =	vshll.u32 v33, $0x3;
	v18 =	vand.u32 $0x7F, v18;
	v20 =	vand.u32 $0x7F, v20  }
0x33: {  	v41 =	vld.idx.msk [tilespmem:v37+s12+$0x0], $0xffff;
	v11 =	vand.u32 $0xFFFFFC00, v11;
	v35 =	vand.u32 $0xFFFFFC00, v12;
	v12 =	vor.u32 v4, v23  }
0x34: {  	v42 =	vld.idx.msk [tilespmem:v14+s12+$0x0], $0xffff;
	v21 =	vand.u32 $0x7F, v21;
	v24 =	vand.u32 $0x7F, v24;
	v25 =	vor.u32 v10, v11  }
0x35: {  	v43 =	vld.idx.msk [tilespmem:v15+s12+$0x0], $0xffff;
	v33 =	vand.u32 $0x7F, v33;
	v38 =	vand.u32 $0xFFFFFC00, v38;
	v11 =	vor.u32 v5, v23  }
0x36: {  	v44 =	vld.idx.msk [tilespmem:v13+s12+$0x0], $0xffff;
	v40 =	vand.u32 $0xFFFFFC00, v40;
	v10 =	vshll.u32 v19, $0x3;
	v18 =	vor.u32 v18, v35  }
0x37: {  	v19 =	vand.u32 $0x7F, v19;
	v35 =	vld.idx.msk [tilespmem:v17+s12+$0x0], $0xffff;
	v21 =	vor.u32 v21, v38;
	v33 =	vor.u32 v33, v40  }
0x38: {  	v36 =	vand.u32 $0xFFFFFC00, v10;
	v10 =	vor.u32 v6, v23;
	v23 =	vshll.u32 v22, $0x3;
	v38 =	vld.idx.msk [tilespmem:v12+s12+$0x0], $0xffff  }
0x39: {  	s23 =	simm.s32 $0x100;
	v22 =	vand.u32 $0x7F, v22;
	v23 =	vand.u32 $0xFFFFFC00, v23;
	v19 =	vor.u32 v19, v36;
	v39 =	vld.idx.msk [tilespmem:v25+s25+$0x0], $0xffff  }
0x3a: {  	v22 =	vor.u32 v22, v23;
	v23 =	vmov s23;
	v25 =	vand.u32 $0xFFFFFC00, v34;
	v40 =	vld.idx.msk [tilespmem:v11+s12+$0x0], $0xffff  }
0x3b: {  	v23 =	vshrl.u32 v23, $0x7;
	v34 =	vand.u32 $0xFFFFFC00, v59;
	v46 =	vld.idx.msk [tilespmem:v18+s25+$0x0], $0xffff;
	v20 =	vor.u32 v20, v25  }
0x3c: {  	v23 =	vshll.u32 v23, $0xA;
	v53 =	vld.idx.msk [tilespmem:v21+s25+$0x0], $0xffff;
	v34 =	vor.u32 v24, v34;
	v24 =	vshll.u32 v41, $0x3  }
0x3d: {  	v45 =	vld.idx.msk [tilespmem:v10+s12+$0x0], $0xffff;
	v25 =	vand.u32 $0x7F, v41;
	v47 =	vbroadcast v23, $0x0;
	v24 =	vand.u32 $0xFFFFFC00, v24  }
0x3e: {  	v60 =	vshll.u32 v42, $0x3;
	v49 =	vld.idx.msk [tilespmem:v19+s25+$0x0], $0xffff;
	v41 =	vor.u32 v25, v24  }
0x3f: {  	v61 =	vshll.u32 v44, $0x3;
	v18 =	vshll.u32 v43, $0x3;
	v19 =	vor.u32 v0, v47;
	v54 =	vld.idx.msk [tilespmem:v22+s25+$0x0], $0xffff  }
0x40: {  	v50 =	vand.u32 $0xFFFFFC00, v60;
	v51 =	vand.u32 $0xFFFFFC00, v18;
	v18 =	vor.u32 v1, v47;
	v52 =	vld.idx.msk [tilespmem:v20+s25+$0x0], $0xffff  }
0x41: {  	v48 =	vshll.u32 v35, $0x3;
	v59 =	vand.u32 $0x7F, v43;
	v20 =	vor.u32 v7, v47;
	v55 =	vld.idx.msk [tilespmem:v34+s25+$0x0], $0xffff  }
0x42: {  	v25 =	vor.u32 v2, v47;
	v24 =	vor.u32 v3, v47;
	v23 =	vor.u32 v4, v47;
	v34 =	vld.idx.msk [tilespmem:v33+s25+$0x0], $0xffff  }
0x43: {  	v48 =	vand.u32 $0xFFFFFC00, v48;
	v22 =	vor.u32 v5, v47;
	[tilespmem:v26+s16+$0x0] =	vst.idx.msk $0xffff, v39;
	v26 =	vshll.u32 v40, $0x3;
	v41 =	vld.idx.msk [tilespmem:v41+s25+$0x0], $0xffff  }
0x44: {  	v21 =	vor.u32 v6, v47;
	v62 =	vshll.u32 v38, $0x3;
	[tilespmem:v27+s16+$0x0] =	vst.idx.msk $0xffff, v46;
	v56 =	vand.u32 $0xFFFFFC00, v26;
	v26 =	vld.idx.msk [tilespmem:v19+s12+$0x0], $0xffff  }
0x45: {  	v46 =	vand.u32 $0xFFFFFC00, v61;
	v61 =	vand.u32 $0x7F, v44;
	[tilespmem:v31+s16+$0x0] =	vst.idx.msk $0xffff, v53;
	v31 =	vand.u32 $0x7F, v40;
	v27 =	vld.idx.msk [tilespmem:v18+s12+$0x0], $0xffff  }
0x46: {  	v40 =	vor.u32 v59, v51;
	v63 =	vshll.u32 v45, $0x3;
	[tilespmem:v28+s16+$0x0] =	vst.idx.msk $0xffff, v49;
	v28 =	vand.u32 $0x7F, v42;
	v36 =	vld.idx.msk [tilespmem:v20+s12+$0x0], $0xffff  }
0x47: {  	v47 =	vand.u32 $0xFFFFFC00, v62;
	v62 =	vand.u32 $0x7F, v38;
	v39 =	vor.u32 v28, v50;
	[tilespmem:v32+s16+$0x0] =	vst.idx.msk $0xffff, v54;
	v28 =	vld.idx.msk [tilespmem:v25+s12+$0x0], $0xffff  }
0x48: {  	v60 =	vand.u32 $0xFFFFFC00, v63;
	v63 =	vand.u32 $0x7F, v45;
	v33 =	vor.u32 v31, v56;
	v31 =	vld.idx.msk [tilespmem:v23+s12+$0x0], $0xffff;
	[tilespmem:v30+s16+$0x0] =	vst.idx.msk $0xffff, v52  }
0x49: {  	v32 =	vor.u32 v63, v60;
	v30 =	vand.u32 $0x7F, v35;
	v35 =	vor.u32 v62, v47;
	[tilespmem:v29+s16+$0x0] =	vst.idx.msk $0xffff, v55  }
0x4a: {  	s24 =	simm.s32 $0x8;
	s26 =	simm.s32 $0x10;
	s28 =	simm.s32 $0x180;
	v38 =	vor.u32 v30, v48;
	v30 =	vld.idx.msk [tilespmem:v24+s12+$0x0], $0xffff;
	[tilespmem:v37+s16+$0x0] =	vst.idx.msk $0xffff, v41;
	v37 =	vor.u32 v61, v46  }
.LBB2_3:
0x4b: {  	v29 =	vmov s28;
	s26 =	sadd.s32 $0x8, s26;
	v41 =	vld.idx.msk [tilespmem:v22+s12+$0x0], $0xffff;
	v46 =	vshll.u32 v36, $0x3;
	[tilespmem:v16+s16+$0x0] =	vst.idx.msk $0xffff, v34;
	v43 =	vmovc v25;
	v44 =	vmovc v13;
	v13 =	vmov v24  }
0x4c: {  	v24 =	vand.u32 $0x7F, v36;
	v42 =	vmovc v12;
	v12 =	vmovc v23;
	v48 =	vshrl.u32 v29, $0x7;
	p0 =	slt.u32 s26, $0x78;
	v29 =	vld.idx.msk [tilespmem:v21+s12+$0x0], $0xffff;
	v25 =	vand.u32 $0xFFFFFC00, v46  }
0x4d: {  	v23 =	vshll.u32 v26, $0x3;
	v45 =	vmovc v11;
	v11 =	vmovc v22;
	v47 =	vshll.u32 v48, $0xA;
	v34 =	vor.u32 v24, v25;
	v36 =	vld.idx.msk [tilespmem:v39+s25+$0x0], $0xffff  }
0x4e: {  	v16 =	vmovc v10;
	v10 =	vmovc v21;
	v22 =	vshll.u32 v27, $0x3;
	v46 =	vshll.u32 v28, $0x3;
	v39 =	vbroadcast v47, $0x0;
	v40 =	vld.idx.msk [tilespmem:v40+s25+$0x0], $0xffff  }
0x4f: {  	v48 =	vand.u32 $0xFFFFFC00, v22;
	v47 =	vand.u32 $0xFFFFFC00, v23;
	v49 =	vshll.u32 v30, $0x3;
	v38 =	vld.idx.msk [tilespmem:v38+s25+$0x0], $0xffff  }
0x50: {  	v50 =	vor.u32 v0, v39;
	v51 =	vor.u32 v1, v39;
	v52 =	vor.u32 v7, v39;
	v37 =	vld.idx.msk [tilespmem:v37+s25+$0x0], $0xffff  }
0x51: {  	v25 =	vor.u32 v2, v39;
	v24 =	vor.u32 v3, v39;
	v23 =	vor.u32 v4, v39;
	v35 =	vld.idx.msk [tilespmem:v35+s25+$0x0], $0xffff  }
0x52: {  	v22 =	vor.u32 v5, v39;
	v21 =	vor.u32 v6, v39;
	v39 =	vshll.u32 v31, $0x3;
	v53 =	vld.idx.msk [tilespmem:v34+s25+$0x0], $0xffff  }
0x53: {  	v46 =	vand.u32 $0xFFFFFC00, v46;
	v54 =	vshll.u32 v29, $0x3;
	v34 =	vshll.u32 v41, $0x3;
	[tilespmem:v14+s16+$0x0] =	vst.idx.msk $0xffff, v36;
	v55 =	vld.idx.msk [tilespmem:v33+s25+$0x0], $0xffff;
	v14 =	vmovc v19  }
0x54: {  	v33 =	vand.u32 $0xFFFFFC00, v49;
	v49 =	vand.u32 $0xFFFFFC00, v39;
	v56 =	vand.u32 $0xFFFFFC00, v34;
	v19 =	vmovc v50;
	[tilespmem:v15+s16+$0x0] =	vst.idx.msk $0xffff, v40;
	v34 =	vld.idx.msk [tilespmem:v32+s25+$0x0], $0xffff  }
0x55: {  	v54 =	vand.u32 $0xFFFFFC00, v54;
	v32 =	vand.u32 $0x7F, v26;
	v40 =	vand.u32 $0x7F, v27;
	v15 =	vmovc v18;
	v36 =	vld.idx.msk [tilespmem:v52+s12+$0x0], $0xffff;
	[tilespmem:v17+s16+$0x0] =	vst.idx.msk $0xffff, v38  }
.Ltmp2:
0x56: {  	v31 =	vand.u32 $0x7F, v31;
	v18 =	vmovc v51;
	v17 =	vand.u32 $0x7F, v28;
	v26 =	vld.idx.msk [tilespmem:v50+s12+$0x0], $0xffff;
	v50 =	vand.u32 $0x7F, v30;
	[tilespmem:v44+s16+$0x0] =	vst.idx.msk $0xffff, v37;
	(pc) =	sbr.rel @p0 .LBB2_3-.Ltmp2, $4  }
0x57: {  	v29 =	vand.u32 $0x7F, v29;
	v39 =	vor.u32 v32, v47;
	v32 =	vand.u32 $0x7F, v41;
	v27 =	vld.idx.msk [tilespmem:v51+s12+$0x0], $0xffff;
	[tilespmem:v42+s16+$0x0] =	vst.idx.msk $0xffff, v35  }
0x58: {  	v40 =	vor.u32 v40, v48;
	v38 =	vor.u32 v17, v46;
	v28 =	vld.idx.msk [tilespmem:v25+s12+$0x0], $0xffff;
	[tilespmem:v20+s16+$0x0] =	vst.idx.msk $0xffff, v53  }
0x59: {  	v37 =	vor.u32 v50, v33;
	v35 =	vor.u32 v31, v49;
	v33 =	vor.u32 v32, v56;
	v30 =	vld.idx.msk [tilespmem:v24+s12+$0x0], $0xffff  }
0x5a: {  	s28 =	sadd.s32 $0x80, s28;
	v32 =	vor.u32 v29, v54;
	v20 =	vmov v52;
	v17 =	vmov v43;
	v31 =	vld.idx.msk [tilespmem:v23+s12+$0x0], $0xffff;
	[tilespmem:v45+s16+$0x0] =	vst.idx.msk $0xffff, v55  }
0x5b: {  	_ =	sdelay $0x3  }
0x5c: {  	v29 =	vld.idx.msk [tilespmem:v22+s12+$0x0], $0xffff;
	v41 =	vshll.u32 v36, $0x3  }
0x5d: {  	v42 =	vld.idx.msk [tilespmem:v21+s12+$0x0], $0xffff;
	v61 =	vand.u32 $0x7F, v36;
	v43 =	vshll.u32 v26, $0x3;
	v26 =	vand.u32 $0x7F, v26  }
0x5e: {  	v39 =	vld.idx.msk [tilespmem:v39+s25+$0x0], $0xffff;
	v41 =	vand.u32 $0xFFFFFC00, v41;
	v62 =	vshll.u32 v27, $0x3;
	v43 =	vand.u32 $0xFFFFFC00, v43  }
0x5f: {  	v40 =	vld.idx.msk [tilespmem:v40+s25+$0x0], $0xffff;
	v27 =	vand.u32 $0x7F, v27;
	v36 =	vor.u32 v61, v41;
	v44 =	vshll.u32 v28, $0x3  }
0x60: {  	v38 =	vld.idx.msk [tilespmem:v38+s25+$0x0], $0xffff;
	v41 =	vand.u32 $0xFFFFFC00, v62;
	v26 =	vor.u32 v26, v43;
	v28 =	vand.u32 $0x7F, v28  }
0x61: {  	v37 =	vld.idx.msk [tilespmem:v37+s25+$0x0], $0xffff;
	v45 =	vshll.u32 v30, $0x3;
	v44 =	vand.u32 $0xFFFFFC00, v44;
	v27 =	vor.u32 v27, v41  }
0x62: {  	[tilespmem:v16+s16+$0x0] =	vst.idx.msk $0xffff, v34;
	v16 =	vld.idx.msk [tilespmem:v35+s25+$0x0], $0xffff;
	v30 =	vand.u32 $0x7F, v30;
	v46 =	vshll.u32 v31, $0x3;
	v28 =	vor.u32 v28, v44  }
0x63: {  	v33 =	vld.idx.msk [tilespmem:v33+s25+$0x0], $0xffff;
	v63 =	vshll.u32 v29, $0x3;
	v47 =	vshll.u32 v42, $0x3;
	[tilespmem:v14+s16+$0x0] =	vst.idx.msk $0xffff, v39;
	v14 =	vand.u32 $0xFFFFFC00, v45  }
0x64: {  	v49 =	vand.u32 $0xFFFFFC00, v46;
	[tilespmem:v15+s16+$0x0] =	vst.idx.msk $0xffff, v40;
	v15 =	vand.u32 $0x7F, v31;
	v31 =	vld.idx.msk [tilespmem:v32+s25+$0x0], $0xffff;
	v14 =	vor.u32 v30, v14  }
0x65: {  	[tilespmem:v17+s16+$0x0] =	vst.idx.msk $0xffff, v38;
	v17 =	vand.u32 $0x7F, v29;
	v30 =	vand.u32 $0xFFFFFC00, v63;
	v15 =	vor.u32 v15, v49;
	v48 =	vld.idx.msk [tilespmem:v36+s25+$0x0], $0xffff  }
0x66: {  	[tilespmem:v13+s16+$0x0] =	vst.idx.msk $0xffff, v37;
	v13 =	vand.u32 $0x7F, v42;
	v29 =	vand.u32 $0xFFFFFC00, v47;
	v17 =	vor.u32 v17, v30;
	v26 =	vld.idx.msk [tilespmem:v26+s25+$0x0], $0xffff  }
0x67: {  	[tilespmem:v12+s16+$0x0] =	vst.idx.msk $0xffff, v16;
	v12 =	vor.u32 v13, v29;
	v13 =	vld.idx.msk [tilespmem:v27+s25+$0x0], $0xffff  }
0x68: {  	[tilespmem:v11+s16+$0x0] =	vst.idx.msk $0xffff, v33;
	v16 =	vld.idx.msk [tilespmem:v28+s25+$0x0], $0xffff  }
0x69: {  	[tilespmem:v10+s16+$0x0] =	vst.idx.msk $0xffff, v31;
	v11 =	vld.idx.msk [tilespmem:v14+s25+$0x0], $0xffff  }
0x6a: {  	v9 =	vor.u32 $0x80, v9;
	v10 =	vld.idx.msk [tilespmem:v15+s25+$0x0], $0xffff;
	[tilespmem:v20+s16+$0x0] =	vst.idx.msk $0xffff, v48  }
0x6b: {  	[tilespmem:v19+s16+$0x0] =	vst.idx.msk $0xffff, v26;
	v15 =	vld.idx.msk [tilespmem:v17+s25+$0x0], $0xffff;
	v17 =	vbroadcast v9, $0x0  }
0x6c: {  	v9 =	vld.idx.msk [tilespmem:v12+s25+$0x0], $0xffff;
	[tilespmem:v18+s16+$0x0] =	vst.idx.msk $0xffff, v13  }
0x6d: {  	[tilespmem:v25+s16+$0x0] =	vst.idx.msk $0xffff, v16;
	v28 =	vor.u32 v7, v17  }
0x6e: {  	v14 =	vor.u32 v0, v17;
	[tilespmem:v24+s16+$0x0] =	vst.idx.msk $0xffff, v11  }
0x6f: {  	v12 =	vor.u32 v3, v17;
	[tilespmem:v23+s16+$0x0] =	vst.idx.msk $0xffff, v10  }
0x70: {  	v20 =	vor.u32 v2, v17;
	[tilespmem:v22+s16+$0x0] =	vst.idx.msk $0xffff, v15  }
0x71: {  	v13 =	vor.u32 v1, v17;
	[tilespmem:v21+s16+$0x0] =	vst.idx.msk $0xffff, v9  }
0x72: {  	v10 =	vor.u32 v4, v17;
	v15 =	vld.idx.msk [tilespmem:v28+s12+$0x0], $0xffff  }
0x73: {  	v8 =	vor.u32 $0x80, v8;
	v11 =	vor.u32 v6, v17;
	v23 =	vld.idx.msk [tilespmem:v14+s12+$0x0], $0xffff  }
0x74: {  	v51 =	vbroadcast v8, $0x0;
	v26 =	vld.idx.msk [tilespmem:v12+s12+$0x0], $0xffff  }
0x75: {  	v25 =	vld.idx.msk [tilespmem:v20+s12+$0x0], $0xffff  }
0x76: {  	v8 =	vor.u32 v7, v51;
	v19 =	vor.u32 v4, v51;
	v24 =	vld.idx.msk [tilespmem:v13+s12+$0x0], $0xffff  }
0x77: {  	v18 =	vor.u32 v5, v51;
	v9 =	vor.u32 v5, v17;
	v22 =	vor.u32 v2, v51;
	v27 =	vld.idx.msk [tilespmem:v10+s12+$0x0], $0xffff  }
0x78: {  	v21 =	vor.u32 v3, v51;
	v31 =	vld.idx.msk [tilespmem:v11+s12+$0x0], $0xffff;
	v16 =	vshll.u32 v15, $0x3;
	v15 =	vand.u32 $0x7F, v15  }
0x79: {  	v17 =	vshll.u32 v23, $0x3;
	v50 =	vshll.u32 v26, $0x3;
	v58 =	vand.u32 $0x7F, v23  }
0x7a: {  	v60 =	vand.u32 $0x7F, v25;
	v26 =	vand.u32 $0x7F, v26;
	v16 =	vand.u32 $0xFFFFFC00, v16  }
0x7b: {  	v52 =	vand.u32 $0xFFFFFC00, v17;
	v17 =	vor.u32 v6, v51;
	v15 =	vor.u32 v16, v15  }
0x7c: {  	v29 =	vld.idx.msk [tilespmem:v9+s12+$0x0], $0xffff;
	v32 =	vand.u32 $0xFFFFFC00, v50;
	v16 =	vshll.u32 v24, $0x3;
	v30 =	vor.u32 $0x80, v15  }
0x7d: {  	v53 =	vshll.u32 v27, $0x3;
	v57 =	vshll.u32 v31, $0x3;
	v24 =	vand.u32 $0x7F, v24  }
0x7e: {  	v15 =	vshll.u32 v25, $0x3;
	v54 =	vand.u32 $0xFFFFFC00, v16;
	v16 =	vor.u32 v0, v51  }
0x7f: {  	v33 =	vld.idx.msk [tilespmem:v8+s12+$0x0], $0xffff;
	v27 =	vand.u32 $0x7F, v27;
	v55 =	vand.u32 $0xFFFFFC00, v15;
	v15 =	vor.u32 v1, v51  }
0x80: {  	s26 =	simm.s32 $0x0;
	v34 =	vor.u32 v52, v58;
	v31 =	vand.u32 $0x7F, v31;
	v32 =	vor.u32 v32, v26;
	v26 =	vld.idx.msk [tilespmem:v21+s12+$0x0], $0xffff  }
0x81: {  	v56 =	vshll.u32 v29, $0x3;
	v35 =	vand.u32 $0xFFFFFC00, v53;
	v59 =	vand.u32 $0xFFFFFC00, v57;
	v30 =	vld.idx.msk [tilespmem:v30+s26+$0x0], $0xffff  }
0x82: {  	v29 =	vand.u32 $0x7F, v29;
	v36 =	vor.u32 $0x80, v34;
	v61 =	vor.u32 v54, v24;
	v24 =	vld.idx.msk [tilespmem:v22+s12+$0x0], $0xffff  }
0x83: {  	v32 =	vor.u32 $0x80, v32;
	v38 =	vand.u32 $0xFFFFFC00, v56;
	v62 =	vor.u32 v35, v27;
	v23 =	vld.idx.msk [tilespmem:v16+s12+$0x0], $0xffff  }
0x84: {  	v63 =	vor.u32 v59, v31;
	v37 =	vor.u32 v55, v60;
	v29 =	vor.u32 v38, v29;
	v25 =	vld.idx.msk [tilespmem:v15+s12+$0x0], $0xffff  }
0x85: {  	v27 =	vld.idx.msk [tilespmem:v19+s12+$0x0], $0xffff;
	v35 =	vor.u32 $0x80, v61;
	v31 =	vor.u32 $0x80, v62;
	v34 =	vor.u32 $0x80, v37  }
0x86: {  	s25 =	simm.s32 $0x0;
	v37 =	vshll.u32 v33, $0x3;
	[tilespmem:v28+s16+$0x0] =	vst.idx.msk $0xffff, v30;
	v28 =	vld.idx.msk [tilespmem:v18+s12+$0x0], $0xffff;
	v30 =	vor.u32 $0x80, v29;
	v29 =	vor.u32 $0x80, v63  }
.LBB2_5:
0x87: {  	v38 =	vmov s23;
	s24 =	sadd.s32 $0x8, s24;
	v39 =	vld.idx.msk [tilespmem:v17+s12+$0x0], $0xffff;
	v33 =	vand.u32 $0x7F, v33;
	v43 =	vand.u32 $0xFFFFFC00, v37;
	v40 =	vmovc v22;
	v41 =	vmovc v12  }
0x88: {  	v12 =	vmovc v21;
	v37 =	vmovc v10;
	v22 =	vshrl.u32 v38, $0x7;
	p0 =	slt.u32 s24, $0x78;
	v38 =	vshll.u32 v23, $0x3;
	v33 =	vor.u32 v43, v33  }
0x89: {  	v10 =	vmovc v19;
	v42 =	vmovc v9;
	v21 =	vshll.u32 v22, $0xA;
	v22 =	vshll.u32 v25, $0x3;
	v33 =	vor.u32 $0x80, v33;
	v36 =	vld.idx.msk [tilespmem:v36+s25+$0x0], $0xffff  }
0x8a: {  	v9 =	vmovc v18;
	v44 =	vmovc v11;
	v43 =	vshll.u32 v26, $0x3;
	v19 =	vor.u32 $0x80, v21;
	v21 =	vshll.u32 v24, $0x3;
	v35 =	vld.idx.msk [tilespmem:v35+s25+$0x0], $0xffff  }
0x8b: {  	v11 =	vmovc v17;
	v38 =	vand.u32 $0xFFFFFC00, v38;
	v46 =	vshll.u32 v27, $0x3;
	v45 =	vbroadcast v19, $0x0;
	v34 =	vld.idx.msk [tilespmem:v34+s25+$0x0], $0xffff  }
0x8c: {  	v47 =	vand.u32 $0xFFFFFC00, v22;
	v48 =	vand.u32 $0xFFFFFC00, v21;
	v49 =	vshll.u32 v28, $0x3;
	v32 =	vld.idx.msk [tilespmem:v32+s25+$0x0], $0xffff  }
0x8d: {  	v50 =	vor.u32 v0, v45;
	v51 =	vor.u32 v1, v45;
	v52 =	vor.u32 v7, v45;
	v31 =	vld.idx.msk [tilespmem:v31+s25+$0x0], $0xffff  }
0x8e: {  	v22 =	vor.u32 v2, v45;
	v21 =	vor.u32 v3, v45;
	v19 =	vor.u32 v4, v45;
	v53 =	vld.idx.msk [tilespmem:v33+s26+$0x0], $0xffff  }
0x8f: {  	v18 =	vor.u32 v5, v45;
	v17 =	vor.u32 v6, v45;
	v33 =	vshll.u32 v39, $0x3;
	v30 =	vld.idx.msk [tilespmem:v30+s25+$0x0], $0xffff  }
0x90: {  	v43 =	vand.u32 $0xFFFFFC00, v43;
	v45 =	vand.u32 $0xFFFFFC00, v46;
	v46 =	vand.u32 $0xFFFFFC00, v49;
	[tilespmem:v14+s16+$0x0] =	vst.idx.msk $0xffff, v36;
	v49 =	vld.idx.msk [tilespmem:v29+s25+$0x0], $0xffff;
	v14 =	vmovc v16;
	s25 =	smov.u32 s26  }
0x91: {  	v54 =	vand.u32 $0xFFFFFC00, v33;
	v29 =	vand.u32 $0x7F, v23;
	v36 =	vand.u32 $0x7F, v25;
	v16 =	vmovc v50;
	[tilespmem:v13+s16+$0x0] =	vst.idx.msk $0xffff, v35;
	v13 =	vmovc v15  }
0x92: {  	v26 =	vand.u32 $0x7F, v26;
	v24 =	vand.u32 $0x7F, v24;
	v27 =	vand.u32 $0x7F, v27;
	v15 =	vmovc v51;
	v33 =	vld.idx.msk [tilespmem:v52+s12+$0x0], $0xffff;
	[tilespmem:v20+s16+$0x0] =	vst.idx.msk $0xffff, v34  }
0x93: {  	v28 =	vand.u32 $0x7F, v28;
	v20 =	vor.u32 v38, v29;
	v29 =	vand.u32 $0x7F, v39;
	v23 =	vld.idx.msk [tilespmem:v50+s12+$0x0], $0xffff;
	[tilespmem:v41+s16+$0x0] =	vst.idx.msk $0xffff, v32  }
.Ltmp3:
0x94: {  	v34 =	vor.u32 v48, v24;
	v32 =	vor.u32 v47, v36;
	v25 =	vld.idx.msk [tilespmem:v51+s12+$0x0], $0xffff;
	[tilespmem:v8+s16+$0x0] =	vst.idx.msk $0xffff, v53;
	(pc) =	sbr.rel @p0 .LBB2_5-.Ltmp3, $4  }
0x95: {  	v38 =	vor.u32 v45, v27;
	v39 =	vor.u32 v46, v28;
	v41 =	vor.u32 v43, v26;
	v24 =	vld.idx.msk [tilespmem:v22+s12+$0x0], $0xffff  }
0x96: {  	v36 =	vor.u32 $0x80, v20;
	v43 =	vor.u32 v54, v29;
	v35 =	vor.u32 $0x80, v32;
	v26 =	vld.idx.msk [tilespmem:v21+s12+$0x0], $0xffff;
	[tilespmem:v37+s16+$0x0] =	vst.idx.msk $0xffff, v31  }
0x97: {  	v34 =	vor.u32 $0x80, v34;
	v32 =	vor.u32 $0x80, v41;
	v8 =	vmovc v52;
	v31 =	vor.u32 $0x80, v38;
	v27 =	vld.idx.msk [tilespmem:v19+s12+$0x0], $0xffff;
	[tilespmem:v42+s16+$0x0] =	vst.idx.msk $0xffff, v30  }
0x98: {  	s23 =	sadd.s32 $0x80, s23;
	v29 =	vor.u32 $0x80, v43;
	v20 =	vmovc v40;
	v37 =	vshll.u32 v33, $0x3;
	v30 =	vor.u32 $0x80, v39;
	v28 =	vld.idx.msk [tilespmem:v18+s12+$0x0], $0xffff;
	[tilespmem:v44+s16+$0x0] =	vst.idx.msk $0xffff, v49  }
0x99: {  	_ =	sdelay $0x1  }
0x9a: {  	v33 =	vand.u32 $0x7F, v33;
	v37 =	vand.u32 $0xFFFFFC00, v37;
	v63 =	vshll.u32 v23, $0x3  }
0x9b: {  	v39 =	vshll.u32 v25, $0x3;
	v23 =	vand.u32 $0x7F, v23;
	v25 =	vand.u32 $0x7F, v25  }
0x9c: {  	v38 =	vld.idx.msk [tilespmem:v17+s12+$0x0], $0xffff;
	v33 =	vor.u32 v37, v33;
	v40 =	vshll.u32 v24, $0x3;
	v37 =	vand.u32 $0xFFFFFC00, v63  }
0x9d: {  	v36 =	vld.idx.msk [tilespmem:v36+s25+$0x0], $0xffff;
	v39 =	vand.u32 $0xFFFFFC00, v39;
	v24 =	vand.u32 $0x7F, v24;
	v33 =	vor.u32 $0x80, v33  }
0x9e: {  	v35 =	vld.idx.msk [tilespmem:v35+s25+$0x0], $0xffff;
	v41 =	vshll.u32 v26, $0x3;
	v40 =	vand.u32 $0xFFFFFC00, v40;
	v23 =	vor.u32 v37, v23  }
0x9f: {  	v34 =	vld.idx.msk [tilespmem:v34+s25+$0x0], $0xffff;
	v25 =	vor.u32 v39, v25;
	v26 =	vand.u32 $0x7F, v26;
	v42 =	vshll.u32 v27, $0x3  }
0xa0: {  	v41 =	vand.u32 $0xFFFFFC00, v41;
	v23 =	vor.u32 $0x80, v23;
	v24 =	vor.u32 v40, v24  }
0xa1: {  	v32 =	vld.idx.msk [tilespmem:v32+s25+$0x0], $0xffff;
	s23 =	simm.s32 $0x0;
	v25 =	vor.u32 $0x80, v25;
	v43 =	vshll.u32 v28, $0x3;
	v42 =	vand.u32 $0xFFFFFC00, v42  }
0xa2: {  	v26 =	vor.u32 v41, v26;
	v24 =	vor.u32 $0x80, v24;
	v44 =	vshll.u32 v38, $0x3;
	[tilespmem:v14+s16+$0x0] =	vst.idx.msk $0xffff, v36;
	v33 =	vld.idx.msk [tilespmem:v33+s23+$0x0], $0xffff  }
0xa3: {  	v31 =	vld.idx.msk [tilespmem:v31+s25+$0x0], $0xffff;
	v43 =	vand.u32 $0xFFFFFC00, v43;
	v14 =	vand.u32 $0x7F, v27;
	[tilespmem:v13+s16+$0x0] =	vst.idx.msk $0xffff, v35;
	v13 =	vand.u32 $0x7F, v28  }
0xa4: {  	v27 =	vld.idx.msk [tilespmem:v30+s25+$0x0], $0xffff;
	v26 =	vor.u32 $0x80, v26;
	[tilespmem:v20+s16+$0x0] =	vst.idx.msk $0xffff, v34;
	v20 =	vand.u32 $0x7F, v38;
	v14 =	vor.u32 v42, v14  }
0xa5: {  	v28 =	vld.idx.msk [tilespmem:v29+s25+$0x0], $0xffff;
	v44 =	vand.u32 $0xFFFFFC00, v44;
	v13 =	vor.u32 v43, v13;
	v14 =	vor.u32 $0x80, v14  }
0xa6: {  	[tilespmem:v12+s16+$0x0] =	vst.idx.msk $0xffff, v32;
	v12 =	vor.u32 v44, v20;
	v13 =	vor.u32 $0x80, v13;
	v20 =	vld.idx.msk [tilespmem:v23+s23+$0x0], $0xffff  }
0xa7: {  	v12 =	vor.u32 $0x80, v12;
	v23 =	vld.idx.msk [tilespmem:v25+s23+$0x0], $0xffff;
	[tilespmem:v8+s16+$0x0] =	vst.idx.msk $0xffff, v33;
	v8 =	vmov s23  }
0xa8: {  	[tilespmem:v10+s16+$0x0] =	vst.idx.msk $0xffff, v31;
	v10 =	vld.idx.msk [tilespmem:v24+s23+$0x0], $0xffff;
	v8 =	vshrl.u32 v8, $0x7  }
0xa9: {  	[tilespmem:v9+s16+$0x0] =	vst.idx.msk $0xffff, v27;
	v9 =	vld.idx.msk [tilespmem:v26+s23+$0x0], $0xffff;
	v8 =	vshll.u32 v8, $0xA  }
0xaa: {  	[tilespmem:v11+s16+$0x0] =	vst.idx.msk $0xffff, v28;
	v11 =	vld.idx.msk [tilespmem:v14+s23+$0x0], $0xffff;
	v14 =	vor.u32 $0x100, v8  }
0xab: {  	v13 =	vld.idx.msk [tilespmem:v13+s23+$0x0], $0xffff;
	[tilespmem:v16+s16+$0x0] =	vst.idx.msk $0xffff, v20;
	v14 =	vbroadcast v14, $0x0  }
0xac: {  	v12 =	vld.idx.msk [tilespmem:v12+s23+$0x0], $0xffff;
	[tilespmem:v15+s16+$0x0] =	vst.idx.msk $0xffff, v23  }
0xad: {  	[tilespmem:v22+s16+$0x0] =	vst.idx.msk $0xffff, v10;
	v27 =	vor.u32 v7, v14  }
0xae: {  	[tilespmem:v21+s16+$0x0] =	vst.idx.msk $0xffff, v9;
	v10 =	vor.u32 v0, v14  }
0xaf: {  	[tilespmem:v19+s16+$0x0] =	vst.idx.msk $0xffff, v11;
	v9 =	vor.u32 v1, v14  }
0xb0: {  	[tilespmem:v18+s16+$0x0] =	vst.idx.msk $0xffff, v13;
	v16 =	vor.u32 v2, v14  }
0xb1: {  	[tilespmem:v17+s16+$0x0] =	vst.idx.msk $0xffff, v12;
	v13 =	vor.u32 v3, v14  }
0xb2: {  	v11 =	vor.u32 v4, v14;
	v31 =	vld.idx.msk [tilespmem:v27+s12+$0x0], $0xffff  }
0xb3: {  	p1 =	por $0x1, $0x1;
	v12 =	vor.u32 v5, v14;
	v17 =	vld.idx.msk [tilespmem:v10+s12+$0x0], $0xffff  }
.Ltmp4:
0xb4: {  	v21 =	vld.idx.msk [tilespmem:v9+s12+$0x0], $0xffff;
	(pc) =	sbr.rel @!p1 .LBB2_7-.Ltmp4, $4  }
0xb5: {  	v18 =	vld.idx.msk [tilespmem:v16+s12+$0x0], $0xffff  }
0xb6: {  	v19 =	vld.idx.msk [tilespmem:v13+s12+$0x0], $0xffff  }
0xb7: {  	v22 =	vld.idx.msk [tilespmem:v11+s12+$0x0], $0xffff  }
0xb8: {  	s24 =	simm.s32 $0x80;
	p0 =	por $0x0, $0x0;
	v15 =	vor.u32 v6, v14;
	v23 =	vld.idx.msk [tilespmem:v12+s12+$0x0], $0xffff;
	v39 =	vshll.u32 v31, $0x3  }
0xb9: {  	v14 =	vmov s24;
	v20 =	vand.u32 $0x7F, v31  }
0xba: {  	v24 =	vand.u32 $0xFFFFFC00, v39;
	v25 =	vshll.u32 v17, $0x3;
	v14 =	vshrl.u32 v14, $0x7  }
0xbb: {  	v41 =	vand.u32 $0x7F, v17;
	v42 =	vand.u32 $0x7F, v21;
	v14 =	vshll.u32 v14, $0xA  }
0xbc: {  	v20 =	vor.u32 v24, v20;
	v24 =	vshll.u32 v21, $0x3;
	v14 =	vor.u32 $0x100, v14  }
0xbd: {  	v34 =	vand.u32 $0xFFFFFC00, v25;
	v29 =	vor.u32 $0x100, v20;
	v14 =	vbroadcast v14, $0x0  }
0xbe: {  	v20 =	vshll.u32 v18, $0x3;
	v31 =	vshll.u32 v19, $0x3;
	v36 =	vand.u32 $0xFFFFFC00, v24  }
0xbf: {  	v18 =	vand.u32 $0x7F, v18;
	v19 =	vand.u32 $0x7F, v19;
	v26 =	vor.u32 v7, v14  }
0xc0: {  	v34 =	vor.u32 v34, v41;
	v35 =	vshll.u32 v22, $0x3;
	v24 =	vor.u32 v0, v14  }
0xc1: {  	v32 =	vld.idx.msk [tilespmem:v15+s12+$0x0], $0xffff;
	v37 =	vand.u32 $0xFFFFFC00, v20;
	v40 =	vand.u32 $0xFFFFFC00, v31;
	v25 =	vor.u32 v1, v14  }
0xc2: {  	v22 =	vand.u32 $0x7F, v22;
	v36 =	vor.u32 v36, v42;
	v20 =	vor.u32 v2, v14  }
0xc3: {  	v38 =	vshll.u32 v23, $0x3;
	v35 =	vand.u32 $0xFFFFFC00, v35;
	v33 =	vor.u32 v3, v14;
	v29 =	vld.idx.msk [tilespmem:v29+s23+$0x0], $0xffff  }
0xc4: {  	v23 =	vand.u32 $0x7F, v23;
	v37 =	vor.u32 v37, v18;
	v30 =	vor.u32 v4, v14;
	v31 =	vld.idx.msk [tilespmem:v26+s12+$0x0], $0xffff  }
0xc5: {  	p3 =	por $0x1, $0x1;
	v40 =	vor.u32 v40, v19;
	v36 =	vor.u32 $0x100, v36;
	v28 =	vor.u32 v5, v14;
	v17 =	vld.idx.msk [tilespmem:v24+s12+$0x0], $0xffff  }
.Ltmp5:
0xc6: {  	v61 =	vshll.u32 v32, $0x3;
	v38 =	vand.u32 $0xFFFFFC00, v38;
	v14 =	vor.u32 v6, v14;
	v21 =	vld.idx.msk [tilespmem:v25+s12+$0x0], $0xffff;
	(pc) =	sbr.rel @!p3 .LBB2_9-.Ltmp5, $4  }
0xc7: {  	v32 =	vand.u32 $0x7F, v32;
	v62 =	vor.u32 v35, v22;
	v37 =	vor.u32 $0x100, v37;
	v18 =	vld.idx.msk [tilespmem:v20+s12+$0x0], $0xffff  }
0xc8: {  	v39 =	vand.u32 $0xFFFFFC00, v61;
	v63 =	vor.u32 v38, v23;
	v38 =	vor.u32 $0x100, v34;
	v19 =	vld.idx.msk [tilespmem:v33+s12+$0x0], $0xffff  }
0xc9: {  	v35 =	vor.u32 $0x100, v40;
	v34 =	vor.u32 $0x100, v62;
	v43 =	vor.u32 v39, v32;
	v22 =	vld.idx.msk [tilespmem:v30+s12+$0x0], $0xffff  }
0xca: {  	s25 =	simm.s32 $0x8;
	s26 =	simm.s32 $0x100;
	p2 =	por $0x1, $0x1;
	v32 =	vor.u32 $0x100, v63;
	v23 =	vld.idx.msk [tilespmem:v28+s12+$0x0], $0xffff;
	[tilespmem:v27+s16+$0x0] =	vst.idx.msk $0xffff, v29;
	v29 =	vor.u32 $0x100, v43;
	v39 =	vshll.u32 v31, $0x3  }
.LBB2_10:
0xcb: {  	v27 =	vmov s26;
	s25 =	sadd.s32 $0x8, s25;
	v40 =	vld.idx.msk [tilespmem:v14+s12+$0x0], $0xffff;
	v31 =	vand.u32 $0x7F, v31;
	v44 =	vand.u32 $0xFFFFFC00, v39;
	v41 =	vmovc v20;
	v42 =	vmovc v13  }
0xcc: {  	v13 =	vmovc v33;
	v39 =	vmovc v11;
	v20 =	vshrl.u32 v27, $0x7;
	p3 =	slt.u32 s25, $0x78;
	v27 =	vshll.u32 v17, $0x3;
	v31 =	vor.u32 v44, v31  }
0xcd: {  	v33 =	vshll.u32 v21, $0x3;
	v11 =	vmovc v30;
	v43 =	vmovc v12;
	v20 =	vshll.u32 v20, $0xA;
	v31 =	vor.u32 $0x100, v31;
	v38 =	vld.idx.msk [tilespmem:v38+s23+$0x0], $0xffff  }
0xce: {  	v12 =	vmovc v28;
	v45 =	vmovc v15;
	v30 =	vshll.u32 v18, $0x3;
	v44 =	vshll.u32 v19, $0x3;
	v20 =	vor.u32 $0x100, v20;
	v36 =	vld.idx.msk [tilespmem:v36+s23+$0x0], $0xffff  }
0xcf: {  	v15 =	vmovc v14;
	v27 =	vand.u32 $0xFFFFFC00, v27;
	v47 =	vshll.u32 v22, $0x3;
	v46 =	vbroadcast v20, $0x0;
	v37 =	vld.idx.msk [tilespmem:v37+s23+$0x0], $0xffff  }
0xd0: {  	v48 =	vand.u32 $0xFFFFFC00, v33;
	v49 =	vand.u32 $0xFFFFFC00, v30;
	v50 =	vshll.u32 v23, $0x3;
	v35 =	vld.idx.msk [tilespmem:v35+s23+$0x0], $0xffff  }
0xd1: {  	v51 =	vor.u32 v0, v46;
	v52 =	vor.u32 v1, v46;
	v53 =	vor.u32 v7, v46;
	v34 =	vld.idx.msk [tilespmem:v34+s23+$0x0], $0xffff  }
0xd2: {  	v20 =	vor.u32 v2, v46;
	v33 =	vor.u32 v3, v46;
	v30 =	vor.u32 v4, v46;
	v54 =	vld.idx.msk [tilespmem:v31+s23+$0x0], $0xffff  }
0xd3: {  	v28 =	vor.u32 v5, v46;
	v14 =	vor.u32 v6, v46;
	v31 =	vshll.u32 v40, $0x3;
	v32 =	vld.idx.msk [tilespmem:v32+s23+$0x0], $0xffff  }
0xd4: {  	v44 =	vand.u32 $0xFFFFFC00, v44;
	v46 =	vand.u32 $0xFFFFFC00, v47;
	v47 =	vand.u32 $0xFFFFFC00, v50;
	[tilespmem:v10+s16+$0x0] =	vst.idx.msk $0xffff, v38;
	v50 =	vld.idx.msk [tilespmem:v29+s23+$0x0], $0xffff;
	v10 =	vmovc v24  }
0xd5: {  	v55 =	vand.u32 $0xFFFFFC00, v31;
	v29 =	vand.u32 $0x7F, v17;
	v38 =	vand.u32 $0x7F, v21;
	v24 =	vmovc v51;
	[tilespmem:v9+s16+$0x0] =	vst.idx.msk $0xffff, v36;
	v9 =	vmovc v25  }
0xd6: {  	v18 =	vand.u32 $0x7F, v18;
	v19 =	vand.u32 $0x7F, v19;
	v22 =	vand.u32 $0x7F, v22;
	v25 =	vmovc v52;
	v31 =	vld.idx.msk [tilespmem:v53+s12+$0x0], $0xffff;
	[tilespmem:v16+s16+$0x0] =	vst.idx.msk $0xffff, v37  }
0xd7: {  	v23 =	vand.u32 $0x7F, v23;
	v16 =	vor.u32 v27, v29;
	v27 =	vand.u32 $0x7F, v40;
	v17 =	vld.idx.msk [tilespmem:v51+s12+$0x0], $0xffff;
	[tilespmem:v42+s16+$0x0] =	vst.idx.msk $0xffff, v35  }
.Ltmp6:
0xd8: {  	v29 =	vor.u32 v48, v38;
	v35 =	vor.u32 v49, v18;
	v21 =	vld.idx.msk [tilespmem:v52+s12+$0x0], $0xffff;
	[tilespmem:v26+s16+$0x0] =	vst.idx.msk $0xffff, v54;
	(pc) =	sbr.rel @p3 .LBB2_10-.Ltmp6, $4  }
0xd9: {  	v44 =	vor.u32 v44, v19;
	v40 =	vor.u32 v46, v22;
	v42 =	vor.u32 v47, v23;
	v18 =	vld.idx.msk [tilespmem:v20+s12+$0x0], $0xffff  }
0xda: {  	v38 =	vor.u32 $0x100, v16;
	v36 =	vor.u32 $0x100, v29;
	v27 =	vor.u32 v55, v27;
	v19 =	vld.idx.msk [tilespmem:v33+s12+$0x0], $0xffff;
	[tilespmem:v39+s16+$0x0] =	vst.idx.msk $0xffff, v34  }
0xdb: {  	v37 =	vor.u32 $0x100, v35;
	v35 =	vor.u32 $0x100, v44;
	v26 =	vmovc v53;
	v34 =	vor.u32 $0x100, v40;
	v22 =	vld.idx.msk [tilespmem:v30+s12+$0x0], $0xffff;
	[tilespmem:v43+s16+$0x0] =	vst.idx.msk $0xffff, v32  }
0xdc: {  	s26 =	sadd.s32 $0x80, s26;
	v29 =	vor.u32 $0x100, v27;
	v16 =	vmovc v41;
	v39 =	vshll.u32 v31, $0x3;
	v32 =	vor.u32 $0x100, v42;
	v23 =	vld.idx.msk [tilespmem:v28+s12+$0x0], $0xffff;
	[tilespmem:v45+s16+$0x0] =	vst.idx.msk $0xffff, v50  }
0xdd: {  	v40 =	vmov v13  }
0xde: {  	v42 =	vmovc v11;
	v41 =	vmovc v12;
	v44 =	vmov v10;
	v43 =	vmov v9;
	v13 =	vmov v33  }
0xdf: {  	v11 =	vmovc v30;
	v12 =	vmovc v28;
	v10 =	vmov v24;
	v9 =	vmov v25;
	v27 =	vmov v26  }
.LBB2_12:
0xe0: {  	_ = 	snop  }
0xe1: {  	v25 =	vand.u32 $0x7F, v31  }
0xe2: {  	v26 =	vand.u32 $0xFFFFFC00, v39;
	v28 =	vshll.u32 v21, $0x3;
	v30 =	vshll.u32 v18, $0x3  }
0xe3: {  	v31 =	vshll.u32 v19, $0x3;
	v33 =	vshll.u32 v22, $0x3;
	v21 =	vand.u32 $0x7F, v21  }
0xe4: {  	v24 =	vld.idx.msk [tilespmem:v14+s12+$0x0], $0xffff;
	v18 =	vand.u32 $0x7F, v18;
	v19 =	vand.u32 $0x7F, v19;
	v22 =	vand.u32 $0x7F, v22  }
0xe5: {  	v38 =	vld.idx.msk @p2 [tilespmem:v38+s23+$0x0], $0xffff;
	v25 =	vor.u32 v26, v25;
	v26 =	vshll.u32 v17, $0x3;
	v28 =	vand.u32 $0xFFFFFC00, v28  }
0xe6: {  	v36 =	vld.idx.msk @p2 [tilespmem:v36+s23+$0x0], $0xffff;
	v30 =	vand.u32 $0xFFFFFC00, v30;
	v63 =	vshll.u32 v23, $0x3;
	v31 =	vand.u32 $0xFFFFFC00, v31  }
0xe7: {  	v37 =	vld.idx.msk @p2 [tilespmem:v37+s23+$0x0], $0xffff;
	v33 =	vand.u32 $0xFFFFFC00, v33;
	v17 =	vand.u32 $0x7F, v17;
	v23 =	vand.u32 $0x7F, v23  }
0xe8: {  	v35 =	vld.idx.msk @p2 [tilespmem:v35+s23+$0x0], $0xffff;
	v25 =	vor.u32 $0x100, v25;
	v26 =	vand.u32 $0xFFFFFC00, v26;
	v21 =	vor.u32 v28, v21  }
0xe9: {  	v29 =	vld.idx.msk @p2 [tilespmem:v29+s23+$0x0], $0xffff;
	v39 =	vand.u32 $0xFFFFFC00, v63;
	v18 =	vor.u32 v30, v18;
	v21 =	vor.u32 $0x100, v21  }
0xea: {  	v19 =	vor.u32 v31, v19;
	v31 =	vld.idx.msk @p2 [tilespmem:v32+s23+$0x0], $0xffff;
	v22 =	vor.u32 v33, v22;
	v18 =	vor.u32 $0x100, v18;
	v28 =	vmovc @p2 v41  }
0xeb: {  	v30 =	vld.idx.msk @p2 [tilespmem:v34+s23+$0x0], $0xffff;
	v17 =	vor.u32 v26, v17;
	v19 =	vor.u32 $0x100, v19;
	v26 =	vmov @p2 v40;
	[tilespmem:v44+s16+$0x0] =	vst.idx.msk @p2 $0xffff, v38  }
0xec: {  	v23 =	vor.u32 v39, v23;
	v17 =	vor.u32 $0x100, v17;
	v45 =	vshll.u32 v24, $0x3;
	v40 =	vmovc @p2 v42;
	[tilespmem:v43+s16+$0x0] =	vst.idx.msk @p2 $0xffff, v36  }
0xed: {  	v22 =	vor.u32 $0x100, v22;
	[tilespmem:v16+s16+$0x0] =	vst.idx.msk @p2 $0xffff, v37;
	v16 =	vand.u32 $0x7F, v24;
	v45 =	vand.u32 $0xFFFFFC00, v45;
	v25 =	vld.idx.msk [tilespmem:v25+s23+$0x0], $0xffff  }
0xee: {  	v23 =	vor.u32 $0x100, v23;
	[tilespmem:v15+s16+$0x0] =	vst.idx.msk @p2 $0xffff, v29;
	v16 =	vor.u32 v45, v16;
	v21 =	vld.idx.msk [tilespmem:v21+s23+$0x0], $0xffff  }
0xef: {  	v16 =	vor.u32 $0x100, v16;
	v18 =	vld.idx.msk [tilespmem:v18+s23+$0x0], $0xffff;
	[tilespmem:v28+s16+$0x0] =	vst.idx.msk @p2 $0xffff, v31  }
0xf0: {  	v19 =	vld.idx.msk [tilespmem:v19+s23+$0x0], $0xffff;
	[tilespmem:v26+s16+$0x0] =	vst.idx.msk @p2 $0xffff, v35  }
0xf1: {  	v17 =	vld.idx.msk [tilespmem:v17+s23+$0x0], $0xffff;
	[tilespmem:v40+s16+$0x0] =	vst.idx.msk @p2 $0xffff, v30  }
0xf2: {  	v8 =	vor.u32 $0x180, v8;
	v15 =	vld.idx.msk [tilespmem:v22+s23+$0x0], $0xffff;
	[tilespmem:v27+s16+$0x0] =	vst.idx.msk $0xffff, v25  }
0xf3: {  	v8 =	vbroadcast v8, $0x0;
	v22 =	vld.idx.msk [tilespmem:v23+s23+$0x0], $0xffff;
	[tilespmem:v9+s16+$0x0] =	vst.idx.msk $0xffff, v21  }
0xf4: {  	v16 =	vld.idx.msk [tilespmem:v16+s23+$0x0], $0xffff;
	[tilespmem:v20+s16+$0x0] =	vst.idx.msk $0xffff, v18  }
0xf5: {  	v26 =	vor.u32 v7, v8;
	[tilespmem:v13+s16+$0x0] =	vst.idx.msk $0xffff, v19  }
0xf6: {  	[tilespmem:v10+s16+$0x0] =	vst.idx.msk $0xffff, v17;
	v10 =	vor.u32 v0, v8  }
0xf7: {  	[tilespmem:v11+s16+$0x0] =	vst.idx.msk $0xffff, v15;
	v9 =	vor.u32 v1, v8  }
0xf8: {  	v15 =	vor.u32 v2, v8;
	[tilespmem:v12+s16+$0x0] =	vst.idx.msk $0xffff, v22  }
0xf9: {  	v11 =	vor.u32 v3, v8;
	[tilespmem:v14+s16+$0x0] =	vst.idx.msk $0xffff, v16  }
0xfa: {  	v12 =	vor.u32 v4, v8;
	v30 =	vld.idx.msk [tilespmem:v26+s12+$0x0], $0xffff  }
0xfb: {  	v13 =	vor.u32 v5, v8;
	v18 =	vld.idx.msk [tilespmem:v10+s12+$0x0], $0xffff  }
.Ltmp7:
0xfc: {  	v20 =	vld.idx.msk [tilespmem:v9+s12+$0x0], $0xffff;
	(pc) =	sbr.rel @!p1 .LBB2_13-.Ltmp7, $4  }
0xfd: {  	v17 =	vld.idx.msk [tilespmem:v15+s12+$0x0], $0xffff  }
0xfe: {  	v19 =	vld.idx.msk [tilespmem:v11+s12+$0x0], $0xffff  }
0xff: {  	v21 =	vld.idx.msk [tilespmem:v12+s12+$0x0], $0xffff  }
0x100: {  	v8 =	vor.u32 v6, v8;
	v22 =	vld.idx.msk [tilespmem:v13+s12+$0x0], $0xffff;
	v38 =	vshll.u32 v30, $0x3  }
0x101: {  	v14 =	vmov s24;
	v16 =	vand.u32 $0x7F, v30  }
0x102: {  	v23 =	vand.u32 $0xFFFFFC00, v38;
	v24 =	vshll.u32 v18, $0x3;
	v14 =	vshrl.u32 v14, $0x7  }
0x103: {  	v40 =	vand.u32 $0x7F, v18;
	v41 =	vand.u32 $0x7F, v20;
	v14 =	vshll.u32 v14, $0xA  }
0x104: {  	v16 =	vor.u32 v23, v16;
	v23 =	vshll.u32 v20, $0x3;
	v14 =	vor.u32 $0x180, v14  }
0x105: {  	v33 =	vand.u32 $0xFFFFFC00, v24;
	v29 =	vor.u32 $0x180, v16;
	v14 =	vbroadcast v14, $0x0  }
0x106: {  	v16 =	vshll.u32 v17, $0x3;
	v30 =	vshll.u32 v19, $0x3;
	v35 =	vand.u32 $0xFFFFFC00, v23  }
0x107: {  	v17 =	vand.u32 $0x7F, v17;
	v19 =	vand.u32 $0x7F, v19;
	v25 =	vor.u32 v7, v14  }
0x108: {  	v33 =	vor.u32 v33, v40;
	v34 =	vshll.u32 v21, $0x3;
	v23 =	vor.u32 v0, v14  }
0x109: {  	v32 =	vld.idx.msk [tilespmem:v8+s12+$0x0], $0xffff;
	v36 =	vand.u32 $0xFFFFFC00, v16;
	v39 =	vand.u32 $0xFFFFFC00, v30;
	v24 =	vor.u32 v1, v14  }
0x10a: {  	s24 =	simm.s32 $0x0;
	v21 =	vand.u32 $0x7F, v21;
	v35 =	vor.u32 v35, v41;
	v16 =	vor.u32 v2, v14  }
0x10b: {  	v37 =	vshll.u32 v22, $0x3;
	v34 =	vand.u32 $0xFFFFFC00, v34;
	v31 =	vor.u32 v3, v14;
	v29 =	vld.idx.msk [tilespmem:v29+s24+$0x0], $0xffff  }
0x10c: {  	v22 =	vand.u32 $0x7F, v22;
	v36 =	vor.u32 v36, v17;
	v28 =	vor.u32 v4, v14;
	v30 =	vld.idx.msk [tilespmem:v25+s12+$0x0], $0xffff  }
0x10d: {  	p1 =	por $0x1, $0x1;
	v39 =	vor.u32 v39, v19;
	v35 =	vor.u32 $0x180, v35;
	v27 =	vor.u32 v5, v14;
	v18 =	vld.idx.msk [tilespmem:v23+s12+$0x0], $0xffff  }
.Ltmp8:
0x10e: {  	v61 =	vshll.u32 v32, $0x3;
	v37 =	vand.u32 $0xFFFFFC00, v37;
	v14 =	vor.u32 v6, v14;
	v20 =	vld.idx.msk [tilespmem:v24+s12+$0x0], $0xffff;
	(pc) =	sbr.rel @!p1 .LBB2_15-.Ltmp8, $4  }
0x10f: {  	v32 =	vand.u32 $0x7F, v32;
	v62 =	vor.u32 v34, v21;
	v36 =	vor.u32 $0x180, v36;
	v17 =	vld.idx.msk [tilespmem:v16+s12+$0x0], $0xffff  }
0x110: {  	v38 =	vand.u32 $0xFFFFFC00, v61;
	v63 =	vor.u32 v37, v22;
	v37 =	vor.u32 $0x180, v33;
	v19 =	vld.idx.msk [tilespmem:v31+s12+$0x0], $0xffff  }
0x111: {  	s23 =	simm.s32 $0x8;
	v34 =	vor.u32 $0x180, v39;
	v33 =	vor.u32 $0x180, v62;
	v42 =	vor.u32 v38, v32;
	v21 =	vld.idx.msk [tilespmem:v28+s12+$0x0], $0xffff  }
0x112: {  	s26 =	simm.s32 $0x100;
	p0 =	por $0x1, $0x1;
	s25 =	simm.s32 $0x0;
	v32 =	vor.u32 $0x180, v63;
	v22 =	vld.idx.msk [tilespmem:v27+s12+$0x0], $0xffff;
	[tilespmem:v26+s16+$0x0] =	vst.idx.msk $0xffff, v29;
	v29 =	vor.u32 $0x180, v42;
	v38 =	vshll.u32 v30, $0x3  }
.LBB2_16:
0x113: {  	v26 =	vmov s26;
	s23 =	sadd.s32 $0x8, s23;
	v39 =	vld.idx.msk [tilespmem:v14+s12+$0x0], $0xffff;
	v30 =	vand.u32 $0x7F, v30;
	v43 =	vand.u32 $0xFFFFFC00, v38;
	v40 =	vmovc v16;
	v41 =	vmovc v11  }
0x114: {  	v11 =	vmovc v31;
	v38 =	vmovc v12;
	v16 =	vshrl.u32 v26, $0x7;
	p1 =	slt.u32 s23, $0x78;
	v26 =	vshll.u32 v18, $0x3;
	v30 =	vor.u32 v43, v30  }
0x115: {  	v31 =	vshll.u32 v20, $0x3;
	v12 =	vmovc v28;
	v42 =	vmovc v13;
	v16 =	vshll.u32 v16, $0xA;
	v30 =	vor.u32 $0x180, v30;
	v37 =	vld.idx.msk [tilespmem:v37+s25+$0x0], $0xffff  }
0x116: {  	v13 =	vmovc v27;
	v44 =	vmovc v8;
	v28 =	vshll.u32 v17, $0x3;
	v43 =	vshll.u32 v19, $0x3;
	v16 =	vor.u32 $0x180, v16;
	v35 =	vld.idx.msk [tilespmem:v35+s25+$0x0], $0xffff  }
0x117: {  	v8 =	vmovc v14;
	v26 =	vand.u32 $0xFFFFFC00, v26;
	v46 =	vshll.u32 v21, $0x3;
	v45 =	vbroadcast v16, $0x0;
	v36 =	vld.idx.msk [tilespmem:v36+s25+$0x0], $0xffff  }
0x118: {  	v47 =	vand.u32 $0xFFFFFC00, v31;
	v48 =	vand.u32 $0xFFFFFC00, v28;
	v49 =	vshll.u32 v22, $0x3;
	v34 =	vld.idx.msk [tilespmem:v34+s25+$0x0], $0xffff  }
0x119: {  	v50 =	vor.u32 v0, v45;
	v51 =	vor.u32 v1, v45;
	v52 =	vor.u32 v7, v45;
	v33 =	vld.idx.msk [tilespmem:v33+s25+$0x0], $0xffff  }
0x11a: {  	v16 =	vor.u32 v2, v45;
	v31 =	vor.u32 v3, v45;
	v28 =	vor.u32 v4, v45;
	v53 =	vld.idx.msk [tilespmem:v30+s24+$0x0], $0xffff  }
0x11b: {  	v27 =	vor.u32 v5, v45;
	v14 =	vor.u32 v6, v45;
	v30 =	vshll.u32 v39, $0x3;
	v32 =	vld.idx.msk [tilespmem:v32+s25+$0x0], $0xffff  }
0x11c: {  	v43 =	vand.u32 $0xFFFFFC00, v43;
	v45 =	vand.u32 $0xFFFFFC00, v46;
	v46 =	vand.u32 $0xFFFFFC00, v49;
	[tilespmem:v10+s16+$0x0] =	vst.idx.msk $0xffff, v37;
	v49 =	vld.idx.msk [tilespmem:v29+s25+$0x0], $0xffff;
	v10 =	vmovc v23;
	s25 =	smov.u32 s24  }
0x11d: {  	v54 =	vand.u32 $0xFFFFFC00, v30;
	v29 =	vand.u32 $0x7F, v18;
	v37 =	vand.u32 $0x7F, v20;
	v23 =	vmovc v50;
	[tilespmem:v9+s16+$0x0] =	vst.idx.msk $0xffff, v35;
	v9 =	vmovc v24  }
0x11e: {  	v17 =	vand.u32 $0x7F, v17;
	v19 =	vand.u32 $0x7F, v19;
	v21 =	vand.u32 $0x7F, v21;
	v24 =	vmovc v51;
	v30 =	vld.idx.msk [tilespmem:v52+s12+$0x0], $0xffff;
	[tilespmem:v15+s16+$0x0] =	vst.idx.msk $0xffff, v36  }
0x11f: {  	v22 =	vand.u32 $0x7F, v22;
	v15 =	vor.u32 v26, v29;
	v26 =	vand.u32 $0x7F, v39;
	v18 =	vld.idx.msk [tilespmem:v50+s12+$0x0], $0xffff;
	[tilespmem:v41+s16+$0x0] =	vst.idx.msk $0xffff, v34  }
.Ltmp9:
0x120: {  	v29 =	vor.u32 v47, v37;
	v34 =	vor.u32 v48, v17;
	v20 =	vld.idx.msk [tilespmem:v51+s12+$0x0], $0xffff;
	[tilespmem:v25+s16+$0x0] =	vst.idx.msk $0xffff, v53;
	(pc) =	sbr.rel @p1 .LBB2_16-.Ltmp9, $4  }
0x121: {  	v43 =	vor.u32 v43, v19;
	v39 =	vor.u32 v45, v21;
	v41 =	vor.u32 v46, v22;
	v17 =	vld.idx.msk [tilespmem:v16+s12+$0x0], $0xffff  }
0x122: {  	v37 =	vor.u32 $0x180, v15;
	v35 =	vor.u32 $0x180, v29;
	v26 =	vor.u32 v54, v26;
	v19 =	vld.idx.msk [tilespmem:v31+s12+$0x0], $0xffff;
	[tilespmem:v38+s16+$0x0] =	vst.idx.msk $0xffff, v33  }
0x123: {  	v36 =	vor.u32 $0x180, v34;
	v34 =	vor.u32 $0x180, v43;
	v25 =	vmovc v52;
	v33 =	vor.u32 $0x180, v39;
	v21 =	vld.idx.msk [tilespmem:v28+s12+$0x0], $0xffff;
	[tilespmem:v42+s16+$0x0] =	vst.idx.msk $0xffff, v32  }
0x124: {  	s26 =	sadd.s32 $0x80, s26;
	v29 =	vor.u32 $0x180, v26;
	v15 =	vmovc v40;
	v38 =	vshll.u32 v30, $0x3;
	v32 =	vor.u32 $0x180, v41;
	v22 =	vld.idx.msk [tilespmem:v27+s12+$0x0], $0xffff;
	[tilespmem:v44+s16+$0x0] =	vst.idx.msk $0xffff, v49  }
0x125: {  	v39 =	vmov v11  }
0x126: {  	v41 =	vmovc v12;
	v40 =	vmovc v13;
	v43 =	vmov v10;
	v42 =	vmov v9;
	v11 =	vmov v31  }
0x127: {  	s24 =	smov.u32 s25;
	v12 =	vmovc v28;
	v13 =	vmovc v27;
	v10 =	vmov v23;
	v9 =	vmov v24;
	v26 =	vmov v25  }
.LBB2_18:
0x128: {  	_ =	sdelay $0x2  }
0x129: {  	v24 =	vand.u32 $0x7F, v30;
	v25 =	vand.u32 $0xFFFFFC00, v38;
	v27 =	vshll.u32 v20, $0x3  }
0x12a: {  	v23 =	vld.idx.msk [tilespmem:v14+s12+$0x0], $0xffff;
	v28 =	vshll.u32 v17, $0x3;
	v30 =	vshll.u32 v19, $0x3;
	v31 =	vshll.u32 v21, $0x3  }
0x12b: {  	v37 =	vld.idx.msk @p0 [tilespmem:v37+s24+$0x0], $0xffff;
	v20 =	vand.u32 $0x7F, v20;
	v17 =	vand.u32 $0x7F, v17;
	v24 =	vor.u32 v25, v24  }
0x12c: {  	v35 =	vld.idx.msk @p0 [tilespmem:v35+s24+$0x0], $0xffff;
	v19 =	vand.u32 $0x7F, v19;
	v21 =	vand.u32 $0x7F, v21;
	v24 =	vor.u32 $0x180, v24  }
0x12d: {  	v36 =	vld.idx.msk @p0 [tilespmem:v36+s24+$0x0], $0xffff;
	v25 =	vshll.u32 v18, $0x3;
	v27 =	vand.u32 $0xFFFFFC00, v27;
	v28 =	vand.u32 $0xFFFFFC00, v28  }
0x12e: {  	v34 =	vld.idx.msk @p0 [tilespmem:v34+s24+$0x0], $0xffff;
	v63 =	vshll.u32 v22, $0x3;
	v30 =	vand.u32 $0xFFFFFC00, v30;
	v31 =	vand.u32 $0xFFFFFC00, v31  }
0x12f: {  	v29 =	vld.idx.msk @p0 [tilespmem:v29+s24+$0x0], $0xffff;
	v18 =	vand.u32 $0x7F, v18;
	v22 =	vand.u32 $0x7F, v22;
	v20 =	vor.u32 v27, v20  }
0x130: {  	s23 =	simm.s32 $0x0;
	v25 =	vand.u32 $0xFFFFFC00, v25;
	v17 =	vor.u32 v28, v17;
	v28 =	vld.idx.msk @p0 [tilespmem:v32+s24+$0x0], $0xffff;
	v20 =	vor.u32 $0x180, v20;
	v27 =	vmovc @p0 v40  }
0x131: {  	v38 =	vand.u32 $0xFFFFFC00, v63;
	v19 =	vor.u32 v30, v19;
	v17 =	vor.u32 $0x180, v17;
	v40 =	vmovc @p0 v8;
	v8 =	vld.idx.msk [tilespmem:v24+s23+$0x0], $0xffff  }
0x132: {  	v21 =	vor.u32 v31, v21;
	v18 =	vor.u32 v25, v18;
	v19 =	vor.u32 $0x180, v19;
	[tilespmem:v43+s16+$0x0] =	vst.idx.msk @p0 $0xffff, v37  }
0x133: {  	v22 =	vor.u32 v38, v22;
	v18 =	vor.u32 $0x180, v18;
	v44 =	vshll.u32 v23, $0x3;
	v25 =	vmovc @p0 v39;
	[tilespmem:v42+s16+$0x0] =	vst.idx.msk @p0 $0xffff, v35  }
0x134: {  	v21 =	vor.u32 $0x180, v21;
	v39 =	vmovc @p0 v41;
	[tilespmem:v15+s16+$0x0] =	vst.idx.msk @p0 $0xffff, v36;
	v15 =	vand.u32 $0x7F, v23;
	v44 =	vand.u32 $0xFFFFFC00, v44;
	v24 =	vld.idx.msk @p0 [tilespmem:v33+s24+$0x0], $0xffff  }
0x135: {  	v22 =	vor.u32 $0x180, v22;
	v15 =	vor.u32 v44, v15;
	v20 =	vld.idx.msk [tilespmem:v20+s23+$0x0], $0xffff;
	[tilespmem:v27+s16+$0x0] =	vst.idx.msk @p0 $0xffff, v28  }
0x136: {  	v15 =	vor.u32 $0x180, v15;
	v17 =	vld.idx.msk [tilespmem:v17+s23+$0x0], $0xffff;
	[tilespmem:v26+s16+$0x0] =	vst.idx.msk $0xffff, v8;
	v8 =	vmov s23  }
0x137: {  	v19 =	vld.idx.msk [tilespmem:v19+s23+$0x0], $0xffff;
	[tilespmem:v40+s16+$0x0] =	vst.idx.msk @p0 $0xffff, v29;
	v8 =	vshrl.u32 v8, $0x7  }
0x138: {  	v18 =	vld.idx.msk [tilespmem:v18+s23+$0x0], $0xffff;
	[tilespmem:v25+s16+$0x0] =	vst.idx.msk @p0 $0xffff, v34;
	v8 =	vshll.u32 v8, $0xA  }
0x139: {  	v21 =	vld.idx.msk [tilespmem:v21+s23+$0x0], $0xffff;
	[tilespmem:v39+s16+$0x0] =	vst.idx.msk @p0 $0xffff, v24;
	v23 =	vor.u32 $0x200, v8  }
0x13a: {  	v22 =	vld.idx.msk [tilespmem:v22+s23+$0x0], $0xffff;
	[tilespmem:v9+s16+$0x0] =	vst.idx.msk $0xffff, v20;
	v23 =	vbroadcast v23, $0x0  }
0x13b: {  	v15 =	vld.idx.msk [tilespmem:v15+s23+$0x0], $0xffff;
	[tilespmem:v16+s16+$0x0] =	vst.idx.msk $0xffff, v17  }
0x13c: {  	[tilespmem:v11+s16+$0x0] =	vst.idx.msk $0xffff, v19;
	v27 =	vor.u32 v7, v23  }
0x13d: {  	[tilespmem:v10+s16+$0x0] =	vst.idx.msk $0xffff, v18;
	v10 =	vor.u32 v0, v23  }
0x13e: {  	[tilespmem:v12+s16+$0x0] =	vst.idx.msk $0xffff, v21;
	v9 =	vor.u32 v1, v23  }
0x13f: {  	[tilespmem:v13+s16+$0x0] =	vst.idx.msk $0xffff, v22;
	v16 =	vor.u32 v2, v23  }
0x140: {  	[tilespmem:v14+s16+$0x0] =	vst.idx.msk $0xffff, v15;
	v13 =	vor.u32 v3, v23  }
0x141: {  	v11 =	vor.u32 v4, v23;
	v31 =	vld.idx.msk [tilespmem:v27+s12+$0x0], $0xffff  }
0x142: {  	p1 =	por $0x1, $0x1;
	v12 =	vor.u32 v5, v23;
	v17 =	vld.idx.msk [tilespmem:v10+s12+$0x0], $0xffff  }
.Ltmp10:
0x143: {  	v21 =	vld.idx.msk [tilespmem:v9+s12+$0x0], $0xffff;
	(pc) =	sbr.rel @!p1 .LBB2_19-.Ltmp10, $4  }
0x144: {  	v18 =	vld.idx.msk [tilespmem:v16+s12+$0x0], $0xffff  }
0x145: {  	v19 =	vld.idx.msk [tilespmem:v13+s12+$0x0], $0xffff  }
0x146: {  	v22 =	vld.idx.msk [tilespmem:v11+s12+$0x0], $0xffff  }
0x147: {  	s24 =	simm.s32 $0x80;
	p0 =	por $0x0, $0x0;
	v15 =	vor.u32 v6, v23;
	v23 =	vld.idx.msk [tilespmem:v12+s12+$0x0], $0xffff;
	v39 =	vshll.u32 v31, $0x3  }
0x148: {  	v14 =	vmov s24;
	v20 =	vand.u32 $0x7F, v31  }
0x149: {  	v24 =	vand.u32 $0xFFFFFC00, v39;
	v25 =	vshll.u32 v17, $0x3;
	v14 =	vshrl.u32 v14, $0x7  }
0x14a: {  	v41 =	vand.u32 $0x7F, v17;
	v42 =	vand.u32 $0x7F, v21;
	v14 =	vshll.u32 v14, $0xA  }
0x14b: {  	v20 =	vor.u32 v24, v20;
	v24 =	vshll.u32 v21, $0x3;
	v14 =	vor.u32 $0x200, v14  }
0x14c: {  	v34 =	vand.u32 $0xFFFFFC00, v25;
	v29 =	vor.u32 $0x200, v20;
	v14 =	vbroadcast v14, $0x0  }
0x14d: {  	v20 =	vshll.u32 v18, $0x3;
	v31 =	vshll.u32 v19, $0x3;
	v36 =	vand.u32 $0xFFFFFC00, v24  }
0x14e: {  	v18 =	vand.u32 $0x7F, v18;
	v19 =	vand.u32 $0x7F, v19;
	v26 =	vor.u32 v7, v14  }
0x14f: {  	v34 =	vor.u32 v34, v41;
	v35 =	vshll.u32 v22, $0x3;
	v24 =	vor.u32 v0, v14  }
0x150: {  	v32 =	vld.idx.msk [tilespmem:v15+s12+$0x0], $0xffff;
	v37 =	vand.u32 $0xFFFFFC00, v20;
	v40 =	vand.u32 $0xFFFFFC00, v31;
	v25 =	vor.u32 v1, v14  }
0x151: {  	v22 =	vand.u32 $0x7F, v22;
	v36 =	vor.u32 v36, v42;
	v20 =	vor.u32 v2, v14  }
0x152: {  	v38 =	vshll.u32 v23, $0x3;
	v35 =	vand.u32 $0xFFFFFC00, v35;
	v33 =	vor.u32 v3, v14;
	v29 =	vld.idx.msk [tilespmem:v29+s23+$0x0], $0xffff  }
0x153: {  	v23 =	vand.u32 $0x7F, v23;
	v37 =	vor.u32 v37, v18;
	v30 =	vor.u32 v4, v14;
	v31 =	vld.idx.msk [tilespmem:v26+s12+$0x0], $0xffff  }
0x154: {  	p3 =	por $0x1, $0x1;
	v40 =	vor.u32 v40, v19;
	v36 =	vor.u32 $0x200, v36;
	v28 =	vor.u32 v5, v14;
	v17 =	vld.idx.msk [tilespmem:v24+s12+$0x0], $0xffff  }
.Ltmp11:
0x155: {  	v61 =	vshll.u32 v32, $0x3;
	v38 =	vand.u32 $0xFFFFFC00, v38;
	v14 =	vor.u32 v6, v14;
	v21 =	vld.idx.msk [tilespmem:v25+s12+$0x0], $0xffff;
	(pc) =	sbr.rel @!p3 .LBB2_21-.Ltmp11, $4  }
0x156: {  	v32 =	vand.u32 $0x7F, v32;
	v62 =	vor.u32 v35, v22;
	v37 =	vor.u32 $0x200, v37;
	v18 =	vld.idx.msk [tilespmem:v20+s12+$0x0], $0xffff  }
0x157: {  	v39 =	vand.u32 $0xFFFFFC00, v61;
	v63 =	vor.u32 v38, v23;
	v38 =	vor.u32 $0x200, v34;
	v19 =	vld.idx.msk [tilespmem:v33+s12+$0x0], $0xffff  }
0x158: {  	v35 =	vor.u32 $0x200, v40;
	v34 =	vor.u32 $0x200, v62;
	v43 =	vor.u32 v39, v32;
	v22 =	vld.idx.msk [tilespmem:v30+s12+$0x0], $0xffff  }
0x159: {  	s25 =	simm.s32 $0x8;
	s26 =	simm.s32 $0x100;
	p2 =	por $0x1, $0x1;
	v32 =	vor.u32 $0x200, v63;
	v23 =	vld.idx.msk [tilespmem:v28+s12+$0x0], $0xffff;
	[tilespmem:v27+s16+$0x0] =	vst.idx.msk $0xffff, v29;
	v29 =	vor.u32 $0x200, v43;
	v39 =	vshll.u32 v31, $0x3  }
.LBB2_22:
0x15a: {  	v27 =	vmov s26;
	s25 =	sadd.s32 $0x8, s25;
	v40 =	vld.idx.msk [tilespmem:v14+s12+$0x0], $0xffff;
	v31 =	vand.u32 $0x7F, v31;
	v44 =	vand.u32 $0xFFFFFC00, v39;
	v41 =	vmovc v20;
	v42 =	vmovc v13  }
0x15b: {  	v13 =	vmovc v33;
	v39 =	vmovc v11;
	v20 =	vshrl.u32 v27, $0x7;
	p3 =	slt.u32 s25, $0x78;
	v27 =	vshll.u32 v17, $0x3;
	v31 =	vor.u32 v44, v31  }
0x15c: {  	v33 =	vshll.u32 v21, $0x3;
	v11 =	vmovc v30;
	v43 =	vmovc v12;
	v20 =	vshll.u32 v20, $0xA;
	v31 =	vor.u32 $0x200, v31;
	v38 =	vld.idx.msk [tilespmem:v38+s23+$0x0], $0xffff  }
0x15d: {  	v12 =	vmovc v28;
	v45 =	vmovc v15;
	v30 =	vshll.u32 v18, $0x3;
	v44 =	vshll.u32 v19, $0x3;
	v20 =	vor.u32 $0x200, v20;
	v36 =	vld.idx.msk [tilespmem:v36+s23+$0x0], $0xffff  }
0x15e: {  	v15 =	vmovc v14;
	v27 =	vand.u32 $0xFFFFFC00, v27;
	v47 =	vshll.u32 v22, $0x3;
	v46 =	vbroadcast v20, $0x0;
	v37 =	vld.idx.msk [tilespmem:v37+s23+$0x0], $0xffff  }
0x15f: {  	v48 =	vand.u32 $0xFFFFFC00, v33;
	v49 =	vand.u32 $0xFFFFFC00, v30;
	v50 =	vshll.u32 v23, $0x3;
	v35 =	vld.idx.msk [tilespmem:v35+s23+$0x0], $0xffff  }
0x160: {  	v51 =	vor.u32 v0, v46;
	v52 =	vor.u32 v1, v46;
	v53 =	vor.u32 v7, v46;
	v34 =	vld.idx.msk [tilespmem:v34+s23+$0x0], $0xffff  }
0x161: {  	v20 =	vor.u32 v2, v46;
	v33 =	vor.u32 v3, v46;
	v30 =	vor.u32 v4, v46;
	v54 =	vld.idx.msk [tilespmem:v31+s23+$0x0], $0xffff  }
0x162: {  	v28 =	vor.u32 v5, v46;
	v14 =	vor.u32 v6, v46;
	v31 =	vshll.u32 v40, $0x3;
	v32 =	vld.idx.msk [tilespmem:v32+s23+$0x0], $0xffff  }
0x163: {  	v44 =	vand.u32 $0xFFFFFC00, v44;
	v46 =	vand.u32 $0xFFFFFC00, v47;
	v47 =	vand.u32 $0xFFFFFC00, v50;
	[tilespmem:v10+s16+$0x0] =	vst.idx.msk $0xffff, v38;
	v50 =	vld.idx.msk [tilespmem:v29+s23+$0x0], $0xffff;
	v10 =	vmovc v24  }
0x164: {  	v55 =	vand.u32 $0xFFFFFC00, v31;
	v29 =	vand.u32 $0x7F, v17;
	v38 =	vand.u32 $0x7F, v21;
	v24 =	vmovc v51;
	[tilespmem:v9+s16+$0x0] =	vst.idx.msk $0xffff, v36;
	v9 =	vmovc v25  }
0x165: {  	v18 =	vand.u32 $0x7F, v18;
	v19 =	vand.u32 $0x7F, v19;
	v22 =	vand.u32 $0x7F, v22;
	v25 =	vmovc v52;
	v31 =	vld.idx.msk [tilespmem:v53+s12+$0x0], $0xffff;
	[tilespmem:v16+s16+$0x0] =	vst.idx.msk $0xffff, v37  }
0x166: {  	v23 =	vand.u32 $0x7F, v23;
	v16 =	vor.u32 v27, v29;
	v27 =	vand.u32 $0x7F, v40;
	v17 =	vld.idx.msk [tilespmem:v51+s12+$0x0], $0xffff;
	[tilespmem:v42+s16+$0x0] =	vst.idx.msk $0xffff, v35  }
.Ltmp12:
0x167: {  	v29 =	vor.u32 v48, v38;
	v35 =	vor.u32 v49, v18;
	v21 =	vld.idx.msk [tilespmem:v52+s12+$0x0], $0xffff;
	[tilespmem:v26+s16+$0x0] =	vst.idx.msk $0xffff, v54;
	(pc) =	sbr.rel @p3 .LBB2_22-.Ltmp12, $4  }
0x168: {  	v44 =	vor.u32 v44, v19;
	v40 =	vor.u32 v46, v22;
	v42 =	vor.u32 v47, v23;
	v18 =	vld.idx.msk [tilespmem:v20+s12+$0x0], $0xffff  }
0x169: {  	v38 =	vor.u32 $0x200, v16;
	v36 =	vor.u32 $0x200, v29;
	v27 =	vor.u32 v55, v27;
	v19 =	vld.idx.msk [tilespmem:v33+s12+$0x0], $0xffff;
	[tilespmem:v39+s16+$0x0] =	vst.idx.msk $0xffff, v34  }
0x16a: {  	v37 =	vor.u32 $0x200, v35;
	v35 =	vor.u32 $0x200, v44;
	v26 =	vmovc v53;
	v34 =	vor.u32 $0x200, v40;
	v22 =	vld.idx.msk [tilespmem:v30+s12+$0x0], $0xffff;
	[tilespmem:v43+s16+$0x0] =	vst.idx.msk $0xffff, v32  }
0x16b: {  	s26 =	sadd.s32 $0x80, s26;
	v29 =	vor.u32 $0x200, v27;
	v16 =	vmovc v41;
	v39 =	vshll.u32 v31, $0x3;
	v32 =	vor.u32 $0x200, v42;
	v23 =	vld.idx.msk [tilespmem:v28+s12+$0x0], $0xffff;
	[tilespmem:v45+s16+$0x0] =	vst.idx.msk $0xffff, v50  }
0x16c: {  	v40 =	vmov v13  }
0x16d: {  	v42 =	vmovc v11;
	v41 =	vmovc v12;
	v44 =	vmov v10;
	v43 =	vmov v9;
	v13 =	vmov v33  }
0x16e: {  	v11 =	vmovc v30;
	v12 =	vmovc v28;
	v10 =	vmov v24;
	v9 =	vmov v25;
	v27 =	vmov v26  }
.LBB2_24:
0x16f: {  	_ = 	snop  }
0x170: {  	v25 =	vand.u32 $0x7F, v31  }
0x171: {  	v26 =	vand.u32 $0xFFFFFC00, v39;
	v28 =	vshll.u32 v21, $0x3;
	v30 =	vshll.u32 v18, $0x3  }
0x172: {  	v31 =	vshll.u32 v19, $0x3;
	v33 =	vshll.u32 v22, $0x3;
	v21 =	vand.u32 $0x7F, v21  }
0x173: {  	v24 =	vld.idx.msk [tilespmem:v14+s12+$0x0], $0xffff;
	v18 =	vand.u32 $0x7F, v18;
	v19 =	vand.u32 $0x7F, v19;
	v22 =	vand.u32 $0x7F, v22  }
0x174: {  	v38 =	vld.idx.msk @p2 [tilespmem:v38+s23+$0x0], $0xffff;
	v25 =	vor.u32 v26, v25;
	v26 =	vshll.u32 v17, $0x3;
	v28 =	vand.u32 $0xFFFFFC00, v28  }
0x175: {  	v36 =	vld.idx.msk @p2 [tilespmem:v36+s23+$0x0], $0xffff;
	v30 =	vand.u32 $0xFFFFFC00, v30;
	v63 =	vshll.u32 v23, $0x3;
	v31 =	vand.u32 $0xFFFFFC00, v31  }
0x176: {  	v37 =	vld.idx.msk @p2 [tilespmem:v37+s23+$0x0], $0xffff;
	v33 =	vand.u32 $0xFFFFFC00, v33;
	v17 =	vand.u32 $0x7F, v17;
	v23 =	vand.u32 $0x7F, v23  }
0x177: {  	v35 =	vld.idx.msk @p2 [tilespmem:v35+s23+$0x0], $0xffff;
	v25 =	vor.u32 $0x200, v25;
	v26 =	vand.u32 $0xFFFFFC00, v26;
	v21 =	vor.u32 v28, v21  }
0x178: {  	v29 =	vld.idx.msk @p2 [tilespmem:v29+s23+$0x0], $0xffff;
	v39 =	vand.u32 $0xFFFFFC00, v63;
	v18 =	vor.u32 v30, v18;
	v21 =	vor.u32 $0x200, v21  }
0x179: {  	v19 =	vor.u32 v31, v19;
	v31 =	vld.idx.msk @p2 [tilespmem:v32+s23+$0x0], $0xffff;
	v22 =	vor.u32 v33, v22;
	v18 =	vor.u32 $0x200, v18;
	v28 =	vmovc @p2 v41  }
0x17a: {  	v30 =	vld.idx.msk @p2 [tilespmem:v34+s23+$0x0], $0xffff;
	v17 =	vor.u32 v26, v17;
	v19 =	vor.u32 $0x200, v19;
	v26 =	vmov @p2 v40;
	[tilespmem:v44+s16+$0x0] =	vst.idx.msk @p2 $0xffff, v38  }
0x17b: {  	v23 =	vor.u32 v39, v23;
	v17 =	vor.u32 $0x200, v17;
	v45 =	vshll.u32 v24, $0x3;
	v40 =	vmovc @p2 v42;
	[tilespmem:v43+s16+$0x0] =	vst.idx.msk @p2 $0xffff, v36  }
0x17c: {  	v22 =	vor.u32 $0x200, v22;
	[tilespmem:v16+s16+$0x0] =	vst.idx.msk @p2 $0xffff, v37;
	v16 =	vand.u32 $0x7F, v24;
	v45 =	vand.u32 $0xFFFFFC00, v45;
	v25 =	vld.idx.msk [tilespmem:v25+s23+$0x0], $0xffff  }
0x17d: {  	v23 =	vor.u32 $0x200, v23;
	[tilespmem:v15+s16+$0x0] =	vst.idx.msk @p2 $0xffff, v29;
	v16 =	vor.u32 v45, v16;
	v21 =	vld.idx.msk [tilespmem:v21+s23+$0x0], $0xffff  }
0x17e: {  	v16 =	vor.u32 $0x200, v16;
	v18 =	vld.idx.msk [tilespmem:v18+s23+$0x0], $0xffff;
	[tilespmem:v28+s16+$0x0] =	vst.idx.msk @p2 $0xffff, v31  }
0x17f: {  	v19 =	vld.idx.msk [tilespmem:v19+s23+$0x0], $0xffff;
	[tilespmem:v26+s16+$0x0] =	vst.idx.msk @p2 $0xffff, v35  }
0x180: {  	v17 =	vld.idx.msk [tilespmem:v17+s23+$0x0], $0xffff;
	[tilespmem:v40+s16+$0x0] =	vst.idx.msk @p2 $0xffff, v30  }
0x181: {  	v8 =	vor.u32 $0x280, v8;
	v15 =	vld.idx.msk [tilespmem:v22+s23+$0x0], $0xffff;
	[tilespmem:v27+s16+$0x0] =	vst.idx.msk $0xffff, v25  }
0x182: {  	v8 =	vbroadcast v8, $0x0;
	v22 =	vld.idx.msk [tilespmem:v23+s23+$0x0], $0xffff;
	[tilespmem:v9+s16+$0x0] =	vst.idx.msk $0xffff, v21  }
0x183: {  	v16 =	vld.idx.msk [tilespmem:v16+s23+$0x0], $0xffff;
	[tilespmem:v20+s16+$0x0] =	vst.idx.msk $0xffff, v18  }
0x184: {  	v26 =	vor.u32 v7, v8;
	[tilespmem:v13+s16+$0x0] =	vst.idx.msk $0xffff, v19  }
0x185: {  	[tilespmem:v10+s16+$0x0] =	vst.idx.msk $0xffff, v17;
	v10 =	vor.u32 v0, v8  }
0x186: {  	[tilespmem:v11+s16+$0x0] =	vst.idx.msk $0xffff, v15;
	v9 =	vor.u32 v1, v8  }
0x187: {  	v15 =	vor.u32 v2, v8;
	[tilespmem:v12+s16+$0x0] =	vst.idx.msk $0xffff, v22  }
0x188: {  	v11 =	vor.u32 v3, v8;
	[tilespmem:v14+s16+$0x0] =	vst.idx.msk $0xffff, v16  }
0x189: {  	v12 =	vor.u32 v4, v8;
	v30 =	vld.idx.msk [tilespmem:v26+s12+$0x0], $0xffff  }
0x18a: {  	v13 =	vor.u32 v5, v8;
	v18 =	vld.idx.msk [tilespmem:v10+s12+$0x0], $0xffff  }
.Ltmp13:
0x18b: {  	v20 =	vld.idx.msk [tilespmem:v9+s12+$0x0], $0xffff;
	(pc) =	sbr.rel @!p1 .LBB2_25-.Ltmp13, $4  }
0x18c: {  	v17 =	vld.idx.msk [tilespmem:v15+s12+$0x0], $0xffff  }
0x18d: {  	v19 =	vld.idx.msk [tilespmem:v11+s12+$0x0], $0xffff  }
0x18e: {  	v21 =	vld.idx.msk [tilespmem:v12+s12+$0x0], $0xffff  }
0x18f: {  	v8 =	vor.u32 v6, v8;
	v22 =	vld.idx.msk [tilespmem:v13+s12+$0x0], $0xffff;
	v38 =	vshll.u32 v30, $0x3  }
0x190: {  	v14 =	vmov s24;
	v16 =	vand.u32 $0x7F, v30  }
0x191: {  	v23 =	vand.u32 $0xFFFFFC00, v38;
	v24 =	vshll.u32 v18, $0x3;
	v14 =	vshrl.u32 v14, $0x7  }
0x192: {  	v40 =	vand.u32 $0x7F, v18;
	v41 =	vand.u32 $0x7F, v20;
	v14 =	vshll.u32 v14, $0xA  }
0x193: {  	v16 =	vor.u32 v23, v16;
	v23 =	vshll.u32 v20, $0x3;
	v14 =	vor.u32 $0x280, v14  }
0x194: {  	v33 =	vand.u32 $0xFFFFFC00, v24;
	v29 =	vor.u32 $0x280, v16;
	v14 =	vbroadcast v14, $0x0  }
0x195: {  	v16 =	vshll.u32 v17, $0x3;
	v30 =	vshll.u32 v19, $0x3;
	v35 =	vand.u32 $0xFFFFFC00, v23  }
0x196: {  	v17 =	vand.u32 $0x7F, v17;
	v19 =	vand.u32 $0x7F, v19;
	v25 =	vor.u32 v7, v14  }
0x197: {  	v33 =	vor.u32 v33, v40;
	v34 =	vshll.u32 v21, $0x3;
	v23 =	vor.u32 v0, v14  }
0x198: {  	v32 =	vld.idx.msk [tilespmem:v8+s12+$0x0], $0xffff;
	v36 =	vand.u32 $0xFFFFFC00, v16;
	v39 =	vand.u32 $0xFFFFFC00, v30;
	v24 =	vor.u32 v1, v14  }
0x199: {  	s24 =	simm.s32 $0x0;
	v21 =	vand.u32 $0x7F, v21;
	v35 =	vor.u32 v35, v41;
	v16 =	vor.u32 v2, v14  }
0x19a: {  	v37 =	vshll.u32 v22, $0x3;
	v34 =	vand.u32 $0xFFFFFC00, v34;
	v31 =	vor.u32 v3, v14;
	v29 =	vld.idx.msk [tilespmem:v29+s24+$0x0], $0xffff  }
0x19b: {  	v22 =	vand.u32 $0x7F, v22;
	v36 =	vor.u32 v36, v17;
	v28 =	vor.u32 v4, v14;
	v30 =	vld.idx.msk [tilespmem:v25+s12+$0x0], $0xffff  }
0x19c: {  	p1 =	por $0x1, $0x1;
	v39 =	vor.u32 v39, v19;
	v35 =	vor.u32 $0x280, v35;
	v27 =	vor.u32 v5, v14;
	v18 =	vld.idx.msk [tilespmem:v23+s12+$0x0], $0xffff  }
.Ltmp14:
0x19d: {  	v61 =	vshll.u32 v32, $0x3;
	v37 =	vand.u32 $0xFFFFFC00, v37;
	v14 =	vor.u32 v6, v14;
	v20 =	vld.idx.msk [tilespmem:v24+s12+$0x0], $0xffff;
	(pc) =	sbr.rel @!p1 .LBB2_27-.Ltmp14, $4  }
0x19e: {  	v32 =	vand.u32 $0x7F, v32;
	v62 =	vor.u32 v34, v21;
	v36 =	vor.u32 $0x280, v36;
	v17 =	vld.idx.msk [tilespmem:v16+s12+$0x0], $0xffff  }
0x19f: {  	v38 =	vand.u32 $0xFFFFFC00, v61;
	v63 =	vor.u32 v37, v22;
	v37 =	vor.u32 $0x280, v33;
	v19 =	vld.idx.msk [tilespmem:v31+s12+$0x0], $0xffff  }
0x1a0: {  	s23 =	simm.s32 $0x8;
	v34 =	vor.u32 $0x280, v39;
	v33 =	vor.u32 $0x280, v62;
	v42 =	vor.u32 v38, v32;
	v21 =	vld.idx.msk [tilespmem:v28+s12+$0x0], $0xffff  }
0x1a1: {  	s26 =	simm.s32 $0x100;
	p0 =	por $0x1, $0x1;
	s25 =	simm.s32 $0x0;
	v32 =	vor.u32 $0x280, v63;
	v22 =	vld.idx.msk [tilespmem:v27+s12+$0x0], $0xffff;
	[tilespmem:v26+s16+$0x0] =	vst.idx.msk $0xffff, v29;
	v29 =	vor.u32 $0x280, v42;
	v38 =	vshll.u32 v30, $0x3  }
.LBB2_28:
0x1a2: {  	v26 =	vmov s26;
	s23 =	sadd.s32 $0x8, s23;
	v39 =	vld.idx.msk [tilespmem:v14+s12+$0x0], $0xffff;
	v30 =	vand.u32 $0x7F, v30;
	v43 =	vand.u32 $0xFFFFFC00, v38;
	v40 =	vmovc v16;
	v41 =	vmovc v11  }
0x1a3: {  	v11 =	vmovc v31;
	v38 =	vmovc v12;
	v16 =	vshrl.u32 v26, $0x7;
	p1 =	slt.u32 s23, $0x78;
	v26 =	vshll.u32 v18, $0x3;
	v30 =	vor.u32 v43, v30  }
0x1a4: {  	v31 =	vshll.u32 v20, $0x3;
	v12 =	vmovc v28;
	v42 =	vmovc v13;
	v16 =	vshll.u32 v16, $0xA;
	v30 =	vor.u32 $0x280, v30;
	v37 =	vld.idx.msk [tilespmem:v37+s25+$0x0], $0xffff  }
0x1a5: {  	v13 =	vmovc v27;
	v44 =	vmovc v8;
	v28 =	vshll.u32 v17, $0x3;
	v43 =	vshll.u32 v19, $0x3;
	v16 =	vor.u32 $0x280, v16;
	v35 =	vld.idx.msk [tilespmem:v35+s25+$0x0], $0xffff  }
0x1a6: {  	v8 =	vmovc v14;
	v26 =	vand.u32 $0xFFFFFC00, v26;
	v46 =	vshll.u32 v21, $0x3;
	v45 =	vbroadcast v16, $0x0;
	v36 =	vld.idx.msk [tilespmem:v36+s25+$0x0], $0xffff  }
0x1a7: {  	v47 =	vand.u32 $0xFFFFFC00, v31;
	v48 =	vand.u32 $0xFFFFFC00, v28;
	v49 =	vshll.u32 v22, $0x3;
	v34 =	vld.idx.msk [tilespmem:v34+s25+$0x0], $0xffff  }
0x1a8: {  	v50 =	vor.u32 v0, v45;
	v51 =	vor.u32 v1, v45;
	v52 =	vor.u32 v7, v45;
	v33 =	vld.idx.msk [tilespmem:v33+s25+$0x0], $0xffff  }
0x1a9: {  	v16 =	vor.u32 v2, v45;
	v31 =	vor.u32 v3, v45;
	v28 =	vor.u32 v4, v45;
	v53 =	vld.idx.msk [tilespmem:v30+s24+$0x0], $0xffff  }
0x1aa: {  	v27 =	vor.u32 v5, v45;
	v14 =	vor.u32 v6, v45;
	v30 =	vshll.u32 v39, $0x3;
	v32 =	vld.idx.msk [tilespmem:v32+s25+$0x0], $0xffff  }
0x1ab: {  	v43 =	vand.u32 $0xFFFFFC00, v43;
	v45 =	vand.u32 $0xFFFFFC00, v46;
	v46 =	vand.u32 $0xFFFFFC00, v49;
	[tilespmem:v10+s16+$0x0] =	vst.idx.msk $0xffff, v37;
	v49 =	vld.idx.msk [tilespmem:v29+s25+$0x0], $0xffff;
	v10 =	vmovc v23;
	s25 =	smov.u32 s24  }
0x1ac: {  	v54 =	vand.u32 $0xFFFFFC00, v30;
	v29 =	vand.u32 $0x7F, v18;
	v37 =	vand.u32 $0x7F, v20;
	v23 =	vmovc v50;
	[tilespmem:v9+s16+$0x0] =	vst.idx.msk $0xffff, v35;
	v9 =	vmovc v24  }
0x1ad: {  	v17 =	vand.u32 $0x7F, v17;
	v19 =	vand.u32 $0x7F, v19;
	v21 =	vand.u32 $0x7F, v21;
	v24 =	vmovc v51;
	v30 =	vld.idx.msk [tilespmem:v52+s12+$0x0], $0xffff;
	[tilespmem:v15+s16+$0x0] =	vst.idx.msk $0xffff, v36  }
0x1ae: {  	v22 =	vand.u32 $0x7F, v22;
	v15 =	vor.u32 v26, v29;
	v26 =	vand.u32 $0x7F, v39;
	v18 =	vld.idx.msk [tilespmem:v50+s12+$0x0], $0xffff;
	[tilespmem:v41+s16+$0x0] =	vst.idx.msk $0xffff, v34  }
.Ltmp15:
0x1af: {  	v29 =	vor.u32 v47, v37;
	v34 =	vor.u32 v48, v17;
	v20 =	vld.idx.msk [tilespmem:v51+s12+$0x0], $0xffff;
	[tilespmem:v25+s16+$0x0] =	vst.idx.msk $0xffff, v53;
	(pc) =	sbr.rel @p1 .LBB2_28-.Ltmp15, $4  }
0x1b0: {  	v43 =	vor.u32 v43, v19;
	v39 =	vor.u32 v45, v21;
	v41 =	vor.u32 v46, v22;
	v17 =	vld.idx.msk [tilespmem:v16+s12+$0x0], $0xffff  }
0x1b1: {  	v37 =	vor.u32 $0x280, v15;
	v35 =	vor.u32 $0x280, v29;
	v26 =	vor.u32 v54, v26;
	v19 =	vld.idx.msk [tilespmem:v31+s12+$0x0], $0xffff;
	[tilespmem:v38+s16+$0x0] =	vst.idx.msk $0xffff, v33  }
0x1b2: {  	v36 =	vor.u32 $0x280, v34;
	v34 =	vor.u32 $0x280, v43;
	v25 =	vmovc v52;
	v33 =	vor.u32 $0x280, v39;
	v21 =	vld.idx.msk [tilespmem:v28+s12+$0x0], $0xffff;
	[tilespmem:v42+s16+$0x0] =	vst.idx.msk $0xffff, v32  }
0x1b3: {  	s26 =	sadd.s32 $0x80, s26;
	v29 =	vor.u32 $0x280, v26;
	v15 =	vmovc v40;
	v38 =	vshll.u32 v30, $0x3;
	v32 =	vor.u32 $0x280, v41;
	v22 =	vld.idx.msk [tilespmem:v27+s12+$0x0], $0xffff;
	[tilespmem:v44+s16+$0x0] =	vst.idx.msk $0xffff, v49  }
0x1b4: {  	v39 =	vmov v11  }
0x1b5: {  	v41 =	vmovc v12;
	v40 =	vmovc v13;
	v43 =	vmov v10;
	v42 =	vmov v9;
	v11 =	vmov v31  }
0x1b6: {  	s24 =	smov.u32 s25;
	v12 =	vmovc v28;
	v13 =	vmovc v27;
	v10 =	vmov v23;
	v9 =	vmov v24;
	v26 =	vmov v25  }
.LBB2_30:
0x1b7: {  	_ =	sdelay $0x2  }
0x1b8: {  	v24 =	vand.u32 $0x7F, v30;
	v25 =	vand.u32 $0xFFFFFC00, v38;
	v27 =	vshll.u32 v20, $0x3  }
0x1b9: {  	v23 =	vld.idx.msk [tilespmem:v14+s12+$0x0], $0xffff;
	v28 =	vshll.u32 v17, $0x3;
	v30 =	vshll.u32 v19, $0x3;
	v31 =	vshll.u32 v21, $0x3  }
0x1ba: {  	v37 =	vld.idx.msk @p0 [tilespmem:v37+s24+$0x0], $0xffff;
	v20 =	vand.u32 $0x7F, v20;
	v17 =	vand.u32 $0x7F, v17;
	v24 =	vor.u32 v25, v24  }
0x1bb: {  	v35 =	vld.idx.msk @p0 [tilespmem:v35+s24+$0x0], $0xffff;
	v19 =	vand.u32 $0x7F, v19;
	v21 =	vand.u32 $0x7F, v21;
	v24 =	vor.u32 $0x280, v24  }
0x1bc: {  	v36 =	vld.idx.msk @p0 [tilespmem:v36+s24+$0x0], $0xffff;
	v25 =	vshll.u32 v18, $0x3;
	v27 =	vand.u32 $0xFFFFFC00, v27;
	v28 =	vand.u32 $0xFFFFFC00, v28  }
0x1bd: {  	v34 =	vld.idx.msk @p0 [tilespmem:v34+s24+$0x0], $0xffff;
	v63 =	vshll.u32 v22, $0x3;
	v30 =	vand.u32 $0xFFFFFC00, v30;
	v31 =	vand.u32 $0xFFFFFC00, v31  }
0x1be: {  	v29 =	vld.idx.msk @p0 [tilespmem:v29+s24+$0x0], $0xffff;
	v18 =	vand.u32 $0x7F, v18;
	v22 =	vand.u32 $0x7F, v22;
	v20 =	vor.u32 v27, v20  }
0x1bf: {  	s23 =	simm.s32 $0x0;
	v25 =	vand.u32 $0xFFFFFC00, v25;
	v17 =	vor.u32 v28, v17;
	v28 =	vld.idx.msk @p0 [tilespmem:v32+s24+$0x0], $0xffff;
	v20 =	vor.u32 $0x280, v20;
	v27 =	vmovc @p0 v40  }
0x1c0: {  	v38 =	vand.u32 $0xFFFFFC00, v63;
	v19 =	vor.u32 v30, v19;
	v17 =	vor.u32 $0x280, v17;
	v40 =	vmovc @p0 v8;
	v8 =	vld.idx.msk [tilespmem:v24+s23+$0x0], $0xffff  }
0x1c1: {  	v21 =	vor.u32 v31, v21;
	v18 =	vor.u32 v25, v18;
	v19 =	vor.u32 $0x280, v19;
	[tilespmem:v43+s16+$0x0] =	vst.idx.msk @p0 $0xffff, v37  }
0x1c2: {  	v22 =	vor.u32 v38, v22;
	v18 =	vor.u32 $0x280, v18;
	v44 =	vshll.u32 v23, $0x3;
	v25 =	vmovc @p0 v39;
	[tilespmem:v42+s16+$0x0] =	vst.idx.msk @p0 $0xffff, v35  }
0x1c3: {  	v21 =	vor.u32 $0x280, v21;
	v39 =	vmovc @p0 v41;
	[tilespmem:v15+s16+$0x0] =	vst.idx.msk @p0 $0xffff, v36;
	v15 =	vand.u32 $0x7F, v23;
	v44 =	vand.u32 $0xFFFFFC00, v44;
	v24 =	vld.idx.msk @p0 [tilespmem:v33+s24+$0x0], $0xffff  }
0x1c4: {  	v22 =	vor.u32 $0x280, v22;
	v15 =	vor.u32 v44, v15;
	v20 =	vld.idx.msk [tilespmem:v20+s23+$0x0], $0xffff;
	[tilespmem:v27+s16+$0x0] =	vst.idx.msk @p0 $0xffff, v28  }
0x1c5: {  	v15 =	vor.u32 $0x280, v15;
	v17 =	vld.idx.msk [tilespmem:v17+s23+$0x0], $0xffff;
	[tilespmem:v26+s16+$0x0] =	vst.idx.msk $0xffff, v8;
	v8 =	vmov s23  }
0x1c6: {  	v19 =	vld.idx.msk [tilespmem:v19+s23+$0x0], $0xffff;
	[tilespmem:v40+s16+$0x0] =	vst.idx.msk @p0 $0xffff, v29;
	v8 =	vshrl.u32 v8, $0x7  }
0x1c7: {  	v18 =	vld.idx.msk [tilespmem:v18+s23+$0x0], $0xffff;
	[tilespmem:v25+s16+$0x0] =	vst.idx.msk @p0 $0xffff, v34;
	v8 =	vshll.u32 v8, $0xA  }
0x1c8: {  	v21 =	vld.idx.msk [tilespmem:v21+s23+$0x0], $0xffff;
	[tilespmem:v39+s16+$0x0] =	vst.idx.msk @p0 $0xffff, v24;
	v23 =	vor.u32 $0x300, v8  }
0x1c9: {  	v22 =	vld.idx.msk [tilespmem:v22+s23+$0x0], $0xffff;
	[tilespmem:v9+s16+$0x0] =	vst.idx.msk $0xffff, v20;
	v23 =	vbroadcast v23, $0x0  }
0x1ca: {  	v15 =	vld.idx.msk [tilespmem:v15+s23+$0x0], $0xffff;
	[tilespmem:v16+s16+$0x0] =	vst.idx.msk $0xffff, v17  }
0x1cb: {  	[tilespmem:v11+s16+$0x0] =	vst.idx.msk $0xffff, v19;
	v27 =	vor.u32 v7, v23  }
0x1cc: {  	[tilespmem:v10+s16+$0x0] =	vst.idx.msk $0xffff, v18;
	v10 =	vor.u32 v0, v23  }
0x1cd: {  	[tilespmem:v12+s16+$0x0] =	vst.idx.msk $0xffff, v21;
	v9 =	vor.u32 v1, v23  }
0x1ce: {  	[tilespmem:v13+s16+$0x0] =	vst.idx.msk $0xffff, v22;
	v16 =	vor.u32 v2, v23  }
0x1cf: {  	[tilespmem:v14+s16+$0x0] =	vst.idx.msk $0xffff, v15;
	v13 =	vor.u32 v3, v23  }
0x1d0: {  	v11 =	vor.u32 v4, v23;
	v31 =	vld.idx.msk [tilespmem:v27+s12+$0x0], $0xffff  }
0x1d1: {  	p1 =	por $0x1, $0x1;
	v12 =	vor.u32 v5, v23;
	v17 =	vld.idx.msk [tilespmem:v10+s12+$0x0], $0xffff  }
.Ltmp16:
0x1d2: {  	v21 =	vld.idx.msk [tilespmem:v9+s12+$0x0], $0xffff;
	(pc) =	sbr.rel @!p1 .LBB2_31-.Ltmp16, $4  }
0x1d3: {  	v18 =	vld.idx.msk [tilespmem:v16+s12+$0x0], $0xffff  }
0x1d4: {  	v19 =	vld.idx.msk [tilespmem:v13+s12+$0x0], $0xffff  }
0x1d5: {  	v22 =	vld.idx.msk [tilespmem:v11+s12+$0x0], $0xffff  }
0x1d6: {  	s24 =	simm.s32 $0x80;
	p0 =	por $0x0, $0x0;
	v15 =	vor.u32 v6, v23;
	v23 =	vld.idx.msk [tilespmem:v12+s12+$0x0], $0xffff;
	v39 =	vshll.u32 v31, $0x3  }
0x1d7: {  	v14 =	vmov s24;
	v20 =	vand.u32 $0x7F, v31  }
0x1d8: {  	v24 =	vand.u32 $0xFFFFFC00, v39;
	v25 =	vshll.u32 v17, $0x3;
	v14 =	vshrl.u32 v14, $0x7  }
0x1d9: {  	v41 =	vand.u32 $0x7F, v17;
	v42 =	vand.u32 $0x7F, v21;
	v14 =	vshll.u32 v14, $0xA  }
0x1da: {  	v20 =	vor.u32 v24, v20;
	v24 =	vshll.u32 v21, $0x3;
	v14 =	vor.u32 $0x300, v14  }
0x1db: {  	v34 =	vand.u32 $0xFFFFFC00, v25;
	v29 =	vor.u32 $0x300, v20;
	v14 =	vbroadcast v14, $0x0  }
0x1dc: {  	v20 =	vshll.u32 v18, $0x3;
	v31 =	vshll.u32 v19, $0x3;
	v36 =	vand.u32 $0xFFFFFC00, v24  }
0x1dd: {  	v18 =	vand.u32 $0x7F, v18;
	v19 =	vand.u32 $0x7F, v19;
	v26 =	vor.u32 v7, v14  }
0x1de: {  	v34 =	vor.u32 v34, v41;
	v35 =	vshll.u32 v22, $0x3;
	v24 =	vor.u32 v0, v14  }
0x1df: {  	v32 =	vld.idx.msk [tilespmem:v15+s12+$0x0], $0xffff;
	v37 =	vand.u32 $0xFFFFFC00, v20;
	v40 =	vand.u32 $0xFFFFFC00, v31;
	v25 =	vor.u32 v1, v14  }
0x1e0: {  	v22 =	vand.u32 $0x7F, v22;
	v36 =	vor.u32 v36, v42;
	v20 =	vor.u32 v2, v14  }
0x1e1: {  	v38 =	vshll.u32 v23, $0x3;
	v35 =	vand.u32 $0xFFFFFC00, v35;
	v33 =	vor.u32 v3, v14;
	v29 =	vld.idx.msk [tilespmem:v29+s23+$0x0], $0xffff  }
0x1e2: {  	v23 =	vand.u32 $0x7F, v23;
	v37 =	vor.u32 v37, v18;
	v30 =	vor.u32 v4, v14;
	v31 =	vld.idx.msk [tilespmem:v26+s12+$0x0], $0xffff  }
0x1e3: {  	p3 =	por $0x1, $0x1;
	v40 =	vor.u32 v40, v19;
	v36 =	vor.u32 $0x300, v36;
	v28 =	vor.u32 v5, v14;
	v17 =	vld.idx.msk [tilespmem:v24+s12+$0x0], $0xffff  }
.Ltmp17:
0x1e4: {  	v61 =	vshll.u32 v32, $0x3;
	v38 =	vand.u32 $0xFFFFFC00, v38;
	v14 =	vor.u32 v6, v14;
	v21 =	vld.idx.msk [tilespmem:v25+s12+$0x0], $0xffff;
	(pc) =	sbr.rel @!p3 .LBB2_33-.Ltmp17, $4  }
0x1e5: {  	v32 =	vand.u32 $0x7F, v32;
	v62 =	vor.u32 v35, v22;
	v37 =	vor.u32 $0x300, v37;
	v18 =	vld.idx.msk [tilespmem:v20+s12+$0x0], $0xffff  }
0x1e6: {  	v39 =	vand.u32 $0xFFFFFC00, v61;
	v63 =	vor.u32 v38, v23;
	v38 =	vor.u32 $0x300, v34;
	v19 =	vld.idx.msk [tilespmem:v33+s12+$0x0], $0xffff  }
0x1e7: {  	v35 =	vor.u32 $0x300, v40;
	v34 =	vor.u32 $0x300, v62;
	v43 =	vor.u32 v39, v32;
	v22 =	vld.idx.msk [tilespmem:v30+s12+$0x0], $0xffff  }
0x1e8: {  	s25 =	simm.s32 $0x8;
	s26 =	simm.s32 $0x100;
	p2 =	por $0x1, $0x1;
	v32 =	vor.u32 $0x300, v63;
	v23 =	vld.idx.msk [tilespmem:v28+s12+$0x0], $0xffff;
	[tilespmem:v27+s16+$0x0] =	vst.idx.msk $0xffff, v29;
	v29 =	vor.u32 $0x300, v43;
	v39 =	vshll.u32 v31, $0x3  }
.LBB2_34:
0x1e9: {  	v27 =	vmov s26;
	s25 =	sadd.s32 $0x8, s25;
	v40 =	vld.idx.msk [tilespmem:v14+s12+$0x0], $0xffff;
	v31 =	vand.u32 $0x7F, v31;
	v44 =	vand.u32 $0xFFFFFC00, v39;
	v41 =	vmovc v20;
	v42 =	vmovc v13  }
0x1ea: {  	v13 =	vmovc v33;
	v39 =	vmovc v11;
	v20 =	vshrl.u32 v27, $0x7;
	p3 =	slt.u32 s25, $0x78;
	v27 =	vshll.u32 v17, $0x3;
	v31 =	vor.u32 v44, v31  }
0x1eb: {  	v33 =	vshll.u32 v21, $0x3;
	v11 =	vmovc v30;
	v43 =	vmovc v12;
	v20 =	vshll.u32 v20, $0xA;
	v31 =	vor.u32 $0x300, v31;
	v38 =	vld.idx.msk [tilespmem:v38+s23+$0x0], $0xffff  }
0x1ec: {  	v12 =	vmovc v28;
	v45 =	vmovc v15;
	v30 =	vshll.u32 v18, $0x3;
	v44 =	vshll.u32 v19, $0x3;
	v20 =	vor.u32 $0x300, v20;
	v36 =	vld.idx.msk [tilespmem:v36+s23+$0x0], $0xffff  }
0x1ed: {  	v15 =	vmovc v14;
	v27 =	vand.u32 $0xFFFFFC00, v27;
	v47 =	vshll.u32 v22, $0x3;
	v46 =	vbroadcast v20, $0x0;
	v37 =	vld.idx.msk [tilespmem:v37+s23+$0x0], $0xffff  }
0x1ee: {  	v48 =	vand.u32 $0xFFFFFC00, v33;
	v49 =	vand.u32 $0xFFFFFC00, v30;
	v50 =	vshll.u32 v23, $0x3;
	v35 =	vld.idx.msk [tilespmem:v35+s23+$0x0], $0xffff  }
0x1ef: {  	v51 =	vor.u32 v0, v46;
	v52 =	vor.u32 v1, v46;
	v53 =	vor.u32 v7, v46;
	v34 =	vld.idx.msk [tilespmem:v34+s23+$0x0], $0xffff  }
0x1f0: {  	v20 =	vor.u32 v2, v46;
	v33 =	vor.u32 v3, v46;
	v30 =	vor.u32 v4, v46;
	v54 =	vld.idx.msk [tilespmem:v31+s23+$0x0], $0xffff  }
0x1f1: {  	v28 =	vor.u32 v5, v46;
	v14 =	vor.u32 v6, v46;
	v31 =	vshll.u32 v40, $0x3;
	v32 =	vld.idx.msk [tilespmem:v32+s23+$0x0], $0xffff  }
0x1f2: {  	v44 =	vand.u32 $0xFFFFFC00, v44;
	v46 =	vand.u32 $0xFFFFFC00, v47;
	v47 =	vand.u32 $0xFFFFFC00, v50;
	[tilespmem:v10+s16+$0x0] =	vst.idx.msk $0xffff, v38;
	v50 =	vld.idx.msk [tilespmem:v29+s23+$0x0], $0xffff;
	v10 =	vmovc v24  }
0x1f3: {  	v55 =	vand.u32 $0xFFFFFC00, v31;
	v29 =	vand.u32 $0x7F, v17;
	v38 =	vand.u32 $0x7F, v21;
	v24 =	vmovc v51;
	[tilespmem:v9+s16+$0x0] =	vst.idx.msk $0xffff, v36;
	v9 =	vmovc v25  }
0x1f4: {  	v18 =	vand.u32 $0x7F, v18;
	v19 =	vand.u32 $0x7F, v19;
	v22 =	vand.u32 $0x7F, v22;
	v25 =	vmovc v52;
	v31 =	vld.idx.msk [tilespmem:v53+s12+$0x0], $0xffff;
	[tilespmem:v16+s16+$0x0] =	vst.idx.msk $0xffff, v37  }
0x1f5: {  	v23 =	vand.u32 $0x7F, v23;
	v16 =	vor.u32 v27, v29;
	v27 =	vand.u32 $0x7F, v40;
	v17 =	vld.idx.msk [tilespmem:v51+s12+$0x0], $0xffff;
	[tilespmem:v42+s16+$0x0] =	vst.idx.msk $0xffff, v35  }
.Ltmp18:
0x1f6: {  	v29 =	vor.u32 v48, v38;
	v35 =	vor.u32 v49, v18;
	v21 =	vld.idx.msk [tilespmem:v52+s12+$0x0], $0xffff;
	[tilespmem:v26+s16+$0x0] =	vst.idx.msk $0xffff, v54;
	(pc) =	sbr.rel @p3 .LBB2_34-.Ltmp18, $4  }
0x1f7: {  	v44 =	vor.u32 v44, v19;
	v40 =	vor.u32 v46, v22;
	v42 =	vor.u32 v47, v23;
	v18 =	vld.idx.msk [tilespmem:v20+s12+$0x0], $0xffff  }
0x1f8: {  	v38 =	vor.u32 $0x300, v16;
	v36 =	vor.u32 $0x300, v29;
	v27 =	vor.u32 v55, v27;
	v19 =	vld.idx.msk [tilespmem:v33+s12+$0x0], $0xffff;
	[tilespmem:v39+s16+$0x0] =	vst.idx.msk $0xffff, v34  }
0x1f9: {  	v37 =	vor.u32 $0x300, v35;
	v35 =	vor.u32 $0x300, v44;
	v26 =	vmovc v53;
	v34 =	vor.u32 $0x300, v40;
	v22 =	vld.idx.msk [tilespmem:v30+s12+$0x0], $0xffff;
	[tilespmem:v43+s16+$0x0] =	vst.idx.msk $0xffff, v32  }
0x1fa: {  	s26 =	sadd.s32 $0x80, s26;
	v29 =	vor.u32 $0x300, v27;
	v16 =	vmovc v41;
	v39 =	vshll.u32 v31, $0x3;
	v32 =	vor.u32 $0x300, v42;
	v23 =	vld.idx.msk [tilespmem:v28+s12+$0x0], $0xffff;
	[tilespmem:v45+s16+$0x0] =	vst.idx.msk $0xffff, v50  }
0x1fb: {  	v40 =	vmov v13  }
0x1fc: {  	v42 =	vmovc v11;
	v41 =	vmovc v12;
	v44 =	vmov v10;
	v43 =	vmov v9;
	v13 =	vmov v33  }
0x1fd: {  	v11 =	vmovc v30;
	v12 =	vmovc v28;
	v10 =	vmov v24;
	v9 =	vmov v25;
	v27 =	vmov v26  }
.LBB2_36:
0x1fe: {  	_ = 	snop  }
0x1ff: {  	v25 =	vand.u32 $0x7F, v31  }
0x200: {  	v26 =	vand.u32 $0xFFFFFC00, v39;
	v28 =	vshll.u32 v21, $0x3;
	v30 =	vshll.u32 v18, $0x3  }
0x201: {  	v31 =	vshll.u32 v19, $0x3;
	v33 =	vshll.u32 v22, $0x3;
	v21 =	vand.u32 $0x7F, v21  }
0x202: {  	v24 =	vld.idx.msk [tilespmem:v14+s12+$0x0], $0xffff;
	v18 =	vand.u32 $0x7F, v18;
	v19 =	vand.u32 $0x7F, v19;
	v22 =	vand.u32 $0x7F, v22  }
0x203: {  	v38 =	vld.idx.msk @p2 [tilespmem:v38+s23+$0x0], $0xffff;
	v25 =	vor.u32 v26, v25;
	v26 =	vshll.u32 v17, $0x3;
	v28 =	vand.u32 $0xFFFFFC00, v28  }
0x204: {  	v36 =	vld.idx.msk @p2 [tilespmem:v36+s23+$0x0], $0xffff;
	v30 =	vand.u32 $0xFFFFFC00, v30;
	v63 =	vshll.u32 v23, $0x3;
	v31 =	vand.u32 $0xFFFFFC00, v31  }
0x205: {  	v37 =	vld.idx.msk @p2 [tilespmem:v37+s23+$0x0], $0xffff;
	v33 =	vand.u32 $0xFFFFFC00, v33;
	v17 =	vand.u32 $0x7F, v17;
	v23 =	vand.u32 $0x7F, v23  }
0x206: {  	v35 =	vld.idx.msk @p2 [tilespmem:v35+s23+$0x0], $0xffff;
	v25 =	vor.u32 $0x300, v25;
	v26 =	vand.u32 $0xFFFFFC00, v26;
	v21 =	vor.u32 v28, v21  }
0x207: {  	v29 =	vld.idx.msk @p2 [tilespmem:v29+s23+$0x0], $0xffff;
	v39 =	vand.u32 $0xFFFFFC00, v63;
	v17 =	vor.u32 v26, v17;
	v21 =	vor.u32 $0x300, v21  }
0x208: {  	v18 =	vor.u32 v30, v18;
	v19 =	vor.u32 v31, v19;
	v31 =	vld.idx.msk @p2 [tilespmem:v32+s23+$0x0], $0xffff;
	v17 =	vor.u32 $0x300, v17;
	v28 =	vmovc @p2 v41  }
0x209: {  	v30 =	vld.idx.msk @p2 [tilespmem:v34+s23+$0x0], $0xffff;
	v22 =	vor.u32 v33, v22;
	v18 =	vor.u32 $0x300, v18;
	v26 =	vmov @p2 v40;
	[tilespmem:v44+s16+$0x0] =	vst.idx.msk @p2 $0xffff, v38  }
0x20a: {  	v19 =	vor.u32 $0x300, v19;
	v23 =	vor.u32 v39, v23;
	v45 =	vshll.u32 v24, $0x3;
	v40 =	vmovc @p2 v42;
	[tilespmem:v43+s16+$0x0] =	vst.idx.msk @p2 $0xffff, v36  }
0x20b: {  	v22 =	vor.u32 $0x300, v22;
	[tilespmem:v16+s16+$0x0] =	vst.idx.msk @p2 $0xffff, v37;
	v16 =	vand.u32 $0x7F, v24;
	v45 =	vand.u32 $0xFFFFFC00, v45;
	v25 =	vld.idx.msk [tilespmem:v25+s23+$0x0], $0xffff  }
0x20c: {  	v23 =	vor.u32 $0x300, v23;
	[tilespmem:v15+s16+$0x0] =	vst.idx.msk @p2 $0xffff, v29;
	v16 =	vor.u32 v45, v16;
	v21 =	vld.idx.msk [tilespmem:v21+s23+$0x0], $0xffff  }
0x20d: {  	v16 =	vor.u32 $0x300, v16;
	v17 =	vld.idx.msk [tilespmem:v17+s23+$0x0], $0xffff;
	[tilespmem:v28+s16+$0x0] =	vst.idx.msk @p2 $0xffff, v31  }
0x20e: {  	v18 =	vld.idx.msk [tilespmem:v18+s23+$0x0], $0xffff;
	[tilespmem:v26+s16+$0x0] =	vst.idx.msk @p2 $0xffff, v35  }
0x20f: {  	v19 =	vld.idx.msk [tilespmem:v19+s23+$0x0], $0xffff;
	[tilespmem:v40+s16+$0x0] =	vst.idx.msk @p2 $0xffff, v30  }
0x210: {  	v8 =	vor.u32 $0x380, v8;
	v15 =	vld.idx.msk [tilespmem:v22+s23+$0x0], $0xffff;
	[tilespmem:v27+s16+$0x0] =	vst.idx.msk $0xffff, v25  }
0x211: {  	v22 =	vld.idx.msk [tilespmem:v23+s23+$0x0], $0xffff;
	v23 =	vbroadcast v8, $0x0;
	[tilespmem:v9+s16+$0x0] =	vst.idx.msk $0xffff, v21  }
0x212: {  	[tilespmem:v10+s16+$0x0] =	vst.idx.msk $0xffff, v17;
	v10 =	vld.idx.msk [tilespmem:v16+s23+$0x0], $0xffff  }
0x213: {  	v26 =	vor.u32 v7, v23;
	[tilespmem:v20+s16+$0x0] =	vst.idx.msk $0xffff, v18  }
0x214: {  	v8 =	vor.u32 v0, v23;
	[tilespmem:v13+s16+$0x0] =	vst.idx.msk $0xffff, v19  }
0x215: {  	[tilespmem:v11+s16+$0x0] =	vst.idx.msk $0xffff, v15;
	v9 =	vor.u32 v1, v23  }
0x216: {  	v15 =	vor.u32 v2, v23;
	[tilespmem:v12+s16+$0x0] =	vst.idx.msk $0xffff, v22  }
0x217: {  	v11 =	vor.u32 v4, v23;
	[tilespmem:v14+s16+$0x0] =	vst.idx.msk $0xffff, v10  }
0x218: {  	v12 =	vor.u32 v5, v23;
	v30 =	vld.idx.msk [tilespmem:v26+s12+$0x0], $0xffff  }
0x219: {  	v10 =	vor.u32 v3, v23;
	v16 =	vld.idx.msk [tilespmem:v8+s12+$0x0], $0xffff  }
.Ltmp19:
0x21a: {  	v20 =	vld.idx.msk [tilespmem:v9+s12+$0x0], $0xffff;
	(pc) =	sbr.rel @!p1 .LBB2_37-.Ltmp19, $4  }
0x21b: {  	v17 =	vld.idx.msk [tilespmem:v15+s12+$0x0], $0xffff  }
0x21c: {  	v21 =	vld.idx.msk [tilespmem:v11+s12+$0x0], $0xffff  }
0x21d: {  	v22 =	vld.idx.msk [tilespmem:v12+s12+$0x0], $0xffff  }
0x21e: {  	v14 =	vor.u32 v6, v23;
	v18 =	vld.idx.msk [tilespmem:v10+s12+$0x0], $0xffff;
	v38 =	vshll.u32 v30, $0x3  }
0x21f: {  	v13 =	vmov s24;
	v19 =	vand.u32 $0x7F, v30  }
0x220: {  	v23 =	vand.u32 $0xFFFFFC00, v38;
	v24 =	vshll.u32 v16, $0x3;
	v13 =	vshrl.u32 v13, $0x7  }
0x221: {  	v40 =	vand.u32 $0x7F, v16;
	v41 =	vand.u32 $0x7F, v20;
	v13 =	vshll.u32 v13, $0xA  }
0x222: {  	v19 =	vor.u32 v23, v19;
	v23 =	vshll.u32 v20, $0x3;
	v13 =	vor.u32 $0x380, v13  }
0x223: {  	v33 =	vand.u32 $0xFFFFFC00, v24;
	v29 =	vor.u32 $0x380, v19;
	v13 =	vbroadcast v13, $0x0  }
0x224: {  	v19 =	vshll.u32 v17, $0x3;
	v34 =	vshll.u32 v21, $0x3;
	v35 =	vand.u32 $0xFFFFFC00, v23  }
0x225: {  	v17 =	vand.u32 $0x7F, v17;
	v21 =	vand.u32 $0x7F, v21;
	v25 =	vor.u32 v7, v13  }
0x226: {  	v33 =	vor.u32 v33, v40;
	v36 =	vand.u32 $0xFFFFFC00, v19;
	v23 =	vor.u32 v0, v13  }
0x227: {  	v32 =	vld.idx.msk [tilespmem:v14+s12+$0x0], $0xffff;
	v37 =	vshll.u32 v22, $0x3;
	v34 =	vand.u32 $0xFFFFFC00, v34;
	v24 =	vor.u32 v1, v13  }
0x228: {  	v22 =	vand.u32 $0x7F, v22;
	v35 =	vor.u32 v35, v41;
	v19 =	vor.u32 v2, v13  }
0x229: {  	v30 =	vshll.u32 v18, $0x3;
	v37 =	vand.u32 $0xFFFFFC00, v37;
	v31 =	vor.u32 v3, v13;
	v29 =	vld.idx.msk [tilespmem:v29+s5+$0x0], $0xffff  }
0x22a: {  	v18 =	vand.u32 $0x7F, v18;
	v39 =	vand.u32 $0xFFFFFC00, v30;
	v28 =	vor.u32 v4, v13;
	v30 =	vld.idx.msk [tilespmem:v25+s12+$0x0], $0xffff  }
0x22b: {  	p1 =	por $0x1, $0x1;
	v36 =	vor.u32 v36, v17;
	v62 =	vor.u32 v34, v21;
	v27 =	vor.u32 v5, v13;
	v16 =	vld.idx.msk [tilespmem:v23+s12+$0x0], $0xffff  }
.Ltmp20:
0x22c: {  	v35 =	vor.u32 $0x380, v35;
	v61 =	vshll.u32 v32, $0x3;
	v13 =	vor.u32 v6, v13;
	v20 =	vld.idx.msk [tilespmem:v24+s12+$0x0], $0xffff;
	(pc) =	sbr.rel @!p1 .LBB2_39-.Ltmp20, $4  }
0x22d: {  	v32 =	vand.u32 $0x7F, v32;
	v63 =	vor.u32 v37, v22;
	v37 =	vor.u32 $0x380, v33;
	v17 =	vld.idx.msk [tilespmem:v19+s12+$0x0], $0xffff  }
0x22e: {  	v36 =	vor.u32 $0x380, v36;
	v38 =	vand.u32 $0xFFFFFC00, v61;
	v39 =	vor.u32 v39, v18;
	v18 =	vld.idx.msk [tilespmem:v31+s12+$0x0], $0xffff  }
0x22f: {  	v33 =	vor.u32 $0x380, v62;
	v42 =	vor.u32 v38, v32;
	v34 =	vor.u32 $0x380, v39;
	v21 =	vld.idx.msk [tilespmem:v28+s12+$0x0], $0xffff  }
0x230: {  	s23 =	simm.s32 $0x8;
	s24 =	simm.s32 $0x100;
	p0 =	por $0x1, $0x1;
	v32 =	vor.u32 $0x380, v63;
	v22 =	vld.idx.msk [tilespmem:v27+s12+$0x0], $0xffff;
	[tilespmem:v26+s16+$0x0] =	vst.idx.msk $0xffff, v29;
	v29 =	vor.u32 $0x380, v42;
	v38 =	vshll.u32 v30, $0x3  }
.LBB2_40:
0x231: {  	v26 =	vmov s24;
	s23 =	sadd.s32 $0x8, s23;
	v39 =	vld.idx.msk [tilespmem:v13+s12+$0x0], $0xffff;
	v30 =	vand.u32 $0x7F, v30;
	v43 =	vand.u32 $0xFFFFFC00, v38;
	v40 =	vmovc v19;
	v41 =	vmovc v10  }
0x232: {  	v10 =	vmovc v31;
	v38 =	vmovc v11;
	v19 =	vshrl.u32 v26, $0x7;
	p1 =	slt.u32 s23, $0x78;
	v26 =	vshll.u32 v16, $0x3;
	v30 =	vor.u32 v43, v30  }
0x233: {  	v31 =	vshll.u32 v20, $0x3;
	v11 =	vmovc v28;
	v42 =	vmovc v12;
	v19 =	vshll.u32 v19, $0xA;
	v30 =	vor.u32 $0x380, v30;
	v37 =	vld.idx.msk [tilespmem:v37+s5+$0x0], $0xffff  }
0x234: {  	v12 =	vmovc v27;
	v44 =	vmovc v14;
	v28 =	vshll.u32 v17, $0x3;
	v43 =	vshll.u32 v18, $0x3;
	v19 =	vor.u32 $0x380, v19;
	v35 =	vld.idx.msk [tilespmem:v35+s5+$0x0], $0xffff  }
0x235: {  	v14 =	vmovc v13;
	v26 =	vand.u32 $0xFFFFFC00, v26;
	v46 =	vshll.u32 v21, $0x3;
	v45 =	vbroadcast v19, $0x0;
	v36 =	vld.idx.msk [tilespmem:v36+s5+$0x0], $0xffff  }
0x236: {  	v47 =	vand.u32 $0xFFFFFC00, v31;
	v48 =	vand.u32 $0xFFFFFC00, v28;
	v49 =	vshll.u32 v22, $0x3;
	v34 =	vld.idx.msk [tilespmem:v34+s5+$0x0], $0xffff  }
0x237: {  	v50 =	vor.u32 v0, v45;
	v51 =	vor.u32 v1, v45;
	v52 =	vor.u32 v7, v45;
	v33 =	vld.idx.msk [tilespmem:v33+s5+$0x0], $0xffff  }
0x238: {  	v19 =	vor.u32 v2, v45;
	v31 =	vor.u32 v3, v45;
	v28 =	vor.u32 v4, v45;
	v53 =	vld.idx.msk [tilespmem:v30+s5+$0x0], $0xffff  }
0x239: {  	v27 =	vor.u32 v5, v45;
	v13 =	vor.u32 v6, v45;
	v30 =	vshll.u32 v39, $0x3;
	v32 =	vld.idx.msk [tilespmem:v32+s5+$0x0], $0xffff  }
0x23a: {  	v43 =	vand.u32 $0xFFFFFC00, v43;
	v45 =	vand.u32 $0xFFFFFC00, v46;
	v46 =	vand.u32 $0xFFFFFC00, v49;
	[tilespmem:v8+s16+$0x0] =	vst.idx.msk $0xffff, v37;
	v49 =	vld.idx.msk [tilespmem:v29+s5+$0x0], $0xffff;
	v8 =	vmovc v23  }
0x23b: {  	v54 =	vand.u32 $0xFFFFFC00, v30;
	v29 =	vand.u32 $0x7F, v16;
	v37 =	vand.u32 $0x7F, v20;
	v23 =	vmovc v50;
	[tilespmem:v9+s16+$0x0] =	vst.idx.msk $0xffff, v35;
	v9 =	vmovc v24  }
0x23c: {  	v17 =	vand.u32 $0x7F, v17;
	v18 =	vand.u32 $0x7F, v18;
	v21 =	vand.u32 $0x7F, v21;
	v24 =	vmovc v51;
	v30 =	vld.idx.msk [tilespmem:v52+s12+$0x0], $0xffff;
	[tilespmem:v15+s16+$0x0] =	vst.idx.msk $0xffff, v36  }
0x23d: {  	v22 =	vand.u32 $0x7F, v22;
	v15 =	vor.u32 v26, v29;
	v26 =	vand.u32 $0x7F, v39;
	v16 =	vld.idx.msk [tilespmem:v50+s12+$0x0], $0xffff;
	[tilespmem:v41+s16+$0x0] =	vst.idx.msk $0xffff, v34  }
.Ltmp21:
0x23e: {  	v29 =	vor.u32 v47, v37;
	v34 =	vor.u32 v48, v17;
	v20 =	vld.idx.msk [tilespmem:v51+s12+$0x0], $0xffff;
	[tilespmem:v25+s16+$0x0] =	vst.idx.msk $0xffff, v53;
	(pc) =	sbr.rel @p1 .LBB2_40-.Ltmp21, $4  }
0x23f: {  	v43 =	vor.u32 v43, v18;
	v39 =	vor.u32 v45, v21;
	v41 =	vor.u32 v46, v22;
	v17 =	vld.idx.msk [tilespmem:v19+s12+$0x0], $0xffff  }
0x240: {  	v37 =	vor.u32 $0x380, v15;
	v35 =	vor.u32 $0x380, v29;
	v26 =	vor.u32 v54, v26;
	v18 =	vld.idx.msk [tilespmem:v31+s12+$0x0], $0xffff;
	[tilespmem:v38+s16+$0x0] =	vst.idx.msk $0xffff, v33  }
0x241: {  	v36 =	vor.u32 $0x380, v34;
	v34 =	vor.u32 $0x380, v43;
	v25 =	vmovc v52;
	v33 =	vor.u32 $0x380, v39;
	v21 =	vld.idx.msk [tilespmem:v28+s12+$0x0], $0xffff;
	[tilespmem:v42+s16+$0x0] =	vst.idx.msk $0xffff, v32  }
0x242: {  	s24 =	sadd.s32 $0x80, s24;
	v29 =	vor.u32 $0x380, v26;
	v15 =	vmovc v40;
	v38 =	vshll.u32 v30, $0x3;
	v32 =	vor.u32 $0x380, v41;
	v22 =	vld.idx.msk [tilespmem:v27+s12+$0x0], $0xffff;
	[tilespmem:v44+s16+$0x0] =	vst.idx.msk $0xffff, v49  }
0x243: {  	v39 =	vmov v10  }
0x244: {  	v41 =	vmovc v11;
	v40 =	vmovc v12;
	v43 =	vmov v8;
	v42 =	vmov v9;
	v10 =	vmov v31  }
0x245: {  	v11 =	vmovc v28;
	v12 =	vmovc v27;
	v8 =	vmov v23;
	v9 =	vmov v24;
	v26 =	vmov v25  }
.LBB2_42:
0x246: {  	_ = 	snop  }
0x247: {  	v24 =	vand.u32 $0x7F, v30  }
0x248: {  	v25 =	vand.u32 $0xFFFFFC00, v38;
	v27 =	vshll.u32 v20, $0x3;
	v28 =	vshll.u32 v17, $0x3  }
0x249: {  	v30 =	vshll.u32 v18, $0x3;
	v31 =	vshll.u32 v21, $0x3;
	v20 =	vand.u32 $0x7F, v20  }
0x24a: {  	v23 =	vld.idx.msk [tilespmem:v13+s12+$0x0], $0xffff;
	v17 =	vand.u32 $0x7F, v17;
	v18 =	vand.u32 $0x7F, v18;
	v21 =	vand.u32 $0x7F, v21  }
0x24b: {  	v37 =	vld.idx.msk @p0 [tilespmem:v37+s5+$0x0], $0xffff;
	v24 =	vor.u32 v25, v24;
	v25 =	vshll.u32 v16, $0x3;
	v27 =	vand.u32 $0xFFFFFC00, v27  }
0x24c: {  	v35 =	vld.idx.msk @p0 [tilespmem:v35+s5+$0x0], $0xffff;
	v28 =	vand.u32 $0xFFFFFC00, v28;
	v55 =	vshll.u32 v22, $0x3;
	v30 =	vand.u32 $0xFFFFFC00, v30  }
0x24d: {  	v36 =	vld.idx.msk @p0 [tilespmem:v36+s5+$0x0], $0xffff;
	v31 =	vand.u32 $0xFFFFFC00, v31;
	v16 =	vand.u32 $0x7F, v16;
	v22 =	vand.u32 $0x7F, v22  }
0x24e: {  	v34 =	vld.idx.msk @p0 [tilespmem:v34+s5+$0x0], $0xffff;
	v24 =	vor.u32 $0x380, v24;
	v25 =	vand.u32 $0xFFFFFC00, v25;
	v20 =	vor.u32 v27, v20  }
0x24f: {  	v29 =	vld.idx.msk @p0 [tilespmem:v29+s5+$0x0], $0xffff;
	v38 =	vand.u32 $0xFFFFFC00, v55;
	v16 =	vor.u32 v25, v16;
	v20 =	vor.u32 $0x380, v20  }
0x250: {  	v17 =	vor.u32 v28, v17;
	v18 =	vor.u32 v30, v18;
	v30 =	vld.idx.msk @p0 [tilespmem:v32+s5+$0x0], $0xffff;
	v16 =	vor.u32 $0x380, v16;
	v27 =	vmovc @p0 v40  }
0x251: {  	v28 =	vld.idx.msk @p0 [tilespmem:v33+s5+$0x0], $0xffff;
	v21 =	vor.u32 v31, v21;
	v17 =	vor.u32 $0x380, v17;
	v25 =	vmov @p0 v39;
	[tilespmem:v43+s16+$0x0] =	vst.idx.msk @p0 $0xffff, v37  }
0x252: {  	v18 =	vor.u32 $0x380, v18;
	v22 =	vor.u32 v38, v22;
	v44 =	vshll.u32 v23, $0x3;
	v39 =	vmovc @p0 v41;
	[tilespmem:v42+s16+$0x0] =	vst.idx.msk @p0 $0xffff, v35  }
0x253: {  	v21 =	vor.u32 $0x380, v21;
	[tilespmem:v15+s16+$0x0] =	vst.idx.msk @p0 $0xffff, v36;
	v15 =	vand.u32 $0x7F, v23;
	v44 =	vand.u32 $0xFFFFFC00, v44;
	v24 =	vld.idx.msk [tilespmem:v24+s5+$0x0], $0xffff  }
0x254: {  	v22 =	vor.u32 $0x380, v22;
	[tilespmem:v14+s16+$0x0] =	vst.idx.msk @p0 $0xffff, v29;
	v15 =	vor.u32 v44, v15;
	v20 =	vld.idx.msk [tilespmem:v20+s5+$0x0], $0xffff  }
0x255: {  	v15 =	vor.u32 $0x380, v15;
	v16 =	vld.idx.msk [tilespmem:v16+s5+$0x0], $0xffff;
	[tilespmem:v27+s16+$0x0] =	vst.idx.msk @p0 $0xffff, v30  }
0x256: {  	v17 =	vld.idx.msk [tilespmem:v17+s5+$0x0], $0xffff;
	[tilespmem:v25+s16+$0x0] =	vst.idx.msk @p0 $0xffff, v34  }
0x257: {  	v18 =	vld.idx.msk [tilespmem:v18+s5+$0x0], $0xffff;
	[tilespmem:v39+s16+$0x0] =	vst.idx.msk @p0 $0xffff, v28  }
0x258: {  	v14 =	vld.idx.msk [tilespmem:v21+s5+$0x0], $0xffff;
	[tilespmem:v26+s16+$0x0] =	vst.idx.msk $0xffff, v24  }
0x259: {  	v21 =	vld.idx.msk [tilespmem:v22+s5+$0x0], $0xffff;
	[tilespmem:v9+s16+$0x0] =	vst.idx.msk $0xffff, v20  }
0x25a: {  	[tilespmem:v8+s16+$0x0] =	vst.idx.msk $0xffff, v16;
	v8 =	vld.idx.msk [tilespmem:v15+s5+$0x0], $0xffff  }
0x25b: {  	[tilespmem:v19+s16+$0x0] =	vst.idx.msk $0xffff, v17  }
0x25c: {  	[tilespmem:v10+s16+$0x0] =	vst.idx.msk $0xffff, v18  }
0x25d: {  	[tilespmem:v11+s16+$0x0] =	vst.idx.msk $0xffff, v14  }
0x25e: {  	s23 =	sshll.u32 s20, $0xC;
	p0 =	seq.s32 s20, $0x1F;
	[tilespmem:v12+s16+$0x0] =	vst.idx.msk $0xffff, v21  }
0x25f: {  	s23 =	sadd.s32 s23, s8;
	s22 =	sadd.s32 @!p0 s22, s9;
	[tilespmem:v13+s16+$0x0] =	vst.idx.msk $0xffff, v8  }
0x260: {  	[hbm4b:s23+s5] =	stream.linear.scatter [tilespmem:s16], [sflag:$0x3], $0x4000, $0x38;
	[tilespmem:$0x1C000] =	vst v63  }
0x261: {  	s23 =	sshll.u32 @!p0 s22, $0x9  }
0x262: {  	s24 =	simm.s32 @!p0 $0x0;
	s22 =	sshll.u32 @!p0 s22, $0x8;
	s23 =	sadd.s32 @!p0 s1, s23  }
0x263: {  	[tilespmem:s24], [sflag:$0x1] =	stream.linear.gather @!p0 [hbm4b:s23+s24], $0x8000, $0x38;
	[tilespmem:$0x1C000] =	vst v63  }
0x264: {  	s25 =	simm.s32 $0x0;
	s22 =	sadd.s32 @!p0 s2, s22;
	s23 =	simm.s32 @!p0 $0x10000  }
0x265: {  	v8 =	vmov s25;
	[tilespmem:s23], [sflag:$0x1] =	stream.linear.gather @!p0 [hbm4b:s22+s24], $0x4000, $0x38;
	[tilespmem:$0x1C000] =	vst v63  }
0x266: {  	v8 =	vshrl.u32 v8, $0x7;
	_ =	swait.ge [sflag:s17], $0x8000  }
0x267: {  	v9 =	vshll.u32 v8, $0xA;
	[sflag:s17] =	ssyncset.done $0x0  }
0x268: {  	v8 =	vbroadcast v9, $0x0;
	[sflag:s17] =	ssyncadd.s32 $0xFFFF8000  }
0x269: {  	_ =	swait.ge [sflag:s17], $0x4000  }
0x26a: {  	v26 =	vor.u32 v7, v8;
	[sflag:s17] =	ssyncset.done $0x0  }
0x26b: {  	v27 =	vor.u32 v0, v8;
	[sflag:s17] =	ssyncadd.s32 $0xFFFFC000  }
0x26c: {  	v30 =	vor.u32 v2, v8;
	_ =	swait.ge [sflag:s18], $0x4000  }
0x26d: {  	v31 =	vor.u32 v3, v8;
	[sflag:s18] =	ssyncset.done $0x0  }
0x26e: {  	v29 =	vor.u32 v5, v8;
	[sflag:s18] =	ssyncadd.s32 $0xFFFFC000  }
0x26f: {  	s31 =	simm.s32 $0x80;
	v16 =	vor.u32 v6, v8;
	v10 =	vld.idx.msk [tilespmem:v26+s14+$0x0], $0xffff  }
0x270: {  	v28 =	vor.u32 v1, v8;
	v32 =	vor.u32 v4, v8;
	v8 =	vmov s31;
	v18 =	vld.idx.msk [tilespmem:v27+s14+$0x0], $0xffff  }
0x271: {  	v8 =	vshrl.u32 v8, $0x7;
	v20 =	vld.idx.msk [tilespmem:v30+s14+$0x0], $0xffff  }
0x272: {  	v8 =	vshll.u32 v8, $0xA;
	v21 =	vld.idx.msk [tilespmem:v31+s14+$0x0], $0xffff  }
0x273: {  	v23 =	vbroadcast v8, $0x0;
	v24 =	vld.idx.msk [tilespmem:v29+s14+$0x0], $0xffff  }
0x274: {  	v56 =	vld.idx.msk [tilespmem:v16+s14+$0x0], $0xffff  }
0x275: {  	v37 =	vor.u32 v7, v23;
	v14 =	vor.u32 v0, v23  }
0x276: {  	v15 =	vor.u32 v1, v23;
	v17 =	vor.u32 v2, v23;
	v13 =	vor.u32 v3, v23  }
0x277: {  	v11 =	vshll.u32 v10, $0x3;
	v10 =	vand.u32 $0x7F, v10;
	v12 =	vshll.u32 v18, $0x3  }
0x278: {  	v59 =	vshll.u32 v20, $0x3;
	v62 =	vshll.u32 v21, $0x3;
	v57 =	vshll.u32 v24, $0x3  }
0x279: {  	v19 =	vld.idx.msk [tilespmem:v28+s14+$0x0], $0xffff;
	v58 =	vshll.u32 v56, $0x3;
	v18 =	vand.u32 $0x7F, v18;
	v11 =	vand.u32 $0xFFFFFC00, v11  }
0x27a: {  	v22 =	vld.idx.msk [tilespmem:v32+s14+$0x0], $0xffff;
	v20 =	vand.u32 $0x7F, v20;
	v21 =	vand.u32 $0x7F, v21;
	v25 =	vor.u32 v10, v11  }
0x27b: {  	v42 =	vld.idx.msk [tilespmem:v14+s14+$0x0], $0xffff;
	v24 =	vand.u32 $0x7F, v24;
	v33 =	vand.u32 $0x7F, v56;
	v60 =	vand.u32 $0xFFFFFC00, v12  }
0x27c: {  	v43 =	vld.idx.msk [tilespmem:v15+s14+$0x0], $0xffff;
	v12 =	vor.u32 v4, v23;
	v38 =	vand.u32 $0xFFFFFC00, v62;
	v11 =	vor.u32 v5, v23  }
0x27d: {  	v35 =	vld.idx.msk [tilespmem:v17+s14+$0x0], $0xffff;
	v34 =	vand.u32 $0xFFFFFC00, v57;
	v40 =	vand.u32 $0xFFFFFC00, v58;
	v18 =	vor.u32 v18, v60  }
0x27e: {  	v44 =	vld.idx.msk [tilespmem:v13+s14+$0x0], $0xffff;
	v10 =	vshll.u32 v19, $0x3;
	v19 =	vand.u32 $0x7F, v19;
	v34 =	vor.u32 v24, v34  }
0x27f: {  	v33 =	vor.u32 v33, v40;
	v61 =	vand.u32 $0xFFFFFC00, v10;
	v10 =	vor.u32 v6, v23;
	v63 =	vld.idx.msk [tilespmem:v25+s13+$0x0], $0xffff  }
0x280: {  	s22 =	simm.s32 $0x100;
	v23 =	vshll.u32 v22, $0x3;
	v22 =	vand.u32 $0x7F, v22;
	v25 =	vand.u32 $0xFFFFFC00, v59;
	v59 =	vld.idx.msk [tilespmem:v37+s14+$0x0], $0xffff  }
0x281: {  	v40 =	vld.idx.msk [tilespmem:v11+s14+$0x0], $0xffff;
	v20 =	vor.u32 v20, v25;
	v25 =	vor.u32 v21, v38;
	v21 =	vmov s22  }
0x282: {  	v23 =	vand.u32 $0xFFFFFC00, v23;
	v19 =	vor.u32 v19, v61;
	v46 =	vld.idx.msk [tilespmem:v18+s13+$0x0], $0xffff;
	v21 =	vshrl.u32 v21, $0x7  }
0x283: {  	v48 =	vshll.u32 v35, $0x3;
	v22 =	vor.u32 v22, v23;
	v55 =	vld.idx.msk [tilespmem:v34+s13+$0x0], $0xffff;
	v21 =	vshll.u32 v21, $0xA  }
0x284: {  	v48 =	vand.u32 $0xFFFFFC00, v48;
	v60 =	vshll.u32 v42, $0x3;
	v34 =	vld.idx.msk [tilespmem:v33+s13+$0x0], $0xffff;
	v47 =	vbroadcast v21, $0x0  }
0x285: {  	v50 =	vand.u32 $0xFFFFFC00, v60;
	v18 =	vshll.u32 v43, $0x3;
	v38 =	vld.idx.msk [tilespmem:v12+s14+$0x0], $0xffff;
	v23 =	vshll.u32 v59, $0x3  }
0x286: {  	v45 =	vld.idx.msk [tilespmem:v10+s14+$0x0], $0xffff;
	v24 =	vand.u32 $0x7F, v59;
	v23 =	vand.u32 $0xFFFFFC00, v23;
	v21 =	vor.u32 v7, v47  }
0x287: {  	v61 =	vshll.u32 v44, $0x3;
	v51 =	vand.u32 $0xFFFFFC00, v18;
	v49 =	vld.idx.msk [tilespmem:v19+s13+$0x0], $0xffff;
	[tilespmem:v26+s16+$0x0] =	vst.idx.msk $0xffff, v63;
	v41 =	vor.u32 v24, v23  }
0x288: {  	v54 =	vld.idx.msk [tilespmem:v22+s13+$0x0], $0xffff;
	v26 =	vshll.u32 v40, $0x3;
	[tilespmem:v27+s16+$0x0] =	vst.idx.msk $0xffff, v46;
	v46 =	vand.u32 $0xFFFFFC00, v61;
	v19 =	vor.u32 v0, v47  }
0x289: {  	v59 =	vand.u32 $0x7F, v43;
	v61 =	vand.u32 $0x7F, v44;
	v52 =	vld.idx.msk [tilespmem:v20+s13+$0x0], $0xffff;
	v18 =	vor.u32 v1, v47  }
0x28a: {  	[tilespmem:v29+s16+$0x0] =	vst.idx.msk $0xffff, v55;
	v53 =	vld.idx.msk [tilespmem:v25+s13+$0x0], $0xffff;
	v25 =	vor.u32 v2, v47;
	v22 =	vor.u32 v5, v47  }
0x28b: {  	v20 =	vor.u32 v6, v47;
	v62 =	vshll.u32 v38, $0x3;
	v24 =	vor.u32 v3, v47;
	v36 =	vld.idx.msk [tilespmem:v21+s14+$0x0], $0xffff  }
0x28c: {  	v63 =	vshll.u32 v45, $0x3;
	v56 =	vand.u32 $0xFFFFFC00, v26;
	v23 =	vor.u32 v4, v47;
	[tilespmem:v28+s16+$0x0] =	vst.idx.msk $0xffff, v49;
	v41 =	vld.idx.msk [tilespmem:v41+s13+$0x0], $0xffff  }
0x28d: {  	v47 =	vand.u32 $0xFFFFFC00, v62;
	v28 =	vand.u32 $0x7F, v42;
	v60 =	vand.u32 $0xFFFFFC00, v63;
	[tilespmem:v32+s16+$0x0] =	vst.idx.msk $0xffff, v54;
	v26 =	vld.idx.msk [tilespmem:v19+s14+$0x0], $0xffff  }
0x28e: {  	v62 =	vand.u32 $0x7F, v38;
	v63 =	vand.u32 $0x7F, v45;
	v39 =	vor.u32 v28, v50;
	[tilespmem:v30+s16+$0x0] =	vst.idx.msk $0xffff, v52;
	v27 =	vld.idx.msk [tilespmem:v18+s14+$0x0], $0xffff  }
0x28f: {  	v32 =	vor.u32 v63, v60;
	v30 =	vand.u32 $0x7F, v35;
	[tilespmem:v31+s16+$0x0] =	vst.idx.msk $0xffff, v53;
	v31 =	vand.u32 $0x7F, v40;
	v28 =	vld.idx.msk [tilespmem:v25+s14+$0x0], $0xffff  }
0x290: {  	v40 =	vor.u32 v59, v51;
	v35 =	vor.u32 v62, v47;
	v38 =	vor.u32 v30, v48;
	v30 =	vld.idx.msk [tilespmem:v24+s14+$0x0], $0xffff  }
0x291: {  	s25 =	simm.s32 $0x180;
	s23 =	simm.s32 $0x8;
	s24 =	simm.s32 $0x10;
	v33 =	vor.u32 v31, v56;
	v31 =	vld.idx.msk [tilespmem:v23+s14+$0x0], $0xffff;
	[tilespmem:v37+s16+$0x0] =	vst.idx.msk $0xffff, v41;
	v37 =	vor.u32 v61, v46  }
.LBB2_43:
0x292: {  	v29 =	vmov s25;
	s24 =	sadd.s32 $0x8, s24;
	v41 =	vld.idx.msk [tilespmem:v22+s14+$0x0], $0xffff;
	v46 =	vshll.u32 v36, $0x3;
	[tilespmem:v16+s16+$0x0] =	vst.idx.msk $0xffff, v34;
	v43 =	vmovc v25;
	v44 =	vmovc v13;
	v13 =	vmov v24  }
0x293: {  	v24 =	vand.u32 $0x7F, v36;
	v42 =	vmovc v12;
	v12 =	vmovc v23;
	v48 =	vshrl.u32 v29, $0x7;
	p0 =	slt.u32 s24, $0x78;
	v29 =	vld.idx.msk [tilespmem:v20+s14+$0x0], $0xffff;
	v25 =	vand.u32 $0xFFFFFC00, v46  }
0x294: {  	v23 =	vshll.u32 v26, $0x3;
	v45 =	vmovc v11;
	v11 =	vmovc v22;
	v47 =	vshll.u32 v48, $0xA;
	v34 =	vor.u32 v24, v25;
	v36 =	vld.idx.msk [tilespmem:v39+s13+$0x0], $0xffff  }
0x295: {  	v16 =	vmovc v10;
	v10 =	vmovc v20;
	v22 =	vshll.u32 v27, $0x3;
	v46 =	vshll.u32 v28, $0x3;
	v39 =	vbroadcast v47, $0x0;
	v40 =	vld.idx.msk [tilespmem:v40+s13+$0x0], $0xffff  }
0x296: {  	v48 =	vand.u32 $0xFFFFFC00, v22;
	v47 =	vand.u32 $0xFFFFFC00, v23;
	v49 =	vshll.u32 v30, $0x3;
	v38 =	vld.idx.msk [tilespmem:v38+s13+$0x0], $0xffff  }
0x297: {  	v50 =	vor.u32 v0, v39;
	v51 =	vor.u32 v1, v39;
	v52 =	vor.u32 v7, v39;
	v37 =	vld.idx.msk [tilespmem:v37+s13+$0x0], $0xffff  }
0x298: {  	v25 =	vor.u32 v2, v39;
	v24 =	vor.u32 v3, v39;
	v23 =	vor.u32 v4, v39;
	v35 =	vld.idx.msk [tilespmem:v35+s13+$0x0], $0xffff  }
0x299: {  	v22 =	vor.u32 v5, v39;
	v20 =	vor.u32 v6, v39;
	v39 =	vshll.u32 v31, $0x3;
	v53 =	vld.idx.msk [tilespmem:v34+s13+$0x0], $0xffff  }
0x29a: {  	v46 =	vand.u32 $0xFFFFFC00, v46;
	v54 =	vshll.u32 v29, $0x3;
	v34 =	vshll.u32 v41, $0x3;
	[tilespmem:v14+s16+$0x0] =	vst.idx.msk $0xffff, v36;
	v55 =	vld.idx.msk [tilespmem:v33+s13+$0x0], $0xffff;
	v14 =	vmovc v19  }
0x29b: {  	v33 =	vand.u32 $0xFFFFFC00, v49;
	v49 =	vand.u32 $0xFFFFFC00, v39;
	v56 =	vand.u32 $0xFFFFFC00, v34;
	v19 =	vmovc v50;
	[tilespmem:v15+s16+$0x0] =	vst.idx.msk $0xffff, v40;
	v34 =	vld.idx.msk [tilespmem:v32+s13+$0x0], $0xffff  }
0x29c: {  	v54 =	vand.u32 $0xFFFFFC00, v54;
	v32 =	vand.u32 $0x7F, v26;
	v40 =	vand.u32 $0x7F, v27;
	v15 =	vmovc v18;
	v36 =	vld.idx.msk [tilespmem:v52+s14+$0x0], $0xffff;
	[tilespmem:v17+s16+$0x0] =	vst.idx.msk $0xffff, v38  }
.Ltmp22:
0x29d: {  	v31 =	vand.u32 $0x7F, v31;
	v18 =	vmovc v51;
	v17 =	vand.u32 $0x7F, v28;
	v26 =	vld.idx.msk [tilespmem:v50+s14+$0x0], $0xffff;
	v50 =	vand.u32 $0x7F, v30;
	[tilespmem:v44+s16+$0x0] =	vst.idx.msk $0xffff, v37;
	(pc) =	sbr.rel @p0 .LBB2_43-.Ltmp22, $4  }
0x29e: {  	v29 =	vand.u32 $0x7F, v29;
	v39 =	vor.u32 v32, v47;
	v32 =	vand.u32 $0x7F, v41;
	v27 =	vld.idx.msk [tilespmem:v51+s14+$0x0], $0xffff;
	[tilespmem:v42+s16+$0x0] =	vst.idx.msk $0xffff, v35  }
0x29f: {  	v40 =	vor.u32 v40, v48;
	v38 =	vor.u32 v17, v46;
	v28 =	vld.idx.msk [tilespmem:v25+s14+$0x0], $0xffff;
	[tilespmem:v21+s16+$0x0] =	vst.idx.msk $0xffff, v53  }
0x2a0: {  	v37 =	vor.u32 v50, v33;
	v35 =	vor.u32 v31, v49;
	v33 =	vor.u32 v32, v56;
	v30 =	vld.idx.msk [tilespmem:v24+s14+$0x0], $0xffff  }
0x2a1: {  	s25 =	sadd.s32 $0x80, s25;
	v32 =	vor.u32 v29, v54;
	v21 =	vmov v52;
	v17 =	vmov v43;
	v31 =	vld.idx.msk [tilespmem:v23+s14+$0x0], $0xffff;
	[tilespmem:v45+s16+$0x0] =	vst.idx.msk $0xffff, v55  }
0x2a2: {  	_ =	sdelay $0x3  }
0x2a3: {  	v29 =	vld.idx.msk [tilespmem:v22+s14+$0x0], $0xffff;
	v41 =	vshll.u32 v36, $0x3  }
0x2a4: {  	v42 =	vld.idx.msk [tilespmem:v20+s14+$0x0], $0xffff;
	v61 =	vand.u32 $0x7F, v36;
	v43 =	vshll.u32 v26, $0x3;
	v26 =	vand.u32 $0x7F, v26  }
0x2a5: {  	v39 =	vld.idx.msk [tilespmem:v39+s13+$0x0], $0xffff;
	v41 =	vand.u32 $0xFFFFFC00, v41;
	v62 =	vshll.u32 v27, $0x3;
	v43 =	vand.u32 $0xFFFFFC00, v43  }
0x2a6: {  	v40 =	vld.idx.msk [tilespmem:v40+s13+$0x0], $0xffff;
	v27 =	vand.u32 $0x7F, v27;
	v36 =	vor.u32 v61, v41;
	v44 =	vshll.u32 v28, $0x3  }
0x2a7: {  	v38 =	vld.idx.msk [tilespmem:v38+s13+$0x0], $0xffff;
	v41 =	vand.u32 $0xFFFFFC00, v62;
	v26 =	vor.u32 v26, v43;
	v28 =	vand.u32 $0x7F, v28  }
0x2a8: {  	v37 =	vld.idx.msk [tilespmem:v37+s13+$0x0], $0xffff;
	v45 =	vshll.u32 v30, $0x3;
	v44 =	vand.u32 $0xFFFFFC00, v44;
	v27 =	vor.u32 v27, v41  }
0x2a9: {  	[tilespmem:v16+s16+$0x0] =	vst.idx.msk $0xffff, v34;
	v16 =	vld.idx.msk [tilespmem:v35+s13+$0x0], $0xffff;
	v30 =	vand.u32 $0x7F, v30;
	v46 =	vshll.u32 v31, $0x3;
	v28 =	vor.u32 v28, v44  }
0x2aa: {  	v33 =	vld.idx.msk [tilespmem:v33+s13+$0x0], $0xffff;
	v63 =	vshll.u32 v29, $0x3;
	v47 =	vshll.u32 v42, $0x3;
	[tilespmem:v14+s16+$0x0] =	vst.idx.msk $0xffff, v39;
	v14 =	vand.u32 $0xFFFFFC00, v45  }
0x2ab: {  	v49 =	vand.u32 $0xFFFFFC00, v46;
	[tilespmem:v15+s16+$0x0] =	vst.idx.msk $0xffff, v40;
	v15 =	vand.u32 $0x7F, v31;
	v31 =	vld.idx.msk [tilespmem:v32+s13+$0x0], $0xffff;
	v14 =	vor.u32 v30, v14  }
0x2ac: {  	[tilespmem:v17+s16+$0x0] =	vst.idx.msk $0xffff, v38;
	v17 =	vand.u32 $0x7F, v29;
	v30 =	vand.u32 $0xFFFFFC00, v63;
	v15 =	vor.u32 v15, v49;
	v48 =	vld.idx.msk [tilespmem:v36+s13+$0x0], $0xffff  }
0x2ad: {  	[tilespmem:v13+s16+$0x0] =	vst.idx.msk $0xffff, v37;
	v13 =	vand.u32 $0x7F, v42;
	v29 =	vand.u32 $0xFFFFFC00, v47;
	v17 =	vor.u32 v17, v30;
	v26 =	vld.idx.msk [tilespmem:v26+s13+$0x0], $0xffff  }
0x2ae: {  	[tilespmem:v12+s16+$0x0] =	vst.idx.msk $0xffff, v16;
	v12 =	vor.u32 v13, v29;
	v13 =	vld.idx.msk [tilespmem:v27+s13+$0x0], $0xffff  }
0x2af: {  	[tilespmem:v11+s16+$0x0] =	vst.idx.msk $0xffff, v33;
	v16 =	vld.idx.msk [tilespmem:v28+s13+$0x0], $0xffff  }
0x2b0: {  	[tilespmem:v10+s16+$0x0] =	vst.idx.msk $0xffff, v31;
	v11 =	vld.idx.msk [tilespmem:v14+s13+$0x0], $0xffff  }
0x2b1: {  	v9 =	vor.u32 $0x80, v9;
	v10 =	vld.idx.msk [tilespmem:v15+s13+$0x0], $0xffff;
	[tilespmem:v21+s16+$0x0] =	vst.idx.msk $0xffff, v48  }
0x2b2: {  	[tilespmem:v19+s16+$0x0] =	vst.idx.msk $0xffff, v26;
	v15 =	vld.idx.msk [tilespmem:v17+s13+$0x0], $0xffff;
	v17 =	vbroadcast v9, $0x0  }
0x2b3: {  	v9 =	vld.idx.msk [tilespmem:v12+s13+$0x0], $0xffff;
	[tilespmem:v18+s16+$0x0] =	vst.idx.msk $0xffff, v13  }
0x2b4: {  	[tilespmem:v25+s16+$0x0] =	vst.idx.msk $0xffff, v16;
	v28 =	vor.u32 v7, v17  }
0x2b5: {  	v14 =	vor.u32 v0, v17;
	[tilespmem:v24+s16+$0x0] =	vst.idx.msk $0xffff, v11  }
0x2b6: {  	v12 =	vor.u32 v3, v17;
	[tilespmem:v23+s16+$0x0] =	vst.idx.msk $0xffff, v10  }
0x2b7: {  	v21 =	vor.u32 v2, v17;
	[tilespmem:v22+s16+$0x0] =	vst.idx.msk $0xffff, v15  }
0x2b8: {  	v13 =	vor.u32 v1, v17;
	[tilespmem:v20+s16+$0x0] =	vst.idx.msk $0xffff, v9  }
0x2b9: {  	v10 =	vor.u32 v4, v17;
	v15 =	vld.idx.msk [tilespmem:v28+s14+$0x0], $0xffff  }
0x2ba: {  	v8 =	vor.u32 $0x80, v8;
	v11 =	vor.u32 v6, v17;
	v23 =	vld.idx.msk [tilespmem:v14+s14+$0x0], $0xffff  }
0x2bb: {  	v51 =	vbroadcast v8, $0x0;
	v26 =	vld.idx.msk [tilespmem:v12+s14+$0x0], $0xffff  }
0x2bc: {  	v25 =	vld.idx.msk [tilespmem:v21+s14+$0x0], $0xffff  }
0x2bd: {  	v8 =	vor.u32 v7, v51;
	v19 =	vor.u32 v4, v51;
	v24 =	vld.idx.msk [tilespmem:v13+s14+$0x0], $0xffff  }
0x2be: {  	v18 =	vor.u32 v5, v51;
	v9 =	vor.u32 v5, v17;
	v22 =	vor.u32 v2, v51;
	v27 =	vld.idx.msk [tilespmem:v10+s14+$0x0], $0xffff  }
0x2bf: {  	v20 =	vor.u32 v3, v51;
	v31 =	vld.idx.msk [tilespmem:v11+s14+$0x0], $0xffff;
	v16 =	vshll.u32 v15, $0x3;
	v15 =	vand.u32 $0x7F, v15  }
0x2c0: {  	v17 =	vshll.u32 v23, $0x3;
	v50 =	vshll.u32 v26, $0x3;
	v58 =	vand.u32 $0x7F, v23  }
0x2c1: {  	v60 =	vand.u32 $0x7F, v25;
	v26 =	vand.u32 $0x7F, v26;
	v16 =	vand.u32 $0xFFFFFC00, v16  }
0x2c2: {  	v52 =	vand.u32 $0xFFFFFC00, v17;
	v17 =	vor.u32 v6, v51;
	v15 =	vor.u32 v16, v15  }
0x2c3: {  	v29 =	vld.idx.msk [tilespmem:v9+s14+$0x0], $0xffff;
	v32 =	vand.u32 $0xFFFFFC00, v50;
	v16 =	vshll.u32 v24, $0x3;
	v30 =	vor.u32 $0x80, v15  }
0x2c4: {  	v53 =	vshll.u32 v27, $0x3;
	v57 =	vshll.u32 v31, $0x3;
	v15 =	vshll.u32 v25, $0x3  }
0x2c5: {  	v24 =	vand.u32 $0x7F, v24;
	v55 =	vand.u32 $0xFFFFFC00, v15;
	v15 =	vor.u32 v0, v51  }
0x2c6: {  	v33 =	vld.idx.msk [tilespmem:v8+s14+$0x0], $0xffff;
	v27 =	vand.u32 $0x7F, v27;
	v54 =	vand.u32 $0xFFFFFC00, v16;
	v16 =	vor.u32 v1, v51  }
0x2c7: {  	v34 =	vor.u32 v52, v58;
	v31 =	vand.u32 $0x7F, v31;
	v32 =	vor.u32 v32, v26;
	v26 =	vld.idx.msk [tilespmem:v20+s14+$0x0], $0xffff  }
0x2c8: {  	v56 =	vshll.u32 v29, $0x3;
	v35 =	vand.u32 $0xFFFFFC00, v53;
	v59 =	vand.u32 $0xFFFFFC00, v57;
	v30 =	vld.idx.msk [tilespmem:v30+s13+$0x0], $0xffff  }
0x2c9: {  	v29 =	vand.u32 $0x7F, v29;
	v36 =	vor.u32 $0x80, v34;
	v61 =	vor.u32 v54, v24;
	v24 =	vld.idx.msk [tilespmem:v22+s14+$0x0], $0xffff  }
0x2ca: {  	v32 =	vor.u32 $0x80, v32;
	v38 =	vand.u32 $0xFFFFFC00, v56;
	v62 =	vor.u32 v35, v27;
	v23 =	vld.idx.msk [tilespmem:v15+s14+$0x0], $0xffff  }
0x2cb: {  	v63 =	vor.u32 v59, v31;
	v37 =	vor.u32 v55, v60;
	v29 =	vor.u32 v38, v29;
	v25 =	vld.idx.msk [tilespmem:v16+s14+$0x0], $0xffff  }
0x2cc: {  	v27 =	vld.idx.msk [tilespmem:v19+s14+$0x0], $0xffff;
	v35 =	vor.u32 $0x80, v61;
	v31 =	vor.u32 $0x80, v62;
	v34 =	vor.u32 $0x80, v37  }
0x2cd: {  	v37 =	vshll.u32 v33, $0x3;
	[tilespmem:v28+s16+$0x0] =	vst.idx.msk $0xffff, v30;
	v28 =	vld.idx.msk [tilespmem:v18+s14+$0x0], $0xffff;
	v30 =	vor.u32 $0x80, v29;
	v29 =	vor.u32 $0x80, v63  }
.LBB2_45:
0x2ce: {  	v38 =	vmov s22;
	s23 =	sadd.s32 $0x8, s23;
	v39 =	vld.idx.msk [tilespmem:v17+s14+$0x0], $0xffff;
	v33 =	vand.u32 $0x7F, v33;
	v43 =	vand.u32 $0xFFFFFC00, v37;
	v40 =	vmovc v22;
	v41 =	vmovc v12  }
0x2cf: {  	v12 =	vmovc v20;
	v37 =	vmovc v10;
	v22 =	vshrl.u32 v38, $0x7;
	p0 =	slt.u32 s23, $0x78;
	v38 =	vshll.u32 v23, $0x3;
	v33 =	vor.u32 v43, v33  }
0x2d0: {  	v10 =	vmovc v19;
	v42 =	vmovc v9;
	v20 =	vshll.u32 v22, $0xA;
	v22 =	vshll.u32 v25, $0x3;
	v33 =	vor.u32 $0x80, v33;
	v36 =	vld.idx.msk [tilespmem:v36+s13+$0x0], $0xffff  }
0x2d1: {  	v9 =	vmovc v18;
	v44 =	vmovc v11;
	v43 =	vshll.u32 v26, $0x3;
	v19 =	vor.u32 $0x80, v20;
	v20 =	vshll.u32 v24, $0x3;
	v35 =	vld.idx.msk [tilespmem:v35+s13+$0x0], $0xffff  }
0x2d2: {  	v11 =	vmovc v17;
	v38 =	vand.u32 $0xFFFFFC00, v38;
	v46 =	vshll.u32 v27, $0x3;
	v45 =	vbroadcast v19, $0x0;
	v34 =	vld.idx.msk [tilespmem:v34+s13+$0x0], $0xffff  }
0x2d3: {  	v47 =	vand.u32 $0xFFFFFC00, v22;
	v48 =	vand.u32 $0xFFFFFC00, v20;
	v49 =	vshll.u32 v28, $0x3;
	v32 =	vld.idx.msk [tilespmem:v32+s13+$0x0], $0xffff  }
0x2d4: {  	v50 =	vor.u32 v0, v45;
	v51 =	vor.u32 v1, v45;
	v52 =	vor.u32 v7, v45;
	v31 =	vld.idx.msk [tilespmem:v31+s13+$0x0], $0xffff  }
0x2d5: {  	v22 =	vor.u32 v2, v45;
	v20 =	vor.u32 v3, v45;
	v19 =	vor.u32 v4, v45;
	v53 =	vld.idx.msk [tilespmem:v33+s13+$0x0], $0xffff  }
0x2d6: {  	v18 =	vor.u32 v5, v45;
	v17 =	vor.u32 v6, v45;
	v33 =	vshll.u32 v39, $0x3;
	v30 =	vld.idx.msk [tilespmem:v30+s13+$0x0], $0xffff  }
0x2d7: {  	v43 =	vand.u32 $0xFFFFFC00, v43;
	v45 =	vand.u32 $0xFFFFFC00, v46;
	v46 =	vand.u32 $0xFFFFFC00, v49;
	[tilespmem:v14+s16+$0x0] =	vst.idx.msk $0xffff, v36;
	v49 =	vld.idx.msk [tilespmem:v29+s13+$0x0], $0xffff;
	v14 =	vmovc v15  }
0x2d8: {  	v54 =	vand.u32 $0xFFFFFC00, v33;
	v29 =	vand.u32 $0x7F, v23;
	v36 =	vand.u32 $0x7F, v25;
	v15 =	vmovc v50;
	[tilespmem:v13+s16+$0x0] =	vst.idx.msk $0xffff, v35;
	v13 =	vmovc v16  }
0x2d9: {  	v26 =	vand.u32 $0x7F, v26;
	v24 =	vand.u32 $0x7F, v24;
	v27 =	vand.u32 $0x7F, v27;
	v16 =	vmovc v51;
	v33 =	vld.idx.msk [tilespmem:v52+s14+$0x0], $0xffff;
	[tilespmem:v21+s16+$0x0] =	vst.idx.msk $0xffff, v34  }
0x2da: {  	v28 =	vand.u32 $0x7F, v28;
	v21 =	vor.u32 v38, v29;
	v29 =	vand.u32 $0x7F, v39;
	v23 =	vld.idx.msk [tilespmem:v50+s14+$0x0], $0xffff;
	[tilespmem:v41+s16+$0x0] =	vst.idx.msk $0xffff, v32  }
.Ltmp23:
0x2db: {  	v34 =	vor.u32 v48, v24;
	v32 =	vor.u32 v47, v36;
	v25 =	vld.idx.msk [tilespmem:v51+s14+$0x0], $0xffff;
	[tilespmem:v8+s16+$0x0] =	vst.idx.msk $0xffff, v53;
	(pc) =	sbr.rel @p0 .LBB2_45-.Ltmp23, $4  }
0x2dc: {  	v38 =	vor.u32 v45, v27;
	v39 =	vor.u32 v46, v28;
	v41 =	vor.u32 v43, v26;
	v24 =	vld.idx.msk [tilespmem:v22+s14+$0x0], $0xffff  }
0x2dd: {  	v36 =	vor.u32 $0x80, v21;
	v43 =	vor.u32 v54, v29;
	v35 =	vor.u32 $0x80, v32;
	v26 =	vld.idx.msk [tilespmem:v20+s14+$0x0], $0xffff;
	[tilespmem:v37+s16+$0x0] =	vst.idx.msk $0xffff, v31  }
0x2de: {  	v34 =	vor.u32 $0x80, v34;
	v32 =	vor.u32 $0x80, v41;
	v8 =	vmovc v52;
	v31 =	vor.u32 $0x80, v38;
	v27 =	vld.idx.msk [tilespmem:v19+s14+$0x0], $0xffff;
	[tilespmem:v42+s16+$0x0] =	vst.idx.msk $0xffff, v30  }
0x2df: {  	s22 =	sadd.s32 $0x80, s22;
	v29 =	vor.u32 $0x80, v43;
	v21 =	vmovc v40;
	v37 =	vshll.u32 v33, $0x3;
	v30 =	vor.u32 $0x80, v39;
	v28 =	vld.idx.msk [tilespmem:v18+s14+$0x0], $0xffff;
	[tilespmem:v44+s16+$0x0] =	vst.idx.msk $0xffff, v49  }
0x2e0: {  	_ =	sdelay $0x1  }
0x2e1: {  	v33 =	vand.u32 $0x7F, v33;
	v37 =	vand.u32 $0xFFFFFC00, v37;
	v63 =	vshll.u32 v23, $0x3  }
0x2e2: {  	v39 =	vshll.u32 v25, $0x3;
	v23 =	vand.u32 $0x7F, v23;
	v25 =	vand.u32 $0x7F, v25  }
0x2e3: {  	v38 =	vld.idx.msk [tilespmem:v17+s14+$0x0], $0xffff;
	v33 =	vor.u32 v37, v33;
	v40 =	vshll.u32 v24, $0x3;
	v37 =	vand.u32 $0xFFFFFC00, v63  }
0x2e4: {  	v36 =	vld.idx.msk [tilespmem:v36+s13+$0x0], $0xffff;
	v39 =	vand.u32 $0xFFFFFC00, v39;
	v24 =	vand.u32 $0x7F, v24;
	v33 =	vor.u32 $0x80, v33  }
0x2e5: {  	v35 =	vld.idx.msk [tilespmem:v35+s13+$0x0], $0xffff;
	v41 =	vshll.u32 v26, $0x3;
	v40 =	vand.u32 $0xFFFFFC00, v40;
	v23 =	vor.u32 v37, v23  }
0x2e6: {  	v34 =	vld.idx.msk [tilespmem:v34+s13+$0x0], $0xffff;
	v25 =	vor.u32 v39, v25;
	v26 =	vand.u32 $0x7F, v26;
	v42 =	vshll.u32 v27, $0x3  }
0x2e7: {  	v41 =	vand.u32 $0xFFFFFC00, v41;
	v23 =	vor.u32 $0x80, v23;
	v24 =	vor.u32 v40, v24  }
0x2e8: {  	v32 =	vld.idx.msk [tilespmem:v32+s13+$0x0], $0xffff;
	v25 =	vor.u32 $0x80, v25;
	v43 =	vshll.u32 v28, $0x3;
	v42 =	vand.u32 $0xFFFFFC00, v42  }
0x2e9: {  	v26 =	vor.u32 v41, v26;
	v24 =	vor.u32 $0x80, v24;
	v44 =	vshll.u32 v38, $0x3;
	[tilespmem:v14+s16+$0x0] =	vst.idx.msk $0xffff, v36;
	v33 =	vld.idx.msk [tilespmem:v33+s13+$0x0], $0xffff  }
0x2ea: {  	v31 =	vld.idx.msk [tilespmem:v31+s13+$0x0], $0xffff;
	v43 =	vand.u32 $0xFFFFFC00, v43;
	v14 =	vand.u32 $0x7F, v27;
	[tilespmem:v13+s16+$0x0] =	vst.idx.msk $0xffff, v35;
	v13 =	vand.u32 $0x7F, v28  }
0x2eb: {  	v27 =	vld.idx.msk [tilespmem:v30+s13+$0x0], $0xffff;
	v26 =	vor.u32 $0x80, v26;
	[tilespmem:v21+s16+$0x0] =	vst.idx.msk $0xffff, v34;
	v21 =	vand.u32 $0x7F, v38;
	v14 =	vor.u32 v42, v14  }
0x2ec: {  	v28 =	vld.idx.msk [tilespmem:v29+s13+$0x0], $0xffff;
	v44 =	vand.u32 $0xFFFFFC00, v44;
	v13 =	vor.u32 v43, v13;
	v14 =	vor.u32 $0x80, v14  }
0x2ed: {  	s22 =	simm.s32 $0x0;
	[tilespmem:v12+s16+$0x0] =	vst.idx.msk $0xffff, v32;
	v12 =	vor.u32 v44, v21;
	v13 =	vor.u32 $0x80, v13;
	v21 =	vld.idx.msk [tilespmem:v23+s13+$0x0], $0xffff  }
0x2ee: {  	v12 =	vor.u32 $0x80, v12;
	v23 =	vld.idx.msk [tilespmem:v25+s13+$0x0], $0xffff;
	[tilespmem:v8+s16+$0x0] =	vst.idx.msk $0xffff, v33;
	v8 =	vmov s22  }
0x2ef: {  	[tilespmem:v10+s16+$0x0] =	vst.idx.msk $0xffff, v31;
	v10 =	vld.idx.msk [tilespmem:v24+s13+$0x0], $0xffff;
	v8 =	vshrl.u32 v8, $0x7  }
0x2f0: {  	[tilespmem:v9+s16+$0x0] =	vst.idx.msk $0xffff, v27;
	v9 =	vld.idx.msk [tilespmem:v26+s13+$0x0], $0xffff;
	v8 =	vshll.u32 v8, $0xA  }
0x2f1: {  	[tilespmem:v11+s16+$0x0] =	vst.idx.msk $0xffff, v28;
	v11 =	vld.idx.msk [tilespmem:v14+s13+$0x0], $0xffff;
	v14 =	vor.u32 $0x100, v8  }
0x2f2: {  	v13 =	vld.idx.msk [tilespmem:v13+s13+$0x0], $0xffff;
	[tilespmem:v15+s16+$0x0] =	vst.idx.msk $0xffff, v21;
	v14 =	vbroadcast v14, $0x0  }
0x2f3: {  	v12 =	vld.idx.msk [tilespmem:v12+s13+$0x0], $0xffff;
	[tilespmem:v16+s16+$0x0] =	vst.idx.msk $0xffff, v23  }
0x2f4: {  	[tilespmem:v22+s16+$0x0] =	vst.idx.msk $0xffff, v10;
	v27 =	vor.u32 v7, v14  }
0x2f5: {  	[tilespmem:v20+s16+$0x0] =	vst.idx.msk $0xffff, v9;
	v10 =	vor.u32 v0, v14  }
0x2f6: {  	[tilespmem:v19+s16+$0x0] =	vst.idx.msk $0xffff, v11;
	v9 =	vor.u32 v1, v14  }
0x2f7: {  	[tilespmem:v18+s16+$0x0] =	vst.idx.msk $0xffff, v13;
	v16 =	vor.u32 v2, v14  }
0x2f8: {  	[tilespmem:v17+s16+$0x0] =	vst.idx.msk $0xffff, v12;
	v13 =	vor.u32 v3, v14  }
0x2f9: {  	v11 =	vor.u32 v4, v14;
	v31 =	vld.idx.msk [tilespmem:v27+s14+$0x0], $0xffff  }
0x2fa: {  	p1 =	por $0x1, $0x1;
	v12 =	vor.u32 v5, v14;
	v17 =	vld.idx.msk [tilespmem:v10+s14+$0x0], $0xffff  }
.Ltmp24:
0x2fb: {  	v21 =	vld.idx.msk [tilespmem:v9+s14+$0x0], $0xffff;
	(pc) =	sbr.rel @!p1 .LBB2_47-.Ltmp24, $4  }
0x2fc: {  	v18 =	vld.idx.msk [tilespmem:v16+s14+$0x0], $0xffff  }
0x2fd: {  	v19 =	vld.idx.msk [tilespmem:v13+s14+$0x0], $0xffff  }
0x2fe: {  	v22 =	vld.idx.msk [tilespmem:v11+s14+$0x0], $0xffff  }
0x2ff: {  	p0 =	por $0x0, $0x0;
	s22 =	simm.s32 $0x80;
	v15 =	vor.u32 v6, v14;
	v23 =	vld.idx.msk [tilespmem:v12+s14+$0x0], $0xffff;
	v39 =	vshll.u32 v31, $0x3  }
0x300: {  	v14 =	vmov s22;
	v20 =	vand.u32 $0x7F, v31  }
0x301: {  	v24 =	vand.u32 $0xFFFFFC00, v39;
	v25 =	vshll.u32 v17, $0x3;
	v14 =	vshrl.u32 v14, $0x7  }
0x302: {  	v41 =	vand.u32 $0x7F, v17;
	v42 =	vand.u32 $0x7F, v21;
	v14 =	vshll.u32 v14, $0xA  }
0x303: {  	v20 =	vor.u32 v24, v20;
	v24 =	vshll.u32 v21, $0x3;
	v14 =	vor.u32 $0x100, v14  }
0x304: {  	v34 =	vand.u32 $0xFFFFFC00, v25;
	v29 =	vor.u32 $0x100, v20;
	v14 =	vbroadcast v14, $0x0  }
0x305: {  	v20 =	vshll.u32 v18, $0x3;
	v31 =	vshll.u32 v19, $0x3;
	v36 =	vand.u32 $0xFFFFFC00, v24  }
0x306: {  	v18 =	vand.u32 $0x7F, v18;
	v19 =	vand.u32 $0x7F, v19;
	v26 =	vor.u32 v7, v14  }
0x307: {  	v34 =	vor.u32 v34, v41;
	v35 =	vshll.u32 v22, $0x3;
	v24 =	vor.u32 v0, v14  }
0x308: {  	v32 =	vld.idx.msk [tilespmem:v15+s14+$0x0], $0xffff;
	v37 =	vand.u32 $0xFFFFFC00, v20;
	v40 =	vand.u32 $0xFFFFFC00, v31;
	v25 =	vor.u32 v1, v14  }
0x309: {  	v22 =	vand.u32 $0x7F, v22;
	v36 =	vor.u32 v36, v42;
	v20 =	vor.u32 v2, v14  }
0x30a: {  	v38 =	vshll.u32 v23, $0x3;
	v35 =	vand.u32 $0xFFFFFC00, v35;
	v33 =	vor.u32 v3, v14;
	v29 =	vld.idx.msk [tilespmem:v29+s13+$0x0], $0xffff  }
0x30b: {  	v23 =	vand.u32 $0x7F, v23;
	v37 =	vor.u32 v37, v18;
	v30 =	vor.u32 v4, v14;
	v31 =	vld.idx.msk [tilespmem:v26+s14+$0x0], $0xffff  }
0x30c: {  	p3 =	por $0x1, $0x1;
	v40 =	vor.u32 v40, v19;
	v36 =	vor.u32 $0x100, v36;
	v28 =	vor.u32 v5, v14;
	v17 =	vld.idx.msk [tilespmem:v24+s14+$0x0], $0xffff  }
.Ltmp25:
0x30d: {  	v61 =	vshll.u32 v32, $0x3;
	v38 =	vand.u32 $0xFFFFFC00, v38;
	v14 =	vor.u32 v6, v14;
	v21 =	vld.idx.msk [tilespmem:v25+s14+$0x0], $0xffff;
	(pc) =	sbr.rel @!p3 .LBB2_49-.Ltmp25, $4  }
0x30e: {  	v32 =	vand.u32 $0x7F, v32;
	v62 =	vor.u32 v35, v22;
	v37 =	vor.u32 $0x100, v37;
	v18 =	vld.idx.msk [tilespmem:v20+s14+$0x0], $0xffff  }
0x30f: {  	v39 =	vand.u32 $0xFFFFFC00, v61;
	v63 =	vor.u32 v38, v23;
	v38 =	vor.u32 $0x100, v34;
	v19 =	vld.idx.msk [tilespmem:v33+s14+$0x0], $0xffff  }
0x310: {  	v35 =	vor.u32 $0x100, v40;
	v34 =	vor.u32 $0x100, v62;
	v43 =	vor.u32 v39, v32;
	v22 =	vld.idx.msk [tilespmem:v30+s14+$0x0], $0xffff  }
0x311: {  	s23 =	simm.s32 $0x8;
	s24 =	simm.s32 $0x100;
	p2 =	por $0x1, $0x1;
	v32 =	vor.u32 $0x100, v63;
	v23 =	vld.idx.msk [tilespmem:v28+s14+$0x0], $0xffff;
	[tilespmem:v27+s16+$0x0] =	vst.idx.msk $0xffff, v29;
	v29 =	vor.u32 $0x100, v43;
	v39 =	vshll.u32 v31, $0x3  }
.LBB2_50:
0x312: {  	v27 =	vmov s24;
	s23 =	sadd.s32 $0x8, s23;
	v40 =	vld.idx.msk [tilespmem:v14+s14+$0x0], $0xffff;
	v31 =	vand.u32 $0x7F, v31;
	v44 =	vand.u32 $0xFFFFFC00, v39;
	v41 =	vmovc v20;
	v42 =	vmovc v13  }
0x313: {  	v13 =	vmovc v33;
	v39 =	vmovc v11;
	v20 =	vshrl.u32 v27, $0x7;
	p3 =	slt.u32 s23, $0x78;
	v27 =	vshll.u32 v17, $0x3;
	v31 =	vor.u32 v44, v31  }
0x314: {  	v33 =	vshll.u32 v21, $0x3;
	v11 =	vmovc v30;
	v43 =	vmovc v12;
	v20 =	vshll.u32 v20, $0xA;
	v31 =	vor.u32 $0x100, v31;
	v38 =	vld.idx.msk [tilespmem:v38+s13+$0x0], $0xffff  }
0x315: {  	v12 =	vmovc v28;
	v45 =	vmovc v15;
	v30 =	vshll.u32 v18, $0x3;
	v44 =	vshll.u32 v19, $0x3;
	v20 =	vor.u32 $0x100, v20;
	v36 =	vld.idx.msk [tilespmem:v36+s13+$0x0], $0xffff  }
0x316: {  	v15 =	vmovc v14;
	v27 =	vand.u32 $0xFFFFFC00, v27;
	v47 =	vshll.u32 v22, $0x3;
	v46 =	vbroadcast v20, $0x0;
	v37 =	vld.idx.msk [tilespmem:v37+s13+$0x0], $0xffff  }
0x317: {  	v48 =	vand.u32 $0xFFFFFC00, v33;
	v49 =	vand.u32 $0xFFFFFC00, v30;
	v50 =	vshll.u32 v23, $0x3;
	v35 =	vld.idx.msk [tilespmem:v35+s13+$0x0], $0xffff  }
0x318: {  	v51 =	vor.u32 v0, v46;
	v52 =	vor.u32 v1, v46;
	v53 =	vor.u32 v7, v46;
	v34 =	vld.idx.msk [tilespmem:v34+s13+$0x0], $0xffff  }
0x319: {  	v20 =	vor.u32 v2, v46;
	v33 =	vor.u32 v3, v46;
	v30 =	vor.u32 v4, v46;
	v54 =	vld.idx.msk [tilespmem:v31+s13+$0x0], $0xffff  }
0x31a: {  	v28 =	vor.u32 v5, v46;
	v14 =	vor.u32 v6, v46;
	v31 =	vshll.u32 v40, $0x3;
	v32 =	vld.idx.msk [tilespmem:v32+s13+$0x0], $0xffff  }
0x31b: {  	v44 =	vand.u32 $0xFFFFFC00, v44;
	v46 =	vand.u32 $0xFFFFFC00, v47;
	v47 =	vand.u32 $0xFFFFFC00, v50;
	[tilespmem:v10+s16+$0x0] =	vst.idx.msk $0xffff, v38;
	v50 =	vld.idx.msk [tilespmem:v29+s13+$0x0], $0xffff;
	v10 =	vmovc v24  }
0x31c: {  	v55 =	vand.u32 $0xFFFFFC00, v31;
	v29 =	vand.u32 $0x7F, v17;
	v38 =	vand.u32 $0x7F, v21;
	v24 =	vmovc v51;
	[tilespmem:v9+s16+$0x0] =	vst.idx.msk $0xffff, v36;
	v9 =	vmovc v25  }
0x31d: {  	v18 =	vand.u32 $0x7F, v18;
	v19 =	vand.u32 $0x7F, v19;
	v22 =	vand.u32 $0x7F, v22;
	v25 =	vmovc v52;
	v31 =	vld.idx.msk [tilespmem:v53+s14+$0x0], $0xffff;
	[tilespmem:v16+s16+$0x0] =	vst.idx.msk $0xffff, v37  }
0x31e: {  	v23 =	vand.u32 $0x7F, v23;
	v16 =	vor.u32 v27, v29;
	v27 =	vand.u32 $0x7F, v40;
	v17 =	vld.idx.msk [tilespmem:v51+s14+$0x0], $0xffff;
	[tilespmem:v42+s16+$0x0] =	vst.idx.msk $0xffff, v35  }
.Ltmp26:
0x31f: {  	v29 =	vor.u32 v48, v38;
	v35 =	vor.u32 v49, v18;
	v21 =	vld.idx.msk [tilespmem:v52+s14+$0x0], $0xffff;
	[tilespmem:v26+s16+$0x0] =	vst.idx.msk $0xffff, v54;
	(pc) =	sbr.rel @p3 .LBB2_50-.Ltmp26, $4  }
0x320: {  	v44 =	vor.u32 v44, v19;
	v40 =	vor.u32 v46, v22;
	v42 =	vor.u32 v47, v23;
	v18 =	vld.idx.msk [tilespmem:v20+s14+$0x0], $0xffff  }
0x321: {  	v38 =	vor.u32 $0x100, v16;
	v36 =	vor.u32 $0x100, v29;
	v27 =	vor.u32 v55, v27;
	v19 =	vld.idx.msk [tilespmem:v33+s14+$0x0], $0xffff;
	[tilespmem:v39+s16+$0x0] =	vst.idx.msk $0xffff, v34  }
0x322: {  	v37 =	vor.u32 $0x100, v35;
	v35 =	vor.u32 $0x100, v44;
	v26 =	vmovc v53;
	v34 =	vor.u32 $0x100, v40;
	v22 =	vld.idx.msk [tilespmem:v30+s14+$0x0], $0xffff;
	[tilespmem:v43+s16+$0x0] =	vst.idx.msk $0xffff, v32  }
0x323: {  	s24 =	sadd.s32 $0x80, s24;
	v29 =	vor.u32 $0x100, v27;
	v16 =	vmovc v41;
	v39 =	vshll.u32 v31, $0x3;
	v32 =	vor.u32 $0x100, v42;
	v23 =	vld.idx.msk [tilespmem:v28+s14+$0x0], $0xffff;
	[tilespmem:v45+s16+$0x0] =	vst.idx.msk $0xffff, v50  }
0x324: {  	v40 =	vmov v13  }
0x325: {  	v42 =	vmovc v11;
	v41 =	vmovc v12;
	v44 =	vmov v10;
	v43 =	vmov v9;
	v13 =	vmov v33  }
0x326: {  	v11 =	vmovc v30;
	v12 =	vmovc v28;
	v10 =	vmov v24;
	v9 =	vmov v25;
	v27 =	vmov v26  }
.LBB2_52:
0x327: {  	_ = 	snop  }
0x328: {  	v25 =	vand.u32 $0x7F, v31  }
0x329: {  	v26 =	vand.u32 $0xFFFFFC00, v39;
	v28 =	vshll.u32 v21, $0x3;
	v30 =	vshll.u32 v18, $0x3  }
0x32a: {  	v31 =	vshll.u32 v19, $0x3;
	v33 =	vshll.u32 v22, $0x3;
	v21 =	vand.u32 $0x7F, v21  }
0x32b: {  	v24 =	vld.idx.msk [tilespmem:v14+s14+$0x0], $0xffff;
	v18 =	vand.u32 $0x7F, v18;
	v19 =	vand.u32 $0x7F, v19;
	v22 =	vand.u32 $0x7F, v22  }
0x32c: {  	v38 =	vld.idx.msk @p2 [tilespmem:v38+s13+$0x0], $0xffff;
	v25 =	vor.u32 v26, v25;
	v26 =	vshll.u32 v17, $0x3;
	v28 =	vand.u32 $0xFFFFFC00, v28  }
0x32d: {  	v36 =	vld.idx.msk @p2 [tilespmem:v36+s13+$0x0], $0xffff;
	v30 =	vand.u32 $0xFFFFFC00, v30;
	v63 =	vshll.u32 v23, $0x3;
	v31 =	vand.u32 $0xFFFFFC00, v31  }
0x32e: {  	v37 =	vld.idx.msk @p2 [tilespmem:v37+s13+$0x0], $0xffff;
	v33 =	vand.u32 $0xFFFFFC00, v33;
	v17 =	vand.u32 $0x7F, v17;
	v23 =	vand.u32 $0x7F, v23  }
0x32f: {  	v35 =	vld.idx.msk @p2 [tilespmem:v35+s13+$0x0], $0xffff;
	v25 =	vor.u32 $0x100, v25;
	v26 =	vand.u32 $0xFFFFFC00, v26;
	v21 =	vor.u32 v28, v21  }
0x330: {  	v29 =	vld.idx.msk @p2 [tilespmem:v29+s13+$0x0], $0xffff;
	v39 =	vand.u32 $0xFFFFFC00, v63;
	v18 =	vor.u32 v30, v18;
	v21 =	vor.u32 $0x100, v21  }
0x331: {  	v19 =	vor.u32 v31, v19;
	v31 =	vld.idx.msk @p2 [tilespmem:v32+s13+$0x0], $0xffff;
	v22 =	vor.u32 v33, v22;
	v18 =	vor.u32 $0x100, v18;
	v28 =	vmovc @p2 v41  }
0x332: {  	v30 =	vld.idx.msk @p2 [tilespmem:v34+s13+$0x0], $0xffff;
	v17 =	vor.u32 v26, v17;
	v19 =	vor.u32 $0x100, v19;
	v26 =	vmov @p2 v40;
	[tilespmem:v44+s16+$0x0] =	vst.idx.msk @p2 $0xffff, v38  }
0x333: {  	v23 =	vor.u32 v39, v23;
	v17 =	vor.u32 $0x100, v17;
	v45 =	vshll.u32 v24, $0x3;
	v40 =	vmovc @p2 v42;
	[tilespmem:v43+s16+$0x0] =	vst.idx.msk @p2 $0xffff, v36  }
0x334: {  	v22 =	vor.u32 $0x100, v22;
	[tilespmem:v16+s16+$0x0] =	vst.idx.msk @p2 $0xffff, v37;
	v16 =	vand.u32 $0x7F, v24;
	v45 =	vand.u32 $0xFFFFFC00, v45;
	v25 =	vld.idx.msk [tilespmem:v25+s13+$0x0], $0xffff  }
0x335: {  	v23 =	vor.u32 $0x100, v23;
	[tilespmem:v15+s16+$0x0] =	vst.idx.msk @p2 $0xffff, v29;
	v16 =	vor.u32 v45, v16;
	v21 =	vld.idx.msk [tilespmem:v21+s13+$0x0], $0xffff  }
0x336: {  	v16 =	vor.u32 $0x100, v16;
	v18 =	vld.idx.msk [tilespmem:v18+s13+$0x0], $0xffff;
	[tilespmem:v28+s16+$0x0] =	vst.idx.msk @p2 $0xffff, v31  }
0x337: {  	v19 =	vld.idx.msk [tilespmem:v19+s13+$0x0], $0xffff;
	[tilespmem:v26+s16+$0x0] =	vst.idx.msk @p2 $0xffff, v35  }
0x338: {  	v17 =	vld.idx.msk [tilespmem:v17+s13+$0x0], $0xffff;
	[tilespmem:v40+s16+$0x0] =	vst.idx.msk @p2 $0xffff, v30  }
0x339: {  	v8 =	vor.u32 $0x180, v8;
	v15 =	vld.idx.msk [tilespmem:v22+s13+$0x0], $0xffff;
	[tilespmem:v27+s16+$0x0] =	vst.idx.msk $0xffff, v25  }
0x33a: {  	v8 =	vbroadcast v8, $0x0;
	v22 =	vld.idx.msk [tilespmem:v23+s13+$0x0], $0xffff;
	[tilespmem:v9+s16+$0x0] =	vst.idx.msk $0xffff, v21  }
0x33b: {  	v16 =	vld.idx.msk [tilespmem:v16+s13+$0x0], $0xffff;
	[tilespmem:v20+s16+$0x0] =	vst.idx.msk $0xffff, v18  }
0x33c: {  	v26 =	vor.u32 v7, v8;
	[tilespmem:v13+s16+$0x0] =	vst.idx.msk $0xffff, v19  }
0x33d: {  	[tilespmem:v10+s16+$0x0] =	vst.idx.msk $0xffff, v17;
	v10 =	vor.u32 v0, v8  }
0x33e: {  	[tilespmem:v11+s16+$0x0] =	vst.idx.msk $0xffff, v15;
	v9 =	vor.u32 v1, v8  }
0x33f: {  	v15 =	vor.u32 v2, v8;
	[tilespmem:v12+s16+$0x0] =	vst.idx.msk $0xffff, v22  }
0x340: {  	v13 =	vor.u32 v3, v8;
	[tilespmem:v14+s16+$0x0] =	vst.idx.msk $0xffff, v16  }
0x341: {  	v11 =	vor.u32 v4, v8;
	v30 =	vld.idx.msk [tilespmem:v26+s14+$0x0], $0xffff  }
0x342: {  	v12 =	vor.u32 v5, v8;
	v17 =	vld.idx.msk [tilespmem:v10+s14+$0x0], $0xffff  }
.Ltmp27:
0x343: {  	v20 =	vld.idx.msk [tilespmem:v9+s14+$0x0], $0xffff;
	(pc) =	sbr.rel @!p1 .LBB2_53-.Ltmp27, $4  }
0x344: {  	v18 =	vld.idx.msk [tilespmem:v15+s14+$0x0], $0xffff  }
0x345: {  	v19 =	vld.idx.msk [tilespmem:v13+s14+$0x0], $0xffff  }
0x346: {  	v21 =	vld.idx.msk [tilespmem:v11+s14+$0x0], $0xffff  }
0x347: {  	v8 =	vor.u32 v6, v8;
	v22 =	vld.idx.msk [tilespmem:v12+s14+$0x0], $0xffff;
	v38 =	vshll.u32 v30, $0x3  }
0x348: {  	v14 =	vmov s22;
	v16 =	vand.u32 $0x7F, v30  }
0x349: {  	v23 =	vand.u32 $0xFFFFFC00, v38;
	v24 =	vshll.u32 v17, $0x3;
	v14 =	vshrl.u32 v14, $0x7  }
0x34a: {  	v40 =	vand.u32 $0x7F, v17;
	v41 =	vand.u32 $0x7F, v20;
	v14 =	vshll.u32 v14, $0xA  }
0x34b: {  	v16 =	vor.u32 v23, v16;
	v23 =	vshll.u32 v20, $0x3;
	v14 =	vor.u32 $0x180, v14  }
0x34c: {  	v33 =	vand.u32 $0xFFFFFC00, v24;
	v29 =	vor.u32 $0x180, v16;
	v14 =	vbroadcast v14, $0x0  }
0x34d: {  	v16 =	vshll.u32 v18, $0x3;
	v30 =	vshll.u32 v19, $0x3;
	v35 =	vand.u32 $0xFFFFFC00, v23  }
0x34e: {  	v18 =	vand.u32 $0x7F, v18;
	v19 =	vand.u32 $0x7F, v19;
	v25 =	vor.u32 v7, v14  }
0x34f: {  	v33 =	vor.u32 v33, v40;
	v34 =	vshll.u32 v21, $0x3;
	v23 =	vor.u32 v0, v14  }
0x350: {  	v32 =	vld.idx.msk [tilespmem:v8+s14+$0x0], $0xffff;
	v36 =	vand.u32 $0xFFFFFC00, v16;
	v39 =	vand.u32 $0xFFFFFC00, v30;
	v24 =	vor.u32 v1, v14  }
0x351: {  	v21 =	vand.u32 $0x7F, v21;
	v35 =	vor.u32 v35, v41;
	v16 =	vor.u32 v2, v14  }
0x352: {  	v37 =	vshll.u32 v22, $0x3;
	v34 =	vand.u32 $0xFFFFFC00, v34;
	v31 =	vor.u32 v3, v14;
	v29 =	vld.idx.msk [tilespmem:v29+s13+$0x0], $0xffff  }
0x353: {  	v22 =	vand.u32 $0x7F, v22;
	v36 =	vor.u32 v36, v18;
	v28 =	vor.u32 v4, v14;
	v30 =	vld.idx.msk [tilespmem:v25+s14+$0x0], $0xffff  }
0x354: {  	p1 =	por $0x1, $0x1;
	v39 =	vor.u32 v39, v19;
	v35 =	vor.u32 $0x180, v35;
	v27 =	vor.u32 v5, v14;
	v17 =	vld.idx.msk [tilespmem:v23+s14+$0x0], $0xffff  }
.Ltmp28:
0x355: {  	v61 =	vshll.u32 v32, $0x3;
	v37 =	vand.u32 $0xFFFFFC00, v37;
	v14 =	vor.u32 v6, v14;
	v20 =	vld.idx.msk [tilespmem:v24+s14+$0x0], $0xffff;
	(pc) =	sbr.rel @!p1 .LBB2_55-.Ltmp28, $4  }
0x356: {  	v32 =	vand.u32 $0x7F, v32;
	v62 =	vor.u32 v34, v21;
	v36 =	vor.u32 $0x180, v36;
	v18 =	vld.idx.msk [tilespmem:v16+s14+$0x0], $0xffff  }
0x357: {  	v38 =	vand.u32 $0xFFFFFC00, v61;
	v63 =	vor.u32 v37, v22;
	v37 =	vor.u32 $0x180, v33;
	v19 =	vld.idx.msk [tilespmem:v31+s14+$0x0], $0xffff  }
0x358: {  	v34 =	vor.u32 $0x180, v39;
	v33 =	vor.u32 $0x180, v62;
	v42 =	vor.u32 v38, v32;
	v21 =	vld.idx.msk [tilespmem:v28+s14+$0x0], $0xffff  }
0x359: {  	s22 =	simm.s32 $0x8;
	s23 =	simm.s32 $0x100;
	p0 =	por $0x1, $0x1;
	v32 =	vor.u32 $0x180, v63;
	v22 =	vld.idx.msk [tilespmem:v27+s14+$0x0], $0xffff;
	[tilespmem:v26+s16+$0x0] =	vst.idx.msk $0xffff, v29;
	v29 =	vor.u32 $0x180, v42;
	v38 =	vshll.u32 v30, $0x3  }
.LBB2_56:
0x35a: {  	v26 =	vmov s23;
	s22 =	sadd.s32 $0x8, s22;
	v39 =	vld.idx.msk [tilespmem:v14+s14+$0x0], $0xffff;
	v30 =	vand.u32 $0x7F, v30;
	v43 =	vand.u32 $0xFFFFFC00, v38;
	v40 =	vmovc v16;
	v41 =	vmovc v13  }
0x35b: {  	v13 =	vmovc v31;
	v38 =	vmovc v11;
	v16 =	vshrl.u32 v26, $0x7;
	p1 =	slt.u32 s22, $0x78;
	v26 =	vshll.u32 v17, $0x3;
	v30 =	vor.u32 v43, v30  }
0x35c: {  	v31 =	vshll.u32 v20, $0x3;
	v11 =	vmovc v28;
	v42 =	vmovc v12;
	v16 =	vshll.u32 v16, $0xA;
	v30 =	vor.u32 $0x180, v30;
	v37 =	vld.idx.msk [tilespmem:v37+s13+$0x0], $0xffff  }
0x35d: {  	v12 =	vmovc v27;
	v44 =	vmovc v8;
	v28 =	vshll.u32 v18, $0x3;
	v43 =	vshll.u32 v19, $0x3;
	v16 =	vor.u32 $0x180, v16;
	v35 =	vld.idx.msk [tilespmem:v35+s13+$0x0], $0xffff  }
0x35e: {  	v8 =	vmovc v14;
	v26 =	vand.u32 $0xFFFFFC00, v26;
	v46 =	vshll.u32 v21, $0x3;
	v45 =	vbroadcast v16, $0x0;
	v36 =	vld.idx.msk [tilespmem:v36+s13+$0x0], $0xffff  }
0x35f: {  	v47 =	vand.u32 $0xFFFFFC00, v31;
	v48 =	vand.u32 $0xFFFFFC00, v28;
	v49 =	vshll.u32 v22, $0x3;
	v34 =	vld.idx.msk [tilespmem:v34+s13+$0x0], $0xffff  }
0x360: {  	v50 =	vor.u32 v0, v45;
	v51 =	vor.u32 v1, v45;
	v52 =	vor.u32 v7, v45;
	v33 =	vld.idx.msk [tilespmem:v33+s13+$0x0], $0xffff  }
0x361: {  	v16 =	vor.u32 v2, v45;
	v31 =	vor.u32 v3, v45;
	v28 =	vor.u32 v4, v45;
	v53 =	vld.idx.msk [tilespmem:v30+s13+$0x0], $0xffff  }
0x362: {  	v27 =	vor.u32 v5, v45;
	v14 =	vor.u32 v6, v45;
	v30 =	vshll.u32 v39, $0x3;
	v32 =	vld.idx.msk [tilespmem:v32+s13+$0x0], $0xffff  }
0x363: {  	v43 =	vand.u32 $0xFFFFFC00, v43;
	v45 =	vand.u32 $0xFFFFFC00, v46;
	v46 =	vand.u32 $0xFFFFFC00, v49;
	[tilespmem:v10+s16+$0x0] =	vst.idx.msk $0xffff, v37;
	v49 =	vld.idx.msk [tilespmem:v29+s13+$0x0], $0xffff;
	v10 =	vmovc v23  }
0x364: {  	v54 =	vand.u32 $0xFFFFFC00, v30;
	v29 =	vand.u32 $0x7F, v17;
	v37 =	vand.u32 $0x7F, v20;
	v23 =	vmovc v50;
	[tilespmem:v9+s16+$0x0] =	vst.idx.msk $0xffff, v35;
	v9 =	vmovc v24  }
0x365: {  	v18 =	vand.u32 $0x7F, v18;
	v19 =	vand.u32 $0x7F, v19;
	v21 =	vand.u32 $0x7F, v21;
	v24 =	vmovc v51;
	v30 =	vld.idx.msk [tilespmem:v52+s14+$0x0], $0xffff;
	[tilespmem:v15+s16+$0x0] =	vst.idx.msk $0xffff, v36  }
0x366: {  	v22 =	vand.u32 $0x7F, v22;
	v15 =	vor.u32 v26, v29;
	v26 =	vand.u32 $0x7F, v39;
	v17 =	vld.idx.msk [tilespmem:v50+s14+$0x0], $0xffff;
	[tilespmem:v41+s16+$0x0] =	vst.idx.msk $0xffff, v34  }
.Ltmp29:
0x367: {  	v29 =	vor.u32 v47, v37;
	v34 =	vor.u32 v48, v18;
	v20 =	vld.idx.msk [tilespmem:v51+s14+$0x0], $0xffff;
	[tilespmem:v25+s16+$0x0] =	vst.idx.msk $0xffff, v53;
	(pc) =	sbr.rel @p1 .LBB2_56-.Ltmp29, $4  }
0x368: {  	v43 =	vor.u32 v43, v19;
	v39 =	vor.u32 v45, v21;
	v41 =	vor.u32 v46, v22;
	v18 =	vld.idx.msk [tilespmem:v16+s14+$0x0], $0xffff  }
0x369: {  	v37 =	vor.u32 $0x180, v15;
	v35 =	vor.u32 $0x180, v29;
	v26 =	vor.u32 v54, v26;
	v19 =	vld.idx.msk [tilespmem:v31+s14+$0x0], $0xffff;
	[tilespmem:v38+s16+$0x0] =	vst.idx.msk $0xffff, v33  }
0x36a: {  	v36 =	vor.u32 $0x180, v34;
	v34 =	vor.u32 $0x180, v43;
	v25 =	vmovc v52;
	v33 =	vor.u32 $0x180, v39;
	v21 =	vld.idx.msk [tilespmem:v28+s14+$0x0], $0xffff;
	[tilespmem:v42+s16+$0x0] =	vst.idx.msk $0xffff, v32  }
0x36b: {  	s23 =	sadd.s32 $0x80, s23;
	v29 =	vor.u32 $0x180, v26;
	v15 =	vmovc v40;
	v38 =	vshll.u32 v30, $0x3;
	v32 =	vor.u32 $0x180, v41;
	v22 =	vld.idx.msk [tilespmem:v27+s14+$0x0], $0xffff;
	[tilespmem:v44+s16+$0x0] =	vst.idx.msk $0xffff, v49  }
0x36c: {  	v39 =	vmov v13  }
0x36d: {  	v41 =	vmovc v11;
	v40 =	vmovc v12;
	v43 =	vmov v10;
	v42 =	vmov v9;
	v13 =	vmov v31  }
0x36e: {  	v11 =	vmovc v28;
	v12 =	vmovc v27;
	v10 =	vmov v23;
	v9 =	vmov v24;
	v26 =	vmov v25  }
.LBB2_58:
0x36f: {  	_ =	sdelay $0x2  }
0x370: {  	v24 =	vand.u32 $0x7F, v30;
	v25 =	vand.u32 $0xFFFFFC00, v38;
	v27 =	vshll.u32 v20, $0x3  }
0x371: {  	v23 =	vld.idx.msk [tilespmem:v14+s14+$0x0], $0xffff;
	v28 =	vshll.u32 v18, $0x3;
	v30 =	vshll.u32 v19, $0x3;
	v31 =	vshll.u32 v21, $0x3  }
0x372: {  	v37 =	vld.idx.msk @p0 [tilespmem:v37+s13+$0x0], $0xffff;
	v20 =	vand.u32 $0x7F, v20;
	v18 =	vand.u32 $0x7F, v18;
	v24 =	vor.u32 v25, v24  }
0x373: {  	v35 =	vld.idx.msk @p0 [tilespmem:v35+s13+$0x0], $0xffff;
	v19 =	vand.u32 $0x7F, v19;
	v21 =	vand.u32 $0x7F, v21;
	v24 =	vor.u32 $0x180, v24  }
0x374: {  	v36 =	vld.idx.msk @p0 [tilespmem:v36+s13+$0x0], $0xffff;
	v25 =	vshll.u32 v17, $0x3;
	v27 =	vand.u32 $0xFFFFFC00, v27;
	v28 =	vand.u32 $0xFFFFFC00, v28  }
0x375: {  	v34 =	vld.idx.msk @p0 [tilespmem:v34+s13+$0x0], $0xffff;
	v63 =	vshll.u32 v22, $0x3;
	v30 =	vand.u32 $0xFFFFFC00, v30;
	v31 =	vand.u32 $0xFFFFFC00, v31  }
0x376: {  	v29 =	vld.idx.msk @p0 [tilespmem:v29+s13+$0x0], $0xffff;
	v17 =	vand.u32 $0x7F, v17;
	v22 =	vand.u32 $0x7F, v22;
	v20 =	vor.u32 v27, v20  }
0x377: {  	v25 =	vand.u32 $0xFFFFFC00, v25;
	v18 =	vor.u32 v28, v18;
	v28 =	vld.idx.msk @p0 [tilespmem:v32+s13+$0x0], $0xffff;
	v20 =	vor.u32 $0x180, v20;
	v27 =	vmovc @p0 v40  }
0x378: {  	v38 =	vand.u32 $0xFFFFFC00, v63;
	v19 =	vor.u32 v30, v19;
	v18 =	vor.u32 $0x180, v18;
	v40 =	vmovc @p0 v8;
	v8 =	vld.idx.msk [tilespmem:v24+s13+$0x0], $0xffff  }
0x379: {  	v21 =	vor.u32 v31, v21;
	v17 =	vor.u32 v25, v17;
	v19 =	vor.u32 $0x180, v19;
	[tilespmem:v43+s16+$0x0] =	vst.idx.msk @p0 $0xffff, v37  }
0x37a: {  	v22 =	vor.u32 v38, v22;
	v17 =	vor.u32 $0x180, v17;
	v44 =	vshll.u32 v23, $0x3;
	v25 =	vmovc @p0 v39;
	[tilespmem:v42+s16+$0x0] =	vst.idx.msk @p0 $0xffff, v35  }
0x37b: {  	v21 =	vor.u32 $0x180, v21;
	v39 =	vmovc @p0 v41;
	[tilespmem:v15+s16+$0x0] =	vst.idx.msk @p0 $0xffff, v36;
	v15 =	vand.u32 $0x7F, v23;
	v44 =	vand.u32 $0xFFFFFC00, v44;
	v24 =	vld.idx.msk @p0 [tilespmem:v33+s13+$0x0], $0xffff  }
0x37c: {  	s22 =	simm.s32 $0x0;
	v22 =	vor.u32 $0x180, v22;
	v15 =	vor.u32 v44, v15;
	v20 =	vld.idx.msk [tilespmem:v20+s13+$0x0], $0xffff;
	[tilespmem:v27+s16+$0x0] =	vst.idx.msk @p0 $0xffff, v28  }
0x37d: {  	v15 =	vor.u32 $0x180, v15;
	v18 =	vld.idx.msk [tilespmem:v18+s13+$0x0], $0xffff;
	[tilespmem:v26+s16+$0x0] =	vst.idx.msk $0xffff, v8;
	v8 =	vmov s22  }
0x37e: {  	v19 =	vld.idx.msk [tilespmem:v19+s13+$0x0], $0xffff;
	[tilespmem:v40+s16+$0x0] =	vst.idx.msk @p0 $0xffff, v29;
	v8 =	vshrl.u32 v8, $0x7  }
0x37f: {  	v17 =	vld.idx.msk [tilespmem:v17+s13+$0x0], $0xffff;
	[tilespmem:v25+s16+$0x0] =	vst.idx.msk @p0 $0xffff, v34;
	v8 =	vshll.u32 v8, $0xA  }
0x380: {  	v21 =	vld.idx.msk [tilespmem:v21+s13+$0x0], $0xffff;
	[tilespmem:v39+s16+$0x0] =	vst.idx.msk @p0 $0xffff, v24;
	v23 =	vor.u32 $0x200, v8  }
0x381: {  	v22 =	vld.idx.msk [tilespmem:v22+s13+$0x0], $0xffff;
	[tilespmem:v9+s16+$0x0] =	vst.idx.msk $0xffff, v20;
	v23 =	vbroadcast v23, $0x0  }
0x382: {  	v15 =	vld.idx.msk [tilespmem:v15+s13+$0x0], $0xffff;
	[tilespmem:v16+s16+$0x0] =	vst.idx.msk $0xffff, v18  }
0x383: {  	[tilespmem:v13+s16+$0x0] =	vst.idx.msk $0xffff, v19;
	v27 =	vor.u32 v7, v23  }
0x384: {  	[tilespmem:v10+s16+$0x0] =	vst.idx.msk $0xffff, v17;
	v10 =	vor.u32 v0, v23  }
0x385: {  	[tilespmem:v11+s16+$0x0] =	vst.idx.msk $0xffff, v21;
	v9 =	vor.u32 v1, v23  }
0x386: {  	[tilespmem:v12+s16+$0x0] =	vst.idx.msk $0xffff, v22;
	v16 =	vor.u32 v2, v23  }
0x387: {  	[tilespmem:v14+s16+$0x0] =	vst.idx.msk $0xffff, v15;
	v13 =	vor.u32 v3, v23  }
0x388: {  	v11 =	vor.u32 v4, v23;
	v31 =	vld.idx.msk [tilespmem:v27+s14+$0x0], $0xffff  }
0x389: {  	p1 =	por $0x1, $0x1;
	v12 =	vor.u32 v5, v23;
	v17 =	vld.idx.msk [tilespmem:v10+s14+$0x0], $0xffff  }
.Ltmp30:
0x38a: {  	v21 =	vld.idx.msk [tilespmem:v9+s14+$0x0], $0xffff;
	(pc) =	sbr.rel @!p1 .LBB2_59-.Ltmp30, $4  }
0x38b: {  	v18 =	vld.idx.msk [tilespmem:v16+s14+$0x0], $0xffff  }
0x38c: {  	v19 =	vld.idx.msk [tilespmem:v13+s14+$0x0], $0xffff  }
0x38d: {  	v22 =	vld.idx.msk [tilespmem:v11+s14+$0x0], $0xffff  }
0x38e: {  	s22 =	simm.s32 $0x80;
	p0 =	por $0x0, $0x0;
	v15 =	vor.u32 v6, v23;
	v23 =	vld.idx.msk [tilespmem:v12+s14+$0x0], $0xffff;
	v39 =	vshll.u32 v31, $0x3  }
0x38f: {  	v14 =	vmov s22;
	v20 =	vand.u32 $0x7F, v31  }
0x390: {  	v24 =	vand.u32 $0xFFFFFC00, v39;
	v25 =	vshll.u32 v17, $0x3;
	v14 =	vshrl.u32 v14, $0x7  }
0x391: {  	v41 =	vand.u32 $0x7F, v17;
	v42 =	vand.u32 $0x7F, v21;
	v14 =	vshll.u32 v14, $0xA  }
0x392: {  	v20 =	vor.u32 v24, v20;
	v24 =	vshll.u32 v21, $0x3;
	v14 =	vor.u32 $0x200, v14  }
0x393: {  	v34 =	vand.u32 $0xFFFFFC00, v25;
	v29 =	vor.u32 $0x200, v20;
	v14 =	vbroadcast v14, $0x0  }
0x394: {  	v20 =	vshll.u32 v18, $0x3;
	v31 =	vshll.u32 v19, $0x3;
	v36 =	vand.u32 $0xFFFFFC00, v24  }
0x395: {  	v18 =	vand.u32 $0x7F, v18;
	v19 =	vand.u32 $0x7F, v19;
	v26 =	vor.u32 v7, v14  }
0x396: {  	v34 =	vor.u32 v34, v41;
	v35 =	vshll.u32 v22, $0x3;
	v24 =	vor.u32 v0, v14  }
0x397: {  	v32 =	vld.idx.msk [tilespmem:v15+s14+$0x0], $0xffff;
	v37 =	vand.u32 $0xFFFFFC00, v20;
	v40 =	vand.u32 $0xFFFFFC00, v31;
	v25 =	vor.u32 v1, v14  }
0x398: {  	v22 =	vand.u32 $0x7F, v22;
	v36 =	vor.u32 v36, v42;
	v20 =	vor.u32 v2, v14  }
0x399: {  	v38 =	vshll.u32 v23, $0x3;
	v35 =	vand.u32 $0xFFFFFC00, v35;
	v33 =	vor.u32 v3, v14;
	v29 =	vld.idx.msk [tilespmem:v29+s13+$0x0], $0xffff  }
0x39a: {  	v23 =	vand.u32 $0x7F, v23;
	v37 =	vor.u32 v37, v18;
	v30 =	vor.u32 v4, v14;
	v31 =	vld.idx.msk [tilespmem:v26+s14+$0x0], $0xffff  }
0x39b: {  	p3 =	por $0x1, $0x1;
	v40 =	vor.u32 v40, v19;
	v36 =	vor.u32 $0x200, v36;
	v28 =	vor.u32 v5, v14;
	v17 =	vld.idx.msk [tilespmem:v24+s14+$0x0], $0xffff  }
.Ltmp31:
0x39c: {  	v61 =	vshll.u32 v32, $0x3;
	v38 =	vand.u32 $0xFFFFFC00, v38;
	v14 =	vor.u32 v6, v14;
	v21 =	vld.idx.msk [tilespmem:v25+s14+$0x0], $0xffff;
	(pc) =	sbr.rel @!p3 .LBB2_61-.Ltmp31, $4  }
0x39d: {  	v32 =	vand.u32 $0x7F, v32;
	v62 =	vor.u32 v35, v22;
	v37 =	vor.u32 $0x200, v37;
	v18 =	vld.idx.msk [tilespmem:v20+s14+$0x0], $0xffff  }
0x39e: {  	v39 =	vand.u32 $0xFFFFFC00, v61;
	v63 =	vor.u32 v38, v23;
	v38 =	vor.u32 $0x200, v34;
	v19 =	vld.idx.msk [tilespmem:v33+s14+$0x0], $0xffff  }
0x39f: {  	v35 =	vor.u32 $0x200, v40;
	v34 =	vor.u32 $0x200, v62;
	v43 =	vor.u32 v39, v32;
	v22 =	vld.idx.msk [tilespmem:v30+s14+$0x0], $0xffff  }
0x3a0: {  	s23 =	simm.s32 $0x8;
	s24 =	simm.s32 $0x100;
	p2 =	por $0x1, $0x1;
	v32 =	vor.u32 $0x200, v63;
	v23 =	vld.idx.msk [tilespmem:v28+s14+$0x0], $0xffff;
	[tilespmem:v27+s16+$0x0] =	vst.idx.msk $0xffff, v29;
	v29 =	vor.u32 $0x200, v43;
	v39 =	vshll.u32 v31, $0x3  }
.LBB2_62:
0x3a1: {  	v27 =	vmov s24;
	s23 =	sadd.s32 $0x8, s23;
	v40 =	vld.idx.msk [tilespmem:v14+s14+$0x0], $0xffff;
	v31 =	vand.u32 $0x7F, v31;
	v44 =	vand.u32 $0xFFFFFC00, v39;
	v41 =	vmovc v20;
	v42 =	vmovc v13  }
0x3a2: {  	v13 =	vmovc v33;
	v39 =	vmovc v11;
	v20 =	vshrl.u32 v27, $0x7;
	p3 =	slt.u32 s23, $0x78;
	v27 =	vshll.u32 v17, $0x3;
	v31 =	vor.u32 v44, v31  }
0x3a3: {  	v33 =	vshll.u32 v21, $0x3;
	v11 =	vmovc v30;
	v43 =	vmovc v12;
	v20 =	vshll.u32 v20, $0xA;
	v31 =	vor.u32 $0x200, v31;
	v38 =	vld.idx.msk [tilespmem:v38+s13+$0x0], $0xffff  }
0x3a4: {  	v12 =	vmovc v28;
	v45 =	vmovc v15;
	v30 =	vshll.u32 v18, $0x3;
	v44 =	vshll.u32 v19, $0x3;
	v20 =	vor.u32 $0x200, v20;
	v36 =	vld.idx.msk [tilespmem:v36+s13+$0x0], $0xffff  }
0x3a5: {  	v15 =	vmovc v14;
	v27 =	vand.u32 $0xFFFFFC00, v27;
	v47 =	vshll.u32 v22, $0x3;
	v46 =	vbroadcast v20, $0x0;
	v37 =	vld.idx.msk [tilespmem:v37+s13+$0x0], $0xffff  }
0x3a6: {  	v48 =	vand.u32 $0xFFFFFC00, v33;
	v49 =	vand.u32 $0xFFFFFC00, v30;
	v50 =	vshll.u32 v23, $0x3;
	v35 =	vld.idx.msk [tilespmem:v35+s13+$0x0], $0xffff  }
0x3a7: {  	v51 =	vor.u32 v0, v46;
	v52 =	vor.u32 v1, v46;
	v53 =	vor.u32 v7, v46;
	v34 =	vld.idx.msk [tilespmem:v34+s13+$0x0], $0xffff  }
0x3a8: {  	v20 =	vor.u32 v2, v46;
	v33 =	vor.u32 v3, v46;
	v30 =	vor.u32 v4, v46;
	v54 =	vld.idx.msk [tilespmem:v31+s13+$0x0], $0xffff  }
0x3a9: {  	v28 =	vor.u32 v5, v46;
	v14 =	vor.u32 v6, v46;
	v31 =	vshll.u32 v40, $0x3;
	v32 =	vld.idx.msk [tilespmem:v32+s13+$0x0], $0xffff  }
0x3aa: {  	v44 =	vand.u32 $0xFFFFFC00, v44;
	v46 =	vand.u32 $0xFFFFFC00, v47;
	v47 =	vand.u32 $0xFFFFFC00, v50;
	[tilespmem:v10+s16+$0x0] =	vst.idx.msk $0xffff, v38;
	v50 =	vld.idx.msk [tilespmem:v29+s13+$0x0], $0xffff;
	v10 =	vmovc v24  }
0x3ab: {  	v55 =	vand.u32 $0xFFFFFC00, v31;
	v29 =	vand.u32 $0x7F, v17;
	v38 =	vand.u32 $0x7F, v21;
	v24 =	vmovc v51;
	[tilespmem:v9+s16+$0x0] =	vst.idx.msk $0xffff, v36;
	v9 =	vmovc v25  }
0x3ac: {  	v18 =	vand.u32 $0x7F, v18;
	v19 =	vand.u32 $0x7F, v19;
	v22 =	vand.u32 $0x7F, v22;
	v25 =	vmovc v52;
	v31 =	vld.idx.msk [tilespmem:v53+s14+$0x0], $0xffff;
	[tilespmem:v16+s16+$0x0] =	vst.idx.msk $0xffff, v37  }
0x3ad: {  	v23 =	vand.u32 $0x7F, v23;
	v16 =	vor.u32 v27, v29;
	v27 =	vand.u32 $0x7F, v40;
	v17 =	vld.idx.msk [tilespmem:v51+s14+$0x0], $0xffff;
	[tilespmem:v42+s16+$0x0] =	vst.idx.msk $0xffff, v35  }
.Ltmp32:
0x3ae: {  	v29 =	vor.u32 v48, v38;
	v35 =	vor.u32 v49, v18;
	v21 =	vld.idx.msk [tilespmem:v52+s14+$0x0], $0xffff;
	[tilespmem:v26+s16+$0x0] =	vst.idx.msk $0xffff, v54;
	(pc) =	sbr.rel @p3 .LBB2_62-.Ltmp32, $4  }
0x3af: {  	v44 =	vor.u32 v44, v19;
	v40 =	vor.u32 v46, v22;
	v42 =	vor.u32 v47, v23;
	v18 =	vld.idx.msk [tilespmem:v20+s14+$0x0], $0xffff  }
0x3b0: {  	v38 =	vor.u32 $0x200, v16;
	v36 =	vor.u32 $0x200, v29;
	v27 =	vor.u32 v55, v27;
	v19 =	vld.idx.msk [tilespmem:v33+s14+$0x0], $0xffff;
	[tilespmem:v39+s16+$0x0] =	vst.idx.msk $0xffff, v34  }
0x3b1: {  	v37 =	vor.u32 $0x200, v35;
	v35 =	vor.u32 $0x200, v44;
	v26 =	vmovc v53;
	v34 =	vor.u32 $0x200, v40;
	v22 =	vld.idx.msk [tilespmem:v30+s14+$0x0], $0xffff;
	[tilespmem:v43+s16+$0x0] =	vst.idx.msk $0xffff, v32  }
0x3b2: {  	s24 =	sadd.s32 $0x80, s24;
	v29 =	vor.u32 $0x200, v27;
	v16 =	vmovc v41;
	v39 =	vshll.u32 v31, $0x3;
	v32 =	vor.u32 $0x200, v42;
	v23 =	vld.idx.msk [tilespmem:v28+s14+$0x0], $0xffff;
	[tilespmem:v45+s16+$0x0] =	vst.idx.msk $0xffff, v50  }
0x3b3: {  	v40 =	vmov v13  }
0x3b4: {  	v42 =	vmovc v11;
	v41 =	vmovc v12;
	v44 =	vmov v10;
	v43 =	vmov v9;
	v13 =	vmov v33  }
0x3b5: {  	v11 =	vmovc v30;
	v12 =	vmovc v28;
	v10 =	vmov v24;
	v9 =	vmov v25;
	v27 =	vmov v26  }
.LBB2_64:
0x3b6: {  	_ = 	snop  }
0x3b7: {  	v25 =	vand.u32 $0x7F, v31  }
0x3b8: {  	v26 =	vand.u32 $0xFFFFFC00, v39;
	v28 =	vshll.u32 v21, $0x3;
	v30 =	vshll.u32 v18, $0x3  }
0x3b9: {  	v31 =	vshll.u32 v19, $0x3;
	v33 =	vshll.u32 v22, $0x3;
	v21 =	vand.u32 $0x7F, v21  }
0x3ba: {  	v24 =	vld.idx.msk [tilespmem:v14+s14+$0x0], $0xffff;
	v18 =	vand.u32 $0x7F, v18;
	v19 =	vand.u32 $0x7F, v19;
	v22 =	vand.u32 $0x7F, v22  }
0x3bb: {  	v38 =	vld.idx.msk @p2 [tilespmem:v38+s13+$0x0], $0xffff;
	v25 =	vor.u32 v26, v25;
	v26 =	vshll.u32 v17, $0x3;
	v28 =	vand.u32 $0xFFFFFC00, v28  }
0x3bc: {  	v36 =	vld.idx.msk @p2 [tilespmem:v36+s13+$0x0], $0xffff;
	v30 =	vand.u32 $0xFFFFFC00, v30;
	v63 =	vshll.u32 v23, $0x3;
	v31 =	vand.u32 $0xFFFFFC00, v31  }
0x3bd: {  	v37 =	vld.idx.msk @p2 [tilespmem:v37+s13+$0x0], $0xffff;
	v33 =	vand.u32 $0xFFFFFC00, v33;
	v17 =	vand.u32 $0x7F, v17;
	v23 =	vand.u32 $0x7F, v23  }
0x3be: {  	v35 =	vld.idx.msk @p2 [tilespmem:v35+s13+$0x0], $0xffff;
	v25 =	vor.u32 $0x200, v25;
	v26 =	vand.u32 $0xFFFFFC00, v26;
	v21 =	vor.u32 v28, v21  }
0x3bf: {  	v29 =	vld.idx.msk @p2 [tilespmem:v29+s13+$0x0], $0xffff;
	v39 =	vand.u32 $0xFFFFFC00, v63;
	v18 =	vor.u32 v30, v18;
	v21 =	vor.u32 $0x200, v21  }
0x3c0: {  	v19 =	vor.u32 v31, v19;
	v31 =	vld.idx.msk @p2 [tilespmem:v32+s13+$0x0], $0xffff;
	v22 =	vor.u32 v33, v22;
	v18 =	vor.u32 $0x200, v18;
	v28 =	vmovc @p2 v41  }
0x3c1: {  	v30 =	vld.idx.msk @p2 [tilespmem:v34+s13+$0x0], $0xffff;
	v17 =	vor.u32 v26, v17;
	v19 =	vor.u32 $0x200, v19;
	v26 =	vmov @p2 v40;
	[tilespmem:v44+s16+$0x0] =	vst.idx.msk @p2 $0xffff, v38  }
0x3c2: {  	v23 =	vor.u32 v39, v23;
	v17 =	vor.u32 $0x200, v17;
	v45 =	vshll.u32 v24, $0x3;
	v40 =	vmovc @p2 v42;
	[tilespmem:v43+s16+$0x0] =	vst.idx.msk @p2 $0xffff, v36  }
0x3c3: {  	v22 =	vor.u32 $0x200, v22;
	[tilespmem:v16+s16+$0x0] =	vst.idx.msk @p2 $0xffff, v37;
	v16 =	vand.u32 $0x7F, v24;
	v45 =	vand.u32 $0xFFFFFC00, v45;
	v25 =	vld.idx.msk [tilespmem:v25+s13+$0x0], $0xffff  }
0x3c4: {  	v23 =	vor.u32 $0x200, v23;
	[tilespmem:v15+s16+$0x0] =	vst.idx.msk @p2 $0xffff, v29;
	v16 =	vor.u32 v45, v16;
	v21 =	vld.idx.msk [tilespmem:v21+s13+$0x0], $0xffff  }
0x3c5: {  	v16 =	vor.u32 $0x200, v16;
	v18 =	vld.idx.msk [tilespmem:v18+s13+$0x0], $0xffff;
	[tilespmem:v28+s16+$0x0] =	vst.idx.msk @p2 $0xffff, v31  }
0x3c6: {  	v19 =	vld.idx.msk [tilespmem:v19+s13+$0x0], $0xffff;
	[tilespmem:v26+s16+$0x0] =	vst.idx.msk @p2 $0xffff, v35  }
0x3c7: {  	v17 =	vld.idx.msk [tilespmem:v17+s13+$0x0], $0xffff;
	[tilespmem:v40+s16+$0x0] =	vst.idx.msk @p2 $0xffff, v30  }
0x3c8: {  	v8 =	vor.u32 $0x280, v8;
	v15 =	vld.idx.msk [tilespmem:v22+s13+$0x0], $0xffff;
	[tilespmem:v27+s16+$0x0] =	vst.idx.msk $0xffff, v25  }
0x3c9: {  	v8 =	vbroadcast v8, $0x0;
	v22 =	vld.idx.msk [tilespmem:v23+s13+$0x0], $0xffff;
	[tilespmem:v9+s16+$0x0] =	vst.idx.msk $0xffff, v21  }
0x3ca: {  	v16 =	vld.idx.msk [tilespmem:v16+s13+$0x0], $0xffff;
	[tilespmem:v20+s16+$0x0] =	vst.idx.msk $0xffff, v18  }
0x3cb: {  	v26 =	vor.u32 v7, v8;
	[tilespmem:v13+s16+$0x0] =	vst.idx.msk $0xffff, v19  }
0x3cc: {  	[tilespmem:v10+s16+$0x0] =	vst.idx.msk $0xffff, v17;
	v10 =	vor.u32 v0, v8  }
0x3cd: {  	[tilespmem:v11+s16+$0x0] =	vst.idx.msk $0xffff, v15;
	v9 =	vor.u32 v1, v8  }
0x3ce: {  	v15 =	vor.u32 v2, v8;
	[tilespmem:v12+s16+$0x0] =	vst.idx.msk $0xffff, v22  }
0x3cf: {  	v13 =	vor.u32 v3, v8;
	[tilespmem:v14+s16+$0x0] =	vst.idx.msk $0xffff, v16  }
0x3d0: {  	v11 =	vor.u32 v4, v8;
	v30 =	vld.idx.msk [tilespmem:v26+s14+$0x0], $0xffff  }
0x3d1: {  	v12 =	vor.u32 v5, v8;
	v17 =	vld.idx.msk [tilespmem:v10+s14+$0x0], $0xffff  }
.Ltmp33:
0x3d2: {  	v20 =	vld.idx.msk [tilespmem:v9+s14+$0x0], $0xffff;
	(pc) =	sbr.rel @!p1 .LBB2_65-.Ltmp33, $4  }
0x3d3: {  	v18 =	vld.idx.msk [tilespmem:v15+s14+$0x0], $0xffff  }
0x3d4: {  	v19 =	vld.idx.msk [tilespmem:v13+s14+$0x0], $0xffff  }
0x3d5: {  	v21 =	vld.idx.msk [tilespmem:v11+s14+$0x0], $0xffff  }
0x3d6: {  	v8 =	vor.u32 v6, v8;
	v22 =	vld.idx.msk [tilespmem:v12+s14+$0x0], $0xffff;
	v38 =	vshll.u32 v30, $0x3  }
0x3d7: {  	v14 =	vmov s22;
	v16 =	vand.u32 $0x7F, v30  }
0x3d8: {  	v23 =	vand.u32 $0xFFFFFC00, v38;
	v24 =	vshll.u32 v17, $0x3;
	v14 =	vshrl.u32 v14, $0x7  }
0x3d9: {  	v40 =	vand.u32 $0x7F, v17;
	v41 =	vand.u32 $0x7F, v20;
	v14 =	vshll.u32 v14, $0xA  }
0x3da: {  	v16 =	vor.u32 v23, v16;
	v23 =	vshll.u32 v20, $0x3;
	v14 =	vor.u32 $0x280, v14  }
0x3db: {  	v33 =	vand.u32 $0xFFFFFC00, v24;
	v29 =	vor.u32 $0x280, v16;
	v14 =	vbroadcast v14, $0x0  }
0x3dc: {  	v16 =	vshll.u32 v18, $0x3;
	v30 =	vshll.u32 v19, $0x3;
	v35 =	vand.u32 $0xFFFFFC00, v23  }
0x3dd: {  	v18 =	vand.u32 $0x7F, v18;
	v19 =	vand.u32 $0x7F, v19;
	v25 =	vor.u32 v7, v14  }
0x3de: {  	v33 =	vor.u32 v33, v40;
	v34 =	vshll.u32 v21, $0x3;
	v23 =	vor.u32 v0, v14  }
0x3df: {  	v32 =	vld.idx.msk [tilespmem:v8+s14+$0x0], $0xffff;
	v36 =	vand.u32 $0xFFFFFC00, v16;
	v39 =	vand.u32 $0xFFFFFC00, v30;
	v24 =	vor.u32 v1, v14  }
0x3e0: {  	v21 =	vand.u32 $0x7F, v21;
	v35 =	vor.u32 v35, v41;
	v16 =	vor.u32 v2, v14  }
0x3e1: {  	v37 =	vshll.u32 v22, $0x3;
	v34 =	vand.u32 $0xFFFFFC00, v34;
	v31 =	vor.u32 v3, v14;
	v29 =	vld.idx.msk [tilespmem:v29+s13+$0x0], $0xffff  }
0x3e2: {  	v22 =	vand.u32 $0x7F, v22;
	v36 =	vor.u32 v36, v18;
	v28 =	vor.u32 v4, v14;
	v30 =	vld.idx.msk [tilespmem:v25+s14+$0x0], $0xffff  }
0x3e3: {  	p1 =	por $0x1, $0x1;
	v39 =	vor.u32 v39, v19;
	v35 =	vor.u32 $0x280, v35;
	v27 =	vor.u32 v5, v14;
	v17 =	vld.idx.msk [tilespmem:v23+s14+$0x0], $0xffff  }
.Ltmp34:
0x3e4: {  	v61 =	vshll.u32 v32, $0x3;
	v37 =	vand.u32 $0xFFFFFC00, v37;
	v14 =	vor.u32 v6, v14;
	v20 =	vld.idx.msk [tilespmem:v24+s14+$0x0], $0xffff;
	(pc) =	sbr.rel @!p1 .LBB2_67-.Ltmp34, $4  }
0x3e5: {  	v32 =	vand.u32 $0x7F, v32;
	v62 =	vor.u32 v34, v21;
	v36 =	vor.u32 $0x280, v36;
	v18 =	vld.idx.msk [tilespmem:v16+s14+$0x0], $0xffff  }
0x3e6: {  	v38 =	vand.u32 $0xFFFFFC00, v61;
	v63 =	vor.u32 v37, v22;
	v37 =	vor.u32 $0x280, v33;
	v19 =	vld.idx.msk [tilespmem:v31+s14+$0x0], $0xffff  }
0x3e7: {  	v34 =	vor.u32 $0x280, v39;
	v33 =	vor.u32 $0x280, v62;
	v42 =	vor.u32 v38, v32;
	v21 =	vld.idx.msk [tilespmem:v28+s14+$0x0], $0xffff  }
0x3e8: {  	s22 =	simm.s32 $0x8;
	s23 =	simm.s32 $0x100;
	p0 =	por $0x1, $0x1;
	v32 =	vor.u32 $0x280, v63;
	v22 =	vld.idx.msk [tilespmem:v27+s14+$0x0], $0xffff;
	[tilespmem:v26+s16+$0x0] =	vst.idx.msk $0xffff, v29;
	v29 =	vor.u32 $0x280, v42;
	v38 =	vshll.u32 v30, $0x3  }
.LBB2_68:
0x3e9: {  	v26 =	vmov s23;
	s22 =	sadd.s32 $0x8, s22;
	v39 =	vld.idx.msk [tilespmem:v14+s14+$0x0], $0xffff;
	v30 =	vand.u32 $0x7F, v30;
	v43 =	vand.u32 $0xFFFFFC00, v38;
	v40 =	vmovc v16;
	v41 =	vmovc v13  }
0x3ea: {  	v13 =	vmovc v31;
	v38 =	vmovc v11;
	v16 =	vshrl.u32 v26, $0x7;
	p1 =	slt.u32 s22, $0x78;
	v26 =	vshll.u32 v17, $0x3;
	v30 =	vor.u32 v43, v30  }
0x3eb: {  	v31 =	vshll.u32 v20, $0x3;
	v11 =	vmovc v28;
	v42 =	vmovc v12;
	v16 =	vshll.u32 v16, $0xA;
	v30 =	vor.u32 $0x280, v30;
	v37 =	vld.idx.msk [tilespmem:v37+s13+$0x0], $0xffff  }
0x3ec: {  	v12 =	vmovc v27;
	v44 =	vmovc v8;
	v28 =	vshll.u32 v18, $0x3;
	v43 =	vshll.u32 v19, $0x3;
	v16 =	vor.u32 $0x280, v16;
	v35 =	vld.idx.msk [tilespmem:v35+s13+$0x0], $0xffff  }
0x3ed: {  	v8 =	vmovc v14;
	v26 =	vand.u32 $0xFFFFFC00, v26;
	v46 =	vshll.u32 v21, $0x3;
	v45 =	vbroadcast v16, $0x0;
	v36 =	vld.idx.msk [tilespmem:v36+s13+$0x0], $0xffff  }
0x3ee: {  	v47 =	vand.u32 $0xFFFFFC00, v31;
	v48 =	vand.u32 $0xFFFFFC00, v28;
	v49 =	vshll.u32 v22, $0x3;
	v34 =	vld.idx.msk [tilespmem:v34+s13+$0x0], $0xffff  }
0x3ef: {  	v50 =	vor.u32 v0, v45;
	v51 =	vor.u32 v1, v45;
	v52 =	vor.u32 v7, v45;
	v33 =	vld.idx.msk [tilespmem:v33+s13+$0x0], $0xffff  }
0x3f0: {  	v16 =	vor.u32 v2, v45;
	v31 =	vor.u32 v3, v45;
	v28 =	vor.u32 v4, v45;
	v53 =	vld.idx.msk [tilespmem:v30+s13+$0x0], $0xffff  }
0x3f1: {  	v27 =	vor.u32 v5, v45;
	v14 =	vor.u32 v6, v45;
	v30 =	vshll.u32 v39, $0x3;
	v32 =	vld.idx.msk [tilespmem:v32+s13+$0x0], $0xffff  }
0x3f2: {  	v43 =	vand.u32 $0xFFFFFC00, v43;
	v45 =	vand.u32 $0xFFFFFC00, v46;
	v46 =	vand.u32 $0xFFFFFC00, v49;
	[tilespmem:v10+s16+$0x0] =	vst.idx.msk $0xffff, v37;
	v49 =	vld.idx.msk [tilespmem:v29+s13+$0x0], $0xffff;
	v10 =	vmovc v23  }
0x3f3: {  	v54 =	vand.u32 $0xFFFFFC00, v30;
	v29 =	vand.u32 $0x7F, v17;
	v37 =	vand.u32 $0x7F, v20;
	v23 =	vmovc v50;
	[tilespmem:v9+s16+$0x0] =	vst.idx.msk $0xffff, v35;
	v9 =	vmovc v24  }
0x3f4: {  	v18 =	vand.u32 $0x7F, v18;
	v19 =	vand.u32 $0x7F, v19;
	v21 =	vand.u32 $0x7F, v21;
	v24 =	vmovc v51;
	v30 =	vld.idx.msk [tilespmem:v52+s14+$0x0], $0xffff;
	[tilespmem:v15+s16+$0x0] =	vst.idx.msk $0xffff, v36  }
0x3f5: {  	v22 =	vand.u32 $0x7F, v22;
	v15 =	vor.u32 v26, v29;
	v26 =	vand.u32 $0x7F, v39;
	v17 =	vld.idx.msk [tilespmem:v50+s14+$0x0], $0xffff;
	[tilespmem:v41+s16+$0x0] =	vst.idx.msk $0xffff, v34  }
.Ltmp35:
0x3f6: {  	v29 =	vor.u32 v47, v37;
	v34 =	vor.u32 v48, v18;
	v20 =	vld.idx.msk [tilespmem:v51+s14+$0x0], $0xffff;
	[tilespmem:v25+s16+$0x0] =	vst.idx.msk $0xffff, v53;
	(pc) =	sbr.rel @p1 .LBB2_68-.Ltmp35, $4  }
0x3f7: {  	v43 =	vor.u32 v43, v19;
	v39 =	vor.u32 v45, v21;
	v41 =	vor.u32 v46, v22;
	v18 =	vld.idx.msk [tilespmem:v16+s14+$0x0], $0xffff  }
0x3f8: {  	v37 =	vor.u32 $0x280, v15;
	v35 =	vor.u32 $0x280, v29;
	v26 =	vor.u32 v54, v26;
	v19 =	vld.idx.msk [tilespmem:v31+s14+$0x0], $0xffff;
	[tilespmem:v38+s16+$0x0] =	vst.idx.msk $0xffff, v33  }
0x3f9: {  	v36 =	vor.u32 $0x280, v34;
	v34 =	vor.u32 $0x280, v43;
	v25 =	vmovc v52;
	v33 =	vor.u32 $0x280, v39;
	v21 =	vld.idx.msk [tilespmem:v28+s14+$0x0], $0xffff;
	[tilespmem:v42+s16+$0x0] =	vst.idx.msk $0xffff, v32  }
0x3fa: {  	s23 =	sadd.s32 $0x80, s23;
	v29 =	vor.u32 $0x280, v26;
	v15 =	vmovc v40;
	v38 =	vshll.u32 v30, $0x3;
	v32 =	vor.u32 $0x280, v41;
	v22 =	vld.idx.msk [tilespmem:v27+s14+$0x0], $0xffff;
	[tilespmem:v44+s16+$0x0] =	vst.idx.msk $0xffff, v49  }
0x3fb: {  	v39 =	vmov v13  }
0x3fc: {  	v41 =	vmovc v11;
	v40 =	vmovc v12;
	v43 =	vmov v10;
	v42 =	vmov v9;
	v13 =	vmov v31  }
0x3fd: {  	v11 =	vmovc v28;
	v12 =	vmovc v27;
	v10 =	vmov v23;
	v9 =	vmov v24;
	v26 =	vmov v25  }
.LBB2_70:
0x3fe: {  	_ =	sdelay $0x2  }
0x3ff: {  	v24 =	vand.u32 $0x7F, v30;
	v25 =	vand.u32 $0xFFFFFC00, v38;
	v27 =	vshll.u32 v20, $0x3  }
0x400: {  	v23 =	vld.idx.msk [tilespmem:v14+s14+$0x0], $0xffff;
	v28 =	vshll.u32 v18, $0x3;
	v30 =	vshll.u32 v19, $0x3;
	v31 =	vshll.u32 v21, $0x3  }
0x401: {  	v37 =	vld.idx.msk @p0 [tilespmem:v37+s13+$0x0], $0xffff;
	v20 =	vand.u32 $0x7F, v20;
	v18 =	vand.u32 $0x7F, v18;
	v24 =	vor.u32 v25, v24  }
0x402: {  	v35 =	vld.idx.msk @p0 [tilespmem:v35+s13+$0x0], $0xffff;
	v19 =	vand.u32 $0x7F, v19;
	v21 =	vand.u32 $0x7F, v21;
	v24 =	vor.u32 $0x280, v24  }
0x403: {  	v36 =	vld.idx.msk @p0 [tilespmem:v36+s13+$0x0], $0xffff;
	v25 =	vshll.u32 v17, $0x3;
	v27 =	vand.u32 $0xFFFFFC00, v27;
	v28 =	vand.u32 $0xFFFFFC00, v28  }
0x404: {  	v34 =	vld.idx.msk @p0 [tilespmem:v34+s13+$0x0], $0xffff;
	v63 =	vshll.u32 v22, $0x3;
	v30 =	vand.u32 $0xFFFFFC00, v30;
	v31 =	vand.u32 $0xFFFFFC00, v31  }
0x405: {  	v29 =	vld.idx.msk @p0 [tilespmem:v29+s13+$0x0], $0xffff;
	v17 =	vand.u32 $0x7F, v17;
	v22 =	vand.u32 $0x7F, v22;
	v20 =	vor.u32 v27, v20  }
0x406: {  	v25 =	vand.u32 $0xFFFFFC00, v25;
	v18 =	vor.u32 v28, v18;
	v28 =	vld.idx.msk @p0 [tilespmem:v32+s13+$0x0], $0xffff;
	v20 =	vor.u32 $0x280, v20;
	v27 =	vmovc @p0 v40  }
0x407: {  	v38 =	vand.u32 $0xFFFFFC00, v63;
	v19 =	vor.u32 v30, v19;
	v18 =	vor.u32 $0x280, v18;
	v40 =	vmovc @p0 v8;
	v8 =	vld.idx.msk [tilespmem:v24+s13+$0x0], $0xffff  }
0x408: {  	v21 =	vor.u32 v31, v21;
	v17 =	vor.u32 v25, v17;
	v19 =	vor.u32 $0x280, v19;
	[tilespmem:v43+s16+$0x0] =	vst.idx.msk @p0 $0xffff, v37  }
0x409: {  	v22 =	vor.u32 v38, v22;
	v17 =	vor.u32 $0x280, v17;
	v44 =	vshll.u32 v23, $0x3;
	v25 =	vmovc @p0 v39;
	[tilespmem:v42+s16+$0x0] =	vst.idx.msk @p0 $0xffff, v35  }
0x40a: {  	v21 =	vor.u32 $0x280, v21;
	v39 =	vmovc @p0 v41;
	[tilespmem:v15+s16+$0x0] =	vst.idx.msk @p0 $0xffff, v36;
	v15 =	vand.u32 $0x7F, v23;
	v44 =	vand.u32 $0xFFFFFC00, v44;
	v24 =	vld.idx.msk @p0 [tilespmem:v33+s13+$0x0], $0xffff  }
0x40b: {  	s22 =	simm.s32 $0x0;
	v22 =	vor.u32 $0x280, v22;
	v15 =	vor.u32 v44, v15;
	v20 =	vld.idx.msk [tilespmem:v20+s13+$0x0], $0xffff;
	[tilespmem:v27+s16+$0x0] =	vst.idx.msk @p0 $0xffff, v28  }
0x40c: {  	v15 =	vor.u32 $0x280, v15;
	v18 =	vld.idx.msk [tilespmem:v18+s13+$0x0], $0xffff;
	[tilespmem:v26+s16+$0x0] =	vst.idx.msk $0xffff, v8;
	v8 =	vmov s22  }
0x40d: {  	v19 =	vld.idx.msk [tilespmem:v19+s13+$0x0], $0xffff;
	[tilespmem:v40+s16+$0x0] =	vst.idx.msk @p0 $0xffff, v29;
	v8 =	vshrl.u32 v8, $0x7  }
0x40e: {  	v17 =	vld.idx.msk [tilespmem:v17+s13+$0x0], $0xffff;
	[tilespmem:v25+s16+$0x0] =	vst.idx.msk @p0 $0xffff, v34;
	v8 =	vshll.u32 v8, $0xA  }
0x40f: {  	v21 =	vld.idx.msk [tilespmem:v21+s13+$0x0], $0xffff;
	[tilespmem:v39+s16+$0x0] =	vst.idx.msk @p0 $0xffff, v24;
	v23 =	vor.u32 $0x300, v8  }
0x410: {  	v22 =	vld.idx.msk [tilespmem:v22+s13+$0x0], $0xffff;
	[tilespmem:v9+s16+$0x0] =	vst.idx.msk $0xffff, v20;
	v23 =	vbroadcast v23, $0x0  }
0x411: {  	v15 =	vld.idx.msk [tilespmem:v15+s13+$0x0], $0xffff;
	[tilespmem:v16+s16+$0x0] =	vst.idx.msk $0xffff, v18  }
0x412: {  	[tilespmem:v13+s16+$0x0] =	vst.idx.msk $0xffff, v19;
	v27 =	vor.u32 v7, v23  }
0x413: {  	[tilespmem:v10+s16+$0x0] =	vst.idx.msk $0xffff, v17;
	v10 =	vor.u32 v0, v23  }
0x414: {  	[tilespmem:v11+s16+$0x0] =	vst.idx.msk $0xffff, v21;
	v9 =	vor.u32 v1, v23  }
0x415: {  	[tilespmem:v12+s16+$0x0] =	vst.idx.msk $0xffff, v22;
	v16 =	vor.u32 v2, v23  }
0x416: {  	[tilespmem:v14+s16+$0x0] =	vst.idx.msk $0xffff, v15;
	v13 =	vor.u32 v3, v23  }
0x417: {  	v11 =	vor.u32 v4, v23;
	v31 =	vld.idx.msk [tilespmem:v27+s14+$0x0], $0xffff  }
0x418: {  	p1 =	por $0x1, $0x1;
	v12 =	vor.u32 v5, v23;
	v17 =	vld.idx.msk [tilespmem:v10+s14+$0x0], $0xffff  }
.Ltmp36:
0x419: {  	v21 =	vld.idx.msk [tilespmem:v9+s14+$0x0], $0xffff;
	(pc) =	sbr.rel @!p1 .LBB2_71-.Ltmp36, $4  }
0x41a: {  	v18 =	vld.idx.msk [tilespmem:v16+s14+$0x0], $0xffff  }
0x41b: {  	v19 =	vld.idx.msk [tilespmem:v13+s14+$0x0], $0xffff  }
0x41c: {  	v22 =	vld.idx.msk [tilespmem:v11+s14+$0x0], $0xffff  }
0x41d: {  	s22 =	simm.s32 $0x80;
	p0 =	por $0x0, $0x0;
	v15 =	vor.u32 v6, v23;
	v23 =	vld.idx.msk [tilespmem:v12+s14+$0x0], $0xffff;
	v39 =	vshll.u32 v31, $0x3  }
0x41e: {  	v14 =	vmov s22;
	v20 =	vand.u32 $0x7F, v31  }
0x41f: {  	v24 =	vand.u32 $0xFFFFFC00, v39;
	v25 =	vshll.u32 v17, $0x3;
	v14 =	vshrl.u32 v14, $0x7  }
0x420: {  	v41 =	vand.u32 $0x7F, v17;
	v42 =	vand.u32 $0x7F, v21;
	v14 =	vshll.u32 v14, $0xA  }
0x421: {  	v20 =	vor.u32 v24, v20;
	v24 =	vshll.u32 v21, $0x3;
	v14 =	vor.u32 $0x300, v14  }
0x422: {  	v34 =	vand.u32 $0xFFFFFC00, v25;
	v29 =	vor.u32 $0x300, v20;
	v14 =	vbroadcast v14, $0x0  }
0x423: {  	v20 =	vshll.u32 v18, $0x3;
	v31 =	vshll.u32 v19, $0x3;
	v36 =	vand.u32 $0xFFFFFC00, v24  }
0x424: {  	v18 =	vand.u32 $0x7F, v18;
	v19 =	vand.u32 $0x7F, v19;
	v26 =	vor.u32 v7, v14  }
0x425: {  	v34 =	vor.u32 v34, v41;
	v35 =	vshll.u32 v22, $0x3;
	v24 =	vor.u32 v0, v14  }
0x426: {  	v32 =	vld.idx.msk [tilespmem:v15+s14+$0x0], $0xffff;
	v37 =	vand.u32 $0xFFFFFC00, v20;
	v40 =	vand.u32 $0xFFFFFC00, v31;
	v25 =	vor.u32 v1, v14  }
0x427: {  	v22 =	vand.u32 $0x7F, v22;
	v36 =	vor.u32 v36, v42;
	v20 =	vor.u32 v2, v14  }
0x428: {  	v38 =	vshll.u32 v23, $0x3;
	v35 =	vand.u32 $0xFFFFFC00, v35;
	v33 =	vor.u32 v3, v14;
	v29 =	vld.idx.msk [tilespmem:v29+s13+$0x0], $0xffff  }
0x429: {  	v23 =	vand.u32 $0x7F, v23;
	v37 =	vor.u32 v37, v18;
	v30 =	vor.u32 v4, v14;
	v31 =	vld.idx.msk [tilespmem:v26+s14+$0x0], $0xffff  }
0x42a: {  	p3 =	por $0x1, $0x1;
	v40 =	vor.u32 v40, v19;
	v36 =	vor.u32 $0x300, v36;
	v28 =	vor.u32 v5, v14;
	v17 =	vld.idx.msk [tilespmem:v24+s14+$0x0], $0xffff  }
.Ltmp37:
0x42b: {  	v61 =	vshll.u32 v32, $0x3;
	v38 =	vand.u32 $0xFFFFFC00, v38;
	v14 =	vor.u32 v6, v14;
	v21 =	vld.idx.msk [tilespmem:v25+s14+$0x0], $0xffff;
	(pc) =	sbr.rel @!p3 .LBB2_73-.Ltmp37, $4  }
0x42c: {  	v32 =	vand.u32 $0x7F, v32;
	v62 =	vor.u32 v35, v22;
	v37 =	vor.u32 $0x300, v37;
	v18 =	vld.idx.msk [tilespmem:v20+s14+$0x0], $0xffff  }
0x42d: {  	v39 =	vand.u32 $0xFFFFFC00, v61;
	v63 =	vor.u32 v38, v23;
	v38 =	vor.u32 $0x300, v34;
	v19 =	vld.idx.msk [tilespmem:v33+s14+$0x0], $0xffff  }
0x42e: {  	v35 =	vor.u32 $0x300, v40;
	v34 =	vor.u32 $0x300, v62;
	v43 =	vor.u32 v39, v32;
	v22 =	vld.idx.msk [tilespmem:v30+s14+$0x0], $0xffff  }
0x42f: {  	s23 =	simm.s32 $0x8;
	s24 =	simm.s32 $0x100;
	p2 =	por $0x1, $0x1;
	v32 =	vor.u32 $0x300, v63;
	v23 =	vld.idx.msk [tilespmem:v28+s14+$0x0], $0xffff;
	[tilespmem:v27+s16+$0x0] =	vst.idx.msk $0xffff, v29;
	v29 =	vor.u32 $0x300, v43;
	v39 =	vshll.u32 v31, $0x3  }
.LBB2_74:
0x430: {  	v27 =	vmov s24;
	s23 =	sadd.s32 $0x8, s23;
	v40 =	vld.idx.msk [tilespmem:v14+s14+$0x0], $0xffff;
	v31 =	vand.u32 $0x7F, v31;
	v44 =	vand.u32 $0xFFFFFC00, v39;
	v41 =	vmovc v20;
	v42 =	vmovc v13  }
0x431: {  	v13 =	vmovc v33;
	v39 =	vmovc v11;
	v20 =	vshrl.u32 v27, $0x7;
	p3 =	slt.u32 s23, $0x78;
	v27 =	vshll.u32 v17, $0x3;
	v31 =	vor.u32 v44, v31  }
0x432: {  	v33 =	vshll.u32 v21, $0x3;
	v11 =	vmovc v30;
	v43 =	vmovc v12;
	v20 =	vshll.u32 v20, $0xA;
	v31 =	vor.u32 $0x300, v31;
	v38 =	vld.idx.msk [tilespmem:v38+s13+$0x0], $0xffff  }
0x433: {  	v12 =	vmovc v28;
	v45 =	vmovc v15;
	v30 =	vshll.u32 v18, $0x3;
	v44 =	vshll.u32 v19, $0x3;
	v20 =	vor.u32 $0x300, v20;
	v36 =	vld.idx.msk [tilespmem:v36+s13+$0x0], $0xffff  }
0x434: {  	v15 =	vmovc v14;
	v27 =	vand.u32 $0xFFFFFC00, v27;
	v47 =	vshll.u32 v22, $0x3;
	v46 =	vbroadcast v20, $0x0;
	v37 =	vld.idx.msk [tilespmem:v37+s13+$0x0], $0xffff  }
0x435: {  	v48 =	vand.u32 $0xFFFFFC00, v33;
	v49 =	vand.u32 $0xFFFFFC00, v30;
	v50 =	vshll.u32 v23, $0x3;
	v35 =	vld.idx.msk [tilespmem:v35+s13+$0x0], $0xffff  }
0x436: {  	v51 =	vor.u32 v0, v46;
	v52 =	vor.u32 v1, v46;
	v53 =	vor.u32 v7, v46;
	v34 =	vld.idx.msk [tilespmem:v34+s13+$0x0], $0xffff  }
0x437: {  	v20 =	vor.u32 v2, v46;
	v33 =	vor.u32 v3, v46;
	v30 =	vor.u32 v4, v46;
	v54 =	vld.idx.msk [tilespmem:v31+s13+$0x0], $0xffff  }
0x438: {  	v28 =	vor.u32 v5, v46;
	v14 =	vor.u32 v6, v46;
	v31 =	vshll.u32 v40, $0x3;
	v32 =	vld.idx.msk [tilespmem:v32+s13+$0x0], $0xffff  }
0x439: {  	v44 =	vand.u32 $0xFFFFFC00, v44;
	v46 =	vand.u32 $0xFFFFFC00, v47;
	v47 =	vand.u32 $0xFFFFFC00, v50;
	[tilespmem:v10+s16+$0x0] =	vst.idx.msk $0xffff, v38;
	v50 =	vld.idx.msk [tilespmem:v29+s13+$0x0], $0xffff;
	v10 =	vmovc v24  }
0x43a: {  	v55 =	vand.u32 $0xFFFFFC00, v31;
	v29 =	vand.u32 $0x7F, v17;
	v38 =	vand.u32 $0x7F, v21;
	v24 =	vmovc v51;
	[tilespmem:v9+s16+$0x0] =	vst.idx.msk $0xffff, v36;
	v9 =	vmovc v25  }
0x43b: {  	v18 =	vand.u32 $0x7F, v18;
	v19 =	vand.u32 $0x7F, v19;
	v22 =	vand.u32 $0x7F, v22;
	v25 =	vmovc v52;
	v31 =	vld.idx.msk [tilespmem:v53+s14+$0x0], $0xffff;
	[tilespmem:v16+s16+$0x0] =	vst.idx.msk $0xffff, v37  }
0x43c: {  	v23 =	vand.u32 $0x7F, v23;
	v16 =	vor.u32 v27, v29;
	v27 =	vand.u32 $0x7F, v40;
	v17 =	vld.idx.msk [tilespmem:v51+s14+$0x0], $0xffff;
	[tilespmem:v42+s16+$0x0] =	vst.idx.msk $0xffff, v35  }
.Ltmp38:
0x43d: {  	v29 =	vor.u32 v48, v38;
	v35 =	vor.u32 v49, v18;
	v21 =	vld.idx.msk [tilespmem:v52+s14+$0x0], $0xffff;
	[tilespmem:v26+s16+$0x0] =	vst.idx.msk $0xffff, v54;
	(pc) =	sbr.rel @p3 .LBB2_74-.Ltmp38, $4  }
0x43e: {  	v44 =	vor.u32 v44, v19;
	v40 =	vor.u32 v46, v22;
	v42 =	vor.u32 v47, v23;
	v18 =	vld.idx.msk [tilespmem:v20+s14+$0x0], $0xffff  }
0x43f: {  	v38 =	vor.u32 $0x300, v16;
	v36 =	vor.u32 $0x300, v29;
	v27 =	vor.u32 v55, v27;
	v19 =	vld.idx.msk [tilespmem:v33+s14+$0x0], $0xffff;
	[tilespmem:v39+s16+$0x0] =	vst.idx.msk $0xffff, v34  }
0x440: {  	v37 =	vor.u32 $0x300, v35;
	v35 =	vor.u32 $0x300, v44;
	v26 =	vmovc v53;
	v34 =	vor.u32 $0x300, v40;
	v22 =	vld.idx.msk [tilespmem:v30+s14+$0x0], $0xffff;
	[tilespmem:v43+s16+$0x0] =	vst.idx.msk $0xffff, v32  }
0x441: {  	s24 =	sadd.s32 $0x80, s24;
	v29 =	vor.u32 $0x300, v27;
	v16 =	vmovc v41;
	v39 =	vshll.u32 v31, $0x3;
	v32 =	vor.u32 $0x300, v42;
	v23 =	vld.idx.msk [tilespmem:v28+s14+$0x0], $0xffff;
	[tilespmem:v45+s16+$0x0] =	vst.idx.msk $0xffff, v50  }
0x442: {  	v40 =	vmov v13  }
0x443: {  	v42 =	vmovc v11;
	v41 =	vmovc v12;
	v44 =	vmov v10;
	v43 =	vmov v9;
	v13 =	vmov v33  }
0x444: {  	v11 =	vmovc v30;
	v12 =	vmovc v28;
	v10 =	vmov v24;
	v9 =	vmov v25;
	v27 =	vmov v26  }
.LBB2_76:
0x445: {  	_ = 	snop  }
0x446: {  	v25 =	vand.u32 $0x7F, v31  }
0x447: {  	v26 =	vand.u32 $0xFFFFFC00, v39;
	v28 =	vshll.u32 v21, $0x3;
	v30 =	vshll.u32 v18, $0x3  }
0x448: {  	v31 =	vshll.u32 v19, $0x3;
	v33 =	vshll.u32 v22, $0x3;
	v21 =	vand.u32 $0x7F, v21  }
0x449: {  	v24 =	vld.idx.msk [tilespmem:v14+s14+$0x0], $0xffff;
	v18 =	vand.u32 $0x7F, v18;
	v19 =	vand.u32 $0x7F, v19;
	v22 =	vand.u32 $0x7F, v22  }
0x44a: {  	v38 =	vld.idx.msk @p2 [tilespmem:v38+s13+$0x0], $0xffff;
	v25 =	vor.u32 v26, v25;
	v26 =	vshll.u32 v17, $0x3;
	v28 =	vand.u32 $0xFFFFFC00, v28  }
0x44b: {  	v36 =	vld.idx.msk @p2 [tilespmem:v36+s13+$0x0], $0xffff;
	v30 =	vand.u32 $0xFFFFFC00, v30;
	v63 =	vshll.u32 v23, $0x3;
	v31 =	vand.u32 $0xFFFFFC00, v31  }
0x44c: {  	v37 =	vld.idx.msk @p2 [tilespmem:v37+s13+$0x0], $0xffff;
	v33 =	vand.u32 $0xFFFFFC00, v33;
	v17 =	vand.u32 $0x7F, v17;
	v23 =	vand.u32 $0x7F, v23  }
0x44d: {  	v35 =	vld.idx.msk @p2 [tilespmem:v35+s13+$0x0], $0xffff;
	v25 =	vor.u32 $0x300, v25;
	v26 =	vand.u32 $0xFFFFFC00, v26;
	v21 =	vor.u32 v28, v21  }
0x44e: {  	v29 =	vld.idx.msk @p2 [tilespmem:v29+s13+$0x0], $0xffff;
	v39 =	vand.u32 $0xFFFFFC00, v63;
	v17 =	vor.u32 v26, v17;
	v21 =	vor.u32 $0x300, v21  }
0x44f: {  	v18 =	vor.u32 v30, v18;
	v19 =	vor.u32 v31, v19;
	v31 =	vld.idx.msk @p2 [tilespmem:v32+s13+$0x0], $0xffff;
	v17 =	vor.u32 $0x300, v17;
	v28 =	vmovc @p2 v41  }
0x450: {  	v30 =	vld.idx.msk @p2 [tilespmem:v34+s13+$0x0], $0xffff;
	v22 =	vor.u32 v33, v22;
	v18 =	vor.u32 $0x300, v18;
	v26 =	vmov @p2 v40;
	[tilespmem:v44+s16+$0x0] =	vst.idx.msk @p2 $0xffff, v38  }
0x451: {  	v19 =	vor.u32 $0x300, v19;
	v23 =	vor.u32 v39, v23;
	v45 =	vshll.u32 v24, $0x3;
	v40 =	vmovc @p2 v42;
	[tilespmem:v43+s16+$0x0] =	vst.idx.msk @p2 $0xffff, v36  }
0x452: {  	v22 =	vor.u32 $0x300, v22;
	[tilespmem:v16+s16+$0x0] =	vst.idx.msk @p2 $0xffff, v37;
	v16 =	vand.u32 $0x7F, v24;
	v45 =	vand.u32 $0xFFFFFC00, v45;
	v25 =	vld.idx.msk [tilespmem:v25+s13+$0x0], $0xffff  }
0x453: {  	v23 =	vor.u32 $0x300, v23;
	[tilespmem:v15+s16+$0x0] =	vst.idx.msk @p2 $0xffff, v29;
	v16 =	vor.u32 v45, v16;
	v21 =	vld.idx.msk [tilespmem:v21+s13+$0x0], $0xffff  }
0x454: {  	v16 =	vor.u32 $0x300, v16;
	v17 =	vld.idx.msk [tilespmem:v17+s13+$0x0], $0xffff;
	[tilespmem:v28+s16+$0x0] =	vst.idx.msk @p2 $0xffff, v31  }
0x455: {  	v18 =	vld.idx.msk [tilespmem:v18+s13+$0x0], $0xffff;
	[tilespmem:v26+s16+$0x0] =	vst.idx.msk @p2 $0xffff, v35  }
0x456: {  	v19 =	vld.idx.msk [tilespmem:v19+s13+$0x0], $0xffff;
	[tilespmem:v40+s16+$0x0] =	vst.idx.msk @p2 $0xffff, v30  }
0x457: {  	v8 =	vor.u32 $0x380, v8;
	v15 =	vld.idx.msk [tilespmem:v22+s13+$0x0], $0xffff;
	[tilespmem:v27+s16+$0x0] =	vst.idx.msk $0xffff, v25  }
0x458: {  	v22 =	vld.idx.msk [tilespmem:v23+s13+$0x0], $0xffff;
	v23 =	vbroadcast v8, $0x0;
	[tilespmem:v9+s16+$0x0] =	vst.idx.msk $0xffff, v21  }
0x459: {  	[tilespmem:v10+s16+$0x0] =	vst.idx.msk $0xffff, v17;
	v10 =	vld.idx.msk [tilespmem:v16+s13+$0x0], $0xffff  }
0x45a: {  	v26 =	vor.u32 v7, v23;
	[tilespmem:v20+s16+$0x0] =	vst.idx.msk $0xffff, v18  }
0x45b: {  	v8 =	vor.u32 v0, v23;
	[tilespmem:v13+s16+$0x0] =	vst.idx.msk $0xffff, v19  }
0x45c: {  	[tilespmem:v11+s16+$0x0] =	vst.idx.msk $0xffff, v15;
	v9 =	vor.u32 v1, v23  }
0x45d: {  	v15 =	vor.u32 v2, v23;
	[tilespmem:v12+s16+$0x0] =	vst.idx.msk $0xffff, v22  }
0x45e: {  	v11 =	vor.u32 v4, v23;
	[tilespmem:v14+s16+$0x0] =	vst.idx.msk $0xffff, v10  }
0x45f: {  	v12 =	vor.u32 v5, v23;
	v30 =	vld.idx.msk [tilespmem:v26+s14+$0x0], $0xffff  }
0x460: {  	v10 =	vor.u32 v3, v23;
	v16 =	vld.idx.msk [tilespmem:v8+s14+$0x0], $0xffff  }
.Ltmp39:
0x461: {  	v20 =	vld.idx.msk [tilespmem:v9+s14+$0x0], $0xffff;
	(pc) =	sbr.rel @!p1 .LBB2_77-.Ltmp39, $4  }
0x462: {  	v17 =	vld.idx.msk [tilespmem:v15+s14+$0x0], $0xffff  }
0x463: {  	v21 =	vld.idx.msk [tilespmem:v11+s14+$0x0], $0xffff  }
0x464: {  	v22 =	vld.idx.msk [tilespmem:v12+s14+$0x0], $0xffff  }
0x465: {  	v14 =	vor.u32 v6, v23;
	v18 =	vld.idx.msk [tilespmem:v10+s14+$0x0], $0xffff;
	v38 =	vshll.u32 v30, $0x3  }
0x466: {  	v13 =	vmov s22;
	v19 =	vand.u32 $0x7F, v30  }
0x467: {  	v23 =	vand.u32 $0xFFFFFC00, v38;
	v24 =	vshll.u32 v16, $0x3;
	v13 =	vshrl.u32 v13, $0x7  }
0x468: {  	v40 =	vand.u32 $0x7F, v16;
	v41 =	vand.u32 $0x7F, v20;
	v13 =	vshll.u32 v13, $0xA  }
0x469: {  	v19 =	vor.u32 v23, v19;
	v23 =	vshll.u32 v20, $0x3;
	v13 =	vor.u32 $0x380, v13  }
0x46a: {  	v33 =	vand.u32 $0xFFFFFC00, v24;
	v29 =	vor.u32 $0x380, v19;
	v13 =	vbroadcast v13, $0x0  }
0x46b: {  	v19 =	vshll.u32 v17, $0x3;
	v34 =	vshll.u32 v21, $0x3;
	v35 =	vand.u32 $0xFFFFFC00, v23  }
0x46c: {  	v17 =	vand.u32 $0x7F, v17;
	v21 =	vand.u32 $0x7F, v21;
	v25 =	vor.u32 v7, v13  }
0x46d: {  	v33 =	vor.u32 v33, v40;
	v36 =	vand.u32 $0xFFFFFC00, v19;
	v23 =	vor.u32 v0, v13  }
0x46e: {  	v32 =	vld.idx.msk [tilespmem:v14+s14+$0x0], $0xffff;
	v37 =	vshll.u32 v22, $0x3;
	v34 =	vand.u32 $0xFFFFFC00, v34;
	v24 =	vor.u32 v1, v13  }
0x46f: {  	v22 =	vand.u32 $0x7F, v22;
	v35 =	vor.u32 v35, v41;
	v19 =	vor.u32 v2, v13  }
0x470: {  	v30 =	vshll.u32 v18, $0x3;
	v37 =	vand.u32 $0xFFFFFC00, v37;
	v31 =	vor.u32 v3, v13;
	v29 =	vld.idx.msk [tilespmem:v29+s13+$0x0], $0xffff  }
0x471: {  	v18 =	vand.u32 $0x7F, v18;
	v39 =	vand.u32 $0xFFFFFC00, v30;
	v28 =	vor.u32 v4, v13;
	v30 =	vld.idx.msk [tilespmem:v25+s14+$0x0], $0xffff  }
0x472: {  	p1 =	por $0x1, $0x1;
	v36 =	vor.u32 v36, v17;
	v62 =	vor.u32 v34, v21;
	v27 =	vor.u32 v5, v13;
	v16 =	vld.idx.msk [tilespmem:v23+s14+$0x0], $0xffff  }
.Ltmp40:
0x473: {  	v35 =	vor.u32 $0x380, v35;
	v61 =	vshll.u32 v32, $0x3;
	v13 =	vor.u32 v6, v13;
	v20 =	vld.idx.msk [tilespmem:v24+s14+$0x0], $0xffff;
	(pc) =	sbr.rel @!p1 .LBB2_79-.Ltmp40, $4  }
0x474: {  	v32 =	vand.u32 $0x7F, v32;
	v63 =	vor.u32 v37, v22;
	v37 =	vor.u32 $0x380, v33;
	v17 =	vld.idx.msk [tilespmem:v19+s14+$0x0], $0xffff  }
0x475: {  	v36 =	vor.u32 $0x380, v36;
	v38 =	vand.u32 $0xFFFFFC00, v61;
	v39 =	vor.u32 v39, v18;
	v18 =	vld.idx.msk [tilespmem:v31+s14+$0x0], $0xffff  }
0x476: {  	v33 =	vor.u32 $0x380, v62;
	v42 =	vor.u32 v38, v32;
	v34 =	vor.u32 $0x380, v39;
	v21 =	vld.idx.msk [tilespmem:v28+s14+$0x0], $0xffff  }
0x477: {  	s22 =	simm.s32 $0x8;
	s23 =	simm.s32 $0x100;
	p0 =	por $0x1, $0x1;
	v32 =	vor.u32 $0x380, v63;
	v22 =	vld.idx.msk [tilespmem:v27+s14+$0x0], $0xffff;
	[tilespmem:v26+s16+$0x0] =	vst.idx.msk $0xffff, v29;
	v29 =	vor.u32 $0x380, v42;
	v38 =	vshll.u32 v30, $0x3  }
.LBB2_80:
0x478: {  	v26 =	vmov s23;
	s22 =	sadd.s32 $0x8, s22;
	v39 =	vld.idx.msk [tilespmem:v13+s14+$0x0], $0xffff;
	v30 =	vand.u32 $0x7F, v30;
	v43 =	vand.u32 $0xFFFFFC00, v38;
	v40 =	vmovc v19;
	v41 =	vmovc v10  }
0x479: {  	v10 =	vmovc v31;
	v38 =	vmovc v11;
	v19 =	vshrl.u32 v26, $0x7;
	p1 =	slt.u32 s22, $0x78;
	v26 =	vshll.u32 v16, $0x3;
	v30 =	vor.u32 v43, v30  }
0x47a: {  	v31 =	vshll.u32 v20, $0x3;
	v11 =	vmovc v28;
	v42 =	vmovc v12;
	v19 =	vshll.u32 v19, $0xA;
	v30 =	vor.u32 $0x380, v30;
	v37 =	vld.idx.msk [tilespmem:v37+s13+$0x0], $0xffff  }
0x47b: {  	v12 =	vmovc v27;
	v44 =	vmovc v14;
	v28 =	vshll.u32 v17, $0x3;
	v43 =	vshll.u32 v18, $0x3;
	v19 =	vor.u32 $0x380, v19;
	v35 =	vld.idx.msk [tilespmem:v35+s13+$0x0], $0xffff  }
0x47c: {  	v14 =	vmovc v13;
	v26 =	vand.u32 $0xFFFFFC00, v26;
	v46 =	vshll.u32 v21, $0x3;
	v45 =	vbroadcast v19, $0x0;
	v36 =	vld.idx.msk [tilespmem:v36+s13+$0x0], $0xffff  }
0x47d: {  	v47 =	vand.u32 $0xFFFFFC00, v31;
	v48 =	vand.u32 $0xFFFFFC00, v28;
	v49 =	vshll.u32 v22, $0x3;
	v34 =	vld.idx.msk [tilespmem:v34+s13+$0x0], $0xffff  }
0x47e: {  	v50 =	vor.u32 v0, v45;
	v51 =	vor.u32 v1, v45;
	v52 =	vor.u32 v7, v45;
	v33 =	vld.idx.msk [tilespmem:v33+s13+$0x0], $0xffff  }
0x47f: {  	v19 =	vor.u32 v2, v45;
	v31 =	vor.u32 v3, v45;
	v28 =	vor.u32 v4, v45;
	v53 =	vld.idx.msk [tilespmem:v30+s13+$0x0], $0xffff  }
0x480: {  	v27 =	vor.u32 v5, v45;
	v13 =	vor.u32 v6, v45;
	v30 =	vshll.u32 v39, $0x3;
	v32 =	vld.idx.msk [tilespmem:v32+s13+$0x0], $0xffff  }
0x481: {  	v43 =	vand.u32 $0xFFFFFC00, v43;
	v45 =	vand.u32 $0xFFFFFC00, v46;
	v46 =	vand.u32 $0xFFFFFC00, v49;
	[tilespmem:v8+s16+$0x0] =	vst.idx.msk $0xffff, v37;
	v49 =	vld.idx.msk [tilespmem:v29+s13+$0x0], $0xffff;
	v8 =	vmovc v23  }
0x482: {  	v54 =	vand.u32 $0xFFFFFC00, v30;
	v29 =	vand.u32 $0x7F, v16;
	v37 =	vand.u32 $0x7F, v20;
	v23 =	vmovc v50;
	[tilespmem:v9+s16+$0x0] =	vst.idx.msk $0xffff, v35;
	v9 =	vmovc v24  }
0x483: {  	v17 =	vand.u32 $0x7F, v17;
	v18 =	vand.u32 $0x7F, v18;
	v21 =	vand.u32 $0x7F, v21;
	v24 =	vmovc v51;
	v30 =	vld.idx.msk [tilespmem:v52+s14+$0x0], $0xffff;
	[tilespmem:v15+s16+$0x0] =	vst.idx.msk $0xffff, v36  }
0x484: {  	v22 =	vand.u32 $0x7F, v22;
	v15 =	vor.u32 v26, v29;
	v26 =	vand.u32 $0x7F, v39;
	v16 =	vld.idx.msk [tilespmem:v50+s14+$0x0], $0xffff;
	[tilespmem:v41+s16+$0x0] =	vst.idx.msk $0xffff, v34  }
.Ltmp41:
0x485: {  	v29 =	vor.u32 v47, v37;
	v34 =	vor.u32 v48, v17;
	v20 =	vld.idx.msk [tilespmem:v51+s14+$0x0], $0xffff;
	[tilespmem:v25+s16+$0x0] =	vst.idx.msk $0xffff, v53;
	(pc) =	sbr.rel @p1 .LBB2_80-.Ltmp41, $4  }
0x486: {  	v43 =	vor.u32 v43, v18;
	v39 =	vor.u32 v45, v21;
	v41 =	vor.u32 v46, v22;
	v17 =	vld.idx.msk [tilespmem:v19+s14+$0x0], $0xffff  }
0x487: {  	v37 =	vor.u32 $0x380, v15;
	v35 =	vor.u32 $0x380, v29;
	v26 =	vor.u32 v54, v26;
	v18 =	vld.idx.msk [tilespmem:v31+s14+$0x0], $0xffff;
	[tilespmem:v38+s16+$0x0] =	vst.idx.msk $0xffff, v33  }
0x488: {  	v36 =	vor.u32 $0x380, v34;
	v34 =	vor.u32 $0x380, v43;
	v25 =	vmovc v52;
	v33 =	vor.u32 $0x380, v39;
	v21 =	vld.idx.msk [tilespmem:v28+s14+$0x0], $0xffff;
	[tilespmem:v42+s16+$0x0] =	vst.idx.msk $0xffff, v32  }
0x489: {  	s23 =	sadd.s32 $0x80, s23;
	v29 =	vor.u32 $0x380, v26;
	v15 =	vmovc v40;
	v38 =	vshll.u32 v30, $0x3;
	v32 =	vor.u32 $0x380, v41;
	v22 =	vld.idx.msk [tilespmem:v27+s14+$0x0], $0xffff;
	[tilespmem:v44+s16+$0x0] =	vst.idx.msk $0xffff, v49  }
0x48a: {  	v39 =	vmov v10  }
0x48b: {  	v41 =	vmovc v11;
	v40 =	vmovc v12;
	v43 =	vmov v8;
	v42 =	vmov v9;
	v10 =	vmov v31  }
0x48c: {  	v11 =	vmovc v28;
	v12 =	vmovc v27;
	v8 =	vmov v23;
	v9 =	vmov v24;
	v26 =	vmov v25  }
.LBB2_82:
0x48d: {  	_ = 	snop  }
0x48e: {  	v24 =	vand.u32 $0x7F, v30  }
0x48f: {  	v25 =	vand.u32 $0xFFFFFC00, v38;
	v52 =	vshll.u32 v16, $0x3;
	v27 =	vshll.u32 v20, $0x3  }
0x490: {  	v28 =	vshll.u32 v17, $0x3;
	v53 =	vshll.u32 v18, $0x3;
	v31 =	vshll.u32 v21, $0x3  }
0x491: {  	v23 =	vld.idx.msk [tilespmem:v13+s14+$0x0], $0xffff;
	v55 =	vand.u32 $0x7F, v16;
	v56 =	vand.u32 $0x7F, v20;
	v57 =	vand.u32 $0x7F, v17  }
0x492: {  	v37 =	vld.idx.msk @p0 [tilespmem:v37+s13+$0x0], $0xffff;
	v58 =	vand.u32 $0x7F, v18;
	v59 =	vand.u32 $0x7F, v21;
	v24 =	vor.u32 v25, v24  }
0x493: {  	v35 =	vld.idx.msk @p0 [tilespmem:v35+s13+$0x0], $0xffff;
	v25 =	vand.u32 $0xFFFFFC00, v52;
	v27 =	vand.u32 $0xFFFFFC00, v27;
	v28 =	vand.u32 $0xFFFFFC00, v28  }
0x494: {  	v36 =	vld.idx.msk @p0 [tilespmem:v36+s13+$0x0], $0xffff;
	v54 =	vshll.u32 v22, $0x3;
	v30 =	vand.u32 $0xFFFFFC00, v53;
	v31 =	vand.u32 $0xFFFFFC00, v31  }
0x495: {  	v34 =	vld.idx.msk @p0 [tilespmem:v34+s13+$0x0], $0xffff;
	v60 =	vand.u32 $0x7F, v22;
	v24 =	vor.u32 $0x380, v24;
	v16 =	vor.u32 v25, v55  }
0x496: {  	v29 =	vld.idx.msk @p0 [tilespmem:v29+s13+$0x0], $0xffff;
	v38 =	vand.u32 $0xFFFFFC00, v54;
	v20 =	vor.u32 v27, v56;
	v16 =	vor.u32 $0x380, v16  }
0x497: {  	v17 =	vor.u32 v28, v57;
	v28 =	vld.idx.msk @p0 [tilespmem:v33+s13+$0x0], $0xffff;
	v18 =	vor.u32 v30, v58;
	v20 =	vor.u32 $0x380, v20;
	v25 =	vmovc @p0 v39  }
0x498: {  	v30 =	vld.idx.msk @p0 [tilespmem:v32+s13+$0x0], $0xffff;
	v21 =	vor.u32 v31, v59;
	v17 =	vor.u32 $0x380, v17;
	v39 =	vmov @p0 v41;
	[tilespmem:v43+s16+$0x0] =	vst.idx.msk @p0 $0xffff, v37  }
0x499: {  	v18 =	vor.u32 $0x380, v18;
	v22 =	vor.u32 v38, v60;
	v27 =	vmovc @p0 v40;
	v44 =	vshll.u32 v23, $0x3;
	[tilespmem:v42+s16+$0x0] =	vst.idx.msk @p0 $0xffff, v35  }
0x49a: {  	v21 =	vor.u32 $0x380, v21;
	[tilespmem:v15+s16+$0x0] =	vst.idx.msk @p0 $0xffff, v36;
	v61 =	vand.u32 $0x7F, v23;
	v44 =	vand.u32 $0xFFFFFC00, v44;
	v24 =	vld.idx.msk [tilespmem:v24+s13+$0x0], $0xffff  }
0x49b: {  	v22 =	vor.u32 $0x380, v22;
	[tilespmem:v14+s16+$0x0] =	vst.idx.msk @p0 $0xffff, v29;
	v15 =	vor.u32 v44, v61;
	v16 =	vld.idx.msk [tilespmem:v16+s13+$0x0], $0xffff  }
0x49c: {  	v15 =	vor.u32 $0x380, v15;
	v20 =	vld.idx.msk [tilespmem:v20+s13+$0x0], $0xffff;
	[tilespmem:v25+s16+$0x0] =	vst.idx.msk @p0 $0xffff, v34  }
0x49d: {  	v17 =	vld.idx.msk [tilespmem:v17+s13+$0x0], $0xffff;
	[tilespmem:v39+s16+$0x0] =	vst.idx.msk @p0 $0xffff, v28  }
0x49e: {  	v18 =	vld.idx.msk [tilespmem:v18+s13+$0x0], $0xffff;
	[tilespmem:v27+s16+$0x0] =	vst.idx.msk @p0 $0xffff, v30  }
0x49f: {  	v62 =	vld.idx.msk [tilespmem:v21+s13+$0x0], $0xffff;
	[tilespmem:v26+s16+$0x0] =	vst.idx.msk $0xffff, v24  }
0x4a0: {  	v63 =	vld.idx.msk [tilespmem:v22+s13+$0x0], $0xffff;
	[tilespmem:v8+s16+$0x0] =	vst.idx.msk $0xffff, v16  }
0x4a1: {  	s20 =	sadd.s32 $0x1, s20;
	v8 =	vld.idx.msk [tilespmem:v15+s13+$0x0], $0xffff;
	[tilespmem:v9+s16+$0x0] =	vst.idx.msk $0xffff, v20  }
0x4a2: {  	p0 =	sne.s32 s20, $0x20;
	[tilespmem:v19+s16+$0x0] =	vst.idx.msk $0xffff, v17  }
.Ltmp42:
0x4a3: {  	[tilespmem:v10+s16+$0x0] =	vst.idx.msk $0xffff, v18;
	(pc) =	sbr.rel @p0 .LBB2_2-.Ltmp42, $4  }
.Ltmp43:
0x4a4: {  	[tilespmem:v11+s16+$0x0] =	vst.idx.msk $0xffff, v62;
	(pc) =	sbr.rel @!p0 .LBB2_83-.Ltmp43, $4  }
0x4a5: {  	[tilespmem:v12+s16+$0x0] =	vst.idx.msk $0xffff, v63  }
0x4a6: {  	s21 =	sadd.s32 s4, s21;
	[tilespmem:v13+s16+$0x0] =	vst.idx.msk $0xffff, v8  }
0x4a7: {  	[hbm4b:s21+s5] =	stream.linear.scatter [tilespmem:s16], [sflag:$0x3], $0x4000, $0x38;
	[tilespmem:$0x1C000] =	vst v63  }
0x4a8: {  	_ = 	snop  }
.LBB2_7:
.Ltmp44:
0x4a9: {  	(pc) =	sbr.rel .LBB2_12-.Ltmp44, $2  }
0x4aa: {  	_ =	sdelay $0x2  }
0x4ab: {  	v14 =	vmov v15;
	v20 =	vmov v16;
	p2 =	por $0x0, $0x0  }
.LBB2_13:
.Ltmp45:
0x4ac: {  	(pc) =	sbr.rel .LBB2_18-.Ltmp45, $2  }
0x4ad: {  	_ =	sdelay $0x2  }
0x4ae: {  	v14 =	vmov v8;
	v16 =	vmov v15  }
.LBB2_19:
.Ltmp46:
0x4af: {  	(pc) =	sbr.rel .LBB2_24-.Ltmp46, $2  }
0x4b0: {  	_ =	sdelay $0x2  }
0x4b1: {  	v14 =	vmov v15;
	v20 =	vmov v16;
	p2 =	por $0x0, $0x0  }
.LBB2_25:
.Ltmp47:
0x4b2: {  	(pc) =	sbr.rel .LBB2_30-.Ltmp47, $2  }
0x4b3: {  	_ =	sdelay $0x2  }
0x4b4: {  	v14 =	vmov v8;
	v16 =	vmov v15  }
.LBB2_31:
.Ltmp48:
0x4b5: {  	(pc) =	sbr.rel .LBB2_36-.Ltmp48, $2  }
0x4b6: {  	_ =	sdelay $0x2  }
0x4b7: {  	v14 =	vmov v15;
	v20 =	vmov v16;
	p2 =	por $0x0, $0x0  }
.LBB2_37:
.Ltmp49:
0x4b8: {  	(pc) =	sbr.rel .LBB2_42-.Ltmp49, $2  }
0x4b9: {  	_ =	sdelay $0x2  }
0x4ba: {  	v13 =	vmov v14;
	v19 =	vmov v15  }
.LBB2_47:
.Ltmp50:
0x4bb: {  	(pc) =	sbr.rel .LBB2_52-.Ltmp50, $2  }
0x4bc: {  	_ =	sdelay $0x2  }
0x4bd: {  	v14 =	vmov v15;
	v20 =	vmov v16;
	p2 =	por $0x0, $0x0  }
.LBB2_53:
.Ltmp51:
0x4be: {  	(pc) =	sbr.rel .LBB2_58-.Ltmp51, $2  }
0x4bf: {  	_ =	sdelay $0x2  }
0x4c0: {  	v14 =	vmov v8;
	v16 =	vmov v15  }
.LBB2_59:
.Ltmp52:
0x4c1: {  	(pc) =	sbr.rel .LBB2_64-.Ltmp52, $2  }
0x4c2: {  	_ =	sdelay $0x2  }
0x4c3: {  	v14 =	vmov v15;
	v20 =	vmov v16;
	p2 =	por $0x0, $0x0  }
.LBB2_65:
.Ltmp53:
0x4c4: {  	(pc) =	sbr.rel .LBB2_70-.Ltmp53, $2  }
0x4c5: {  	_ =	sdelay $0x2  }
0x4c6: {  	v14 =	vmov v8;
	v16 =	vmov v15  }
.LBB2_71:
.Ltmp54:
0x4c7: {  	(pc) =	sbr.rel .LBB2_76-.Ltmp54, $2  }
0x4c8: {  	_ =	sdelay $0x2  }
0x4c9: {  	v14 =	vmov v15;
	v20 =	vmov v16;
	p2 =	por $0x0, $0x0  }
.LBB2_77:
.Ltmp55:
0x4ca: {  	(pc) =	sbr.rel .LBB2_82-.Ltmp55, $2  }
0x4cb: {  	_ =	sdelay $0x2  }
0x4cc: {  	v13 =	vmov v14;
	v19 =	vmov v15  }
.LBB2_9:
.Ltmp56:
0x4cd: {  	(pc) =	sbr.rel .LBB2_12-.Ltmp56, $4  }
0x4ce: {  	_ = 	snop  }
0x4cf: {  	v40 =	vmov v13  }
0x4d0: {  	v42 =	vmovc v11;
	v41 =	vmovc v12;
	v44 =	vmov v10;
	v43 =	vmov v9;
	v13 =	vmov v33  }
0x4d1: {  	v11 =	vmovc v30;
	v12 =	vmovc v28;
	v10 =	vmov v24;
	v9 =	vmov v25;
	v27 =	vmov v26  }
.LBB2_15:
.Ltmp57:
0x4d2: {  	(pc) =	sbr.rel .LBB2_18-.Ltmp57, $4  }
0x4d3: {  	_ = 	snop  }
0x4d4: {  	v39 =	vmov v11  }
0x4d5: {  	v41 =	vmovc v12;
	v40 =	vmovc v13;
	v43 =	vmov v10;
	v42 =	vmov v9;
	v11 =	vmov v31  }
0x4d6: {  	v12 =	vmovc v28;
	v13 =	vmovc v27;
	v10 =	vmov v23;
	v9 =	vmov v24;
	v26 =	vmov v25  }
.LBB2_21:
.Ltmp58:
0x4d7: {  	(pc) =	sbr.rel .LBB2_24-.Ltmp58, $4  }
0x4d8: {  	_ = 	snop  }
0x4d9: {  	v40 =	vmov v13  }
0x4da: {  	v42 =	vmovc v11;
	v41 =	vmovc v12;
	v44 =	vmov v10;
	v43 =	vmov v9;
	v13 =	vmov v33  }
0x4db: {  	v11 =	vmovc v30;
	v12 =	vmovc v28;
	v10 =	vmov v24;
	v9 =	vmov v25;
	v27 =	vmov v26  }
.LBB2_27:
.Ltmp59:
0x4dc: {  	(pc) =	sbr.rel .LBB2_30-.Ltmp59, $4  }
0x4dd: {  	_ = 	snop  }
0x4de: {  	v39 =	vmov v11  }
0x4df: {  	v41 =	vmovc v12;
	v40 =	vmovc v13;
	v43 =	vmov v10;
	v42 =	vmov v9;
	v11 =	vmov v31  }
0x4e0: {  	v12 =	vmovc v28;
	v13 =	vmovc v27;
	v10 =	vmov v23;
	v9 =	vmov v24;
	v26 =	vmov v25  }
.LBB2_33:
.Ltmp60:
0x4e1: {  	(pc) =	sbr.rel .LBB2_36-.Ltmp60, $4  }
0x4e2: {  	_ = 	snop  }
0x4e3: {  	v40 =	vmov v13  }
0x4e4: {  	v42 =	vmovc v11;
	v41 =	vmovc v12;
	v44 =	vmov v10;
	v43 =	vmov v9;
	v13 =	vmov v33  }
0x4e5: {  	v11 =	vmovc v30;
	v12 =	vmovc v28;
	v10 =	vmov v24;
	v9 =	vmov v25;
	v27 =	vmov v26  }
.LBB2_39:
.Ltmp61:
0x4e6: {  	(pc) =	sbr.rel .LBB2_42-.Ltmp61, $4  }
0x4e7: {  	_ = 	snop  }
0x4e8: {  	v39 =	vmov v10  }
0x4e9: {  	v41 =	vmovc v11;
	v40 =	vmovc v12;
	v43 =	vmov v8;
	v42 =	vmov v9;
	v10 =	vmov v31  }
0x4ea: {  	v11 =	vmovc v28;
	v12 =	vmovc v27;
	v8 =	vmov v23;
	v9 =	vmov v24;
	v26 =	vmov v25  }
.LBB2_49:
.Ltmp62:
0x4eb: {  	(pc) =	sbr.rel .LBB2_52-.Ltmp62, $4  }
0x4ec: {  	_ = 	snop  }
0x4ed: {  	v40 =	vmov v13  }
0x4ee: {  	v42 =	vmovc v11;
	v41 =	vmovc v12;
	v44 =	vmov v10;
	v43 =	vmov v9;
	v13 =	vmov v33  }
0x4ef: {  	v11 =	vmovc v30;
	v12 =	vmovc v28;
	v10 =	vmov v24;
	v9 =	vmov v25;
	v27 =	vmov v26  }
.LBB2_55:
.Ltmp63:
0x4f0: {  	(pc) =	sbr.rel .LBB2_58-.Ltmp63, $4  }
0x4f1: {  	_ = 	snop  }
0x4f2: {  	v39 =	vmov v13  }
0x4f3: {  	v41 =	vmovc v11;
	v40 =	vmovc v12;
	v43 =	vmov v10;
	v42 =	vmov v9;
	v13 =	vmov v31  }
0x4f4: {  	v11 =	vmovc v28;
	v12 =	vmovc v27;
	v10 =	vmov v23;
	v9 =	vmov v24;
	v26 =	vmov v25  }
.LBB2_61:
.Ltmp64:
0x4f5: {  	(pc) =	sbr.rel .LBB2_64-.Ltmp64, $4  }
0x4f6: {  	_ = 	snop  }
0x4f7: {  	v40 =	vmov v13  }
0x4f8: {  	v42 =	vmovc v11;
	v41 =	vmovc v12;
	v44 =	vmov v10;
	v43 =	vmov v9;
	v13 =	vmov v33  }
0x4f9: {  	v11 =	vmovc v30;
	v12 =	vmovc v28;
	v10 =	vmov v24;
	v9 =	vmov v25;
	v27 =	vmov v26  }
.LBB2_67:
.Ltmp65:
0x4fa: {  	(pc) =	sbr.rel .LBB2_70-.Ltmp65, $4  }
0x4fb: {  	_ = 	snop  }
0x4fc: {  	v39 =	vmov v13  }
0x4fd: {  	v41 =	vmovc v11;
	v40 =	vmovc v12;
	v43 =	vmov v10;
	v42 =	vmov v9;
	v13 =	vmov v31  }
0x4fe: {  	v11 =	vmovc v28;
	v12 =	vmovc v27;
	v10 =	vmov v23;
	v9 =	vmov v24;
	v26 =	vmov v25  }
.LBB2_73:
.Ltmp66:
0x4ff: {  	(pc) =	sbr.rel .LBB2_76-.Ltmp66, $4  }
0x500: {  	_ = 	snop  }
0x501: {  	v40 =	vmov v13  }
0x502: {  	v42 =	vmovc v11;
	v41 =	vmovc v12;
	v44 =	vmov v10;
	v43 =	vmov v9;
	v13 =	vmov v33  }
0x503: {  	v11 =	vmovc v30;
	v12 =	vmovc v28;
	v10 =	vmov v24;
	v9 =	vmov v25;
	v27 =	vmov v26  }
.LBB2_79:
.Ltmp67:
0x504: {  	(pc) =	sbr.rel .LBB2_82-.Ltmp67, $4  }
0x505: {  	_ = 	snop  }
0x506: {  	v39 =	vmov v10  }
0x507: {  	v41 =	vmovc v11;
	v40 =	vmovc v12;
	v43 =	vmov v8;
	v42 =	vmov v9;
	v10 =	vmov v31  }
0x508: {  	v11 =	vmovc v28;
	v12 =	vmovc v27;
	v8 =	vmov v23;
	v9 =	vmov v24;
	v26 =	vmov v25  }
.LBB2_84:
0x509: {  	_ =	sfence.sel $0x180000  }
0x50a: {  	[bflag:$0x0] =	sbarrier.arrive $0xFFFF  }
0x50b: {  	p0 =	sne.s32 s3, $0x0;
	_ =	strace $0x90000047  }
0x50c: {  	s0 =	sadd.s32 @!p0 $0x100000, s0;
	[bflag:$0x2] =	sbarrier.arrive $0xFFFF  }
0x50d: {  	[sflag:s0] =	ssyncadd.tile.s32 @!p0 $0x1;
	_ =	shalt  }
.Lfunc_end2:
_tile_overlayer_lowered:
.L_overlay_start_2:
0x50e: {  	(tag) =	ssettag $0x2  }
0x50f: {  	s0 =	rddreg [dreg:$0x0];
	s2 =	stileid.u32  }
0x510: {  	s1 =	rddreg [dreg:$0x1];
	p0 =	sne.s32 s2, $0x0  }
0x511: {  	s3 =	rddreg [dreg:$0x2];
	[bflag:$0x3] =	sbarrier.arrive $0xFFFF;
	s2 =	simm.s32 @!p0 $0x1C04  }
0x512: {  	[timem:s3], [sflag:s2] =	dma.local @!p0 [hbm:s0], s1  }
0x513: {  	s0 =	simm.s32 @!p0 $0x4  }
0x514: {  	_ =	swait.ge @!p0 [sflag:s0], s1  }
0x515: {  	s1 =	ssub.s32 @!p0 $0x0, s1;
	[sflag:s0] =	ssyncset.done @!p0 $0x0  }
0x516: {  	[sflag:s0] =	ssyncadd.s32 @!p0 s1  }
0x517: {  	[bflag:$0x3] =	sbarrier.arrive $0xFFFF  }
0x518: {  	_ =	shalt  }

</sc_bundles>
